<compile_context>
chip_gen: v7x
topology: tpu7x:2x2x1
jax: 0.10.2.dev20260603
libtpu: 0.0.44.dev20260713+nightly
codegen_flags: <defaults>
</compile_context>

<pallas_src>
import functools

import jax
import jax.numpy as jnp
from jax import lax
from jax.experimental import pallas as pl
from jax.experimental.pallas import tpu as pltpu
from jax.experimental.pallas import tpu_sc as plsc

_N = 10000
_E = 320000
_D = 128
_EPS = 1e-5

_NC = 2
_NS = 16
_NW = _NC * _NS

_CHUNK = 80
_NCHUNK = 125
_EPT = _CHUNK * _NCHUNK
_EPAD = _EPT * _NW
_SHIFT = 14
_MASK = (1 << _SHIFT) - 1

_NP = 10112
_ROWS_PER_SUB = _NP // _NS
_PAD_ROW = 10015

_NPD = 10240
_DEG_PER_SUB = _NPD // _NS
_DCHUNK = 64
_DNCHUNK = 160
_DEPT = _DCHUNK * _DNCHUNK
_DEPAD = _DEPT * _NW

_mesh = plsc.VectorSubcoreMesh(core_axis_name="c", subcore_axis_name="s")


def _unpack(pk_v, j, sidx, didx, row):
    for i in range(_CHUNK // 16):
        p = pk_v[j, pl.ds(i * 16, 16)]
        sidx[row, pl.ds(i * 16, 16)] = lax.shift_right_logical(p, _SHIFT)
        didx[row, pl.ds(i * 16, 16)] = lax.bitwise_and(p, _MASK)


@functools.partial(
    pl.kernel,
    out_type=jax.ShapeDtypeStruct((_NC, _NPD), jnp.float32),
    mesh=_mesh,
    scratch_types=[
        pltpu.VMEM_SHARED((_NPD,), jnp.float32),
        pltpu.VMEM((_DNCHUNK // 2, _DCHUNK), jnp.int32),
        pltpu.VMEM((_DCHUNK,), jnp.float32),
    ],
)
def _sc_degree(dstp_hbm, zeros_hbm, ones_hbm, out_hbm, dacc, dst_v, ones_v):
    cid = lax.axis_index("c")
    sid = lax.axis_index("s")
    wid = sid * _NC + cid
    half = _DNCHUNK // 2

    pltpu.sync_copy(ones_hbm, ones_v)
    pltpu.sync_copy(zeros_hbm, dacc.at[pl.ds(sid * _DEG_PER_SUB, _DEG_PER_SUB)])
    plsc.subcore_barrier()

    def chunk(j, carry):
        pltpu.sync_copy(ones_v, dacc.at[dst_v.at[j]], add=True)
        return carry

    for h in range(2):
        pltpu.sync_copy(dstp_hbm.at[wid].at[pl.ds(h * half, half)], dst_v)
        lax.fori_loop(0, half, chunk, 0)
    plsc.subcore_barrier()
    pltpu.sync_copy(
        dacc.at[pl.ds(sid * _DEG_PER_SUB, _DEG_PER_SUB)],
        out_hbm.at[cid].at[pl.ds(sid * _DEG_PER_SUB, _DEG_PER_SUB)],
    )


@functools.partial(
    pl.kernel,
    out_type=jax.ShapeDtypeStruct((_NC, _NP, _D), jnp.float32),
    mesh=_mesh,
    scratch_types=[
        pltpu.VMEM_SHARED((_NP, _D), jnp.float32),
        pltpu.VMEM((_NCHUNK, _CHUNK), jnp.int32),
        pltpu.VMEM((2, _CHUNK), jnp.int32),
        pltpu.VMEM((2, _CHUNK), jnp.int32),
        pltpu.VMEM((_CHUNK, _D), jnp.float32),
        pltpu.VMEM((_CHUNK, _D), jnp.float32),
        pltpu.SemaphoreType.DMA,
        pltpu.SemaphoreType.DMA,
    ],
)
def _sc_scatter(z_hbm, pk_hbm, zeros_hbm, out_hbm,
                acc, pk_v, sidx, didx, rows0, rows1, sem0, sem1):
    cid = lax.axis_index("c")
    sid = lax.axis_index("s")
    wid = sid * _NC + cid

    pltpu.sync_copy(pk_hbm.at[wid], pk_v)
    pltpu.sync_copy(zeros_hbm, acc.at[pl.ds(sid * _ROWS_PER_SUB, _ROWS_PER_SUB)])
    plsc.subcore_barrier()

    def gather(j, b, buf, sem):
        _unpack(pk_v, j, sidx, didx, b)
        pltpu.make_async_copy(z_hbm.at[sidx.at[b]], buf, sem).start()

    def wait(b, buf, sem):
        pltpu.make_async_copy(z_hbm.at[sidx.at[b]], buf, sem).wait()

    def scatter(b, buf):
        pltpu.sync_copy(buf, acc.at[didx.at[b]], add=True)

    gather(0, 0, rows0, sem0)

    def pair(s, carry):
        j1 = 2 * s + 1
        gather(j1, 1, rows1, sem1)
        wait(0, rows0, sem0)
        scatter(0, rows0)
        gather(j1 + 1, 0, rows0, sem0)
        wait(1, rows1, sem1)
        scatter(1, rows1)
        return carry

    lax.fori_loop(0, (_NCHUNK - 1) // 2, pair, 0)
    wait(0, rows0, sem0)
    scatter(0, rows0)
    plsc.subcore_barrier()
    pltpu.sync_copy(
        acc.at[pl.ds(sid * _ROWS_PER_SUB, _ROWS_PER_SUB)],
        out_hbm.at[cid].at[pl.ds(sid * _ROWS_PER_SUB, _ROWS_PER_SUB)],
    )


_BLK = 1000
_NBLK = _N // _BLK

_row_spec = pl.BlockSpec((_BLK, _D), lambda i: (i, 0))
_col_spec = pl.BlockSpec((_BLK, 1), lambda i: (i, 0))
_w_spec = pl.BlockSpec((_D, _D), lambda i: (0, 0))
_v_spec = pl.BlockSpec((1, _D), lambda i: (0, 0))
_s_spec = pl.BlockSpec((_NC, _BLK, _D), lambda i: (0, i, 0))


def _tc_in_body(x_ref, w_ref, dinv_ref, o_ref):
    o_ref[...] = jnp.dot(dinv_ref[...] * x_ref[...], w_ref[...],
                         preferred_element_type=jnp.float32)


_tc_in = pl.pallas_call(
    _tc_in_body,
    grid=(_NBLK,),
    in_specs=[_row_spec, _w_spec, _col_spec],
    out_specs=_row_spec,
    out_shape=jax.ShapeDtypeStruct((_N, _D), jnp.float32),
)


def _tc_mid_body(s_ref, u_ref, dinv_ref, b_ref, g_ref, be_ref, w_ref, o_ref):
    dinv = dinv_ref[...]
    t = s_ref[0] + s_ref[1] + u_ref[...]
    z = dinv * t + b_ref[...]
    y = jnp.maximum(z * g_ref[...] + be_ref[...], 0.0)
    o_ref[...] = jnp.dot(dinv * y, w_ref[...], preferred_element_type=jnp.float32)


_tc_mid = pl.pallas_call(
    _tc_mid_body,
    grid=(_NBLK,),
    in_specs=[_s_spec, _row_spec, _col_spec, _v_spec, _v_spec, _v_spec, _w_spec],
    out_specs=_row_spec,
    out_shape=jax.ShapeDtypeStruct((_N, _D), jnp.float32),
)


def _tc_out_body(s_ref, u_ref, dinv_ref, b_ref, g_ref, be_ref, w_ref, rob_ref, o_ref):
    t = s_ref[0] + s_ref[1] + u_ref[...]
    z = dinv_ref[...] * t + b_ref[...]
    y = jnp.maximum(z * g_ref[...] + be_ref[...], 0.0)
    o_ref[...] = jnp.dot(y, w_ref[...], preferred_element_type=jnp.float32) + rob_ref[...]


_tc_out = pl.pallas_call(
    _tc_out_body,
    grid=(_NBLK,),
    in_specs=[_s_spec, _row_spec, _col_spec, _v_spec, _v_spec, _v_spec, _w_spec, _v_spec],
    out_specs=_row_spec,
    out_shape=jax.ShapeDtypeStruct((_N, _D), jnp.float32),
)


def kernel(x, edge_index, W0, b0, g0, be0, W1, b1, g1, be1, W2, b2, g2, be2, roW, rob):
    src = edge_index[0]
    dst = edge_index[1]
    packed = ((src << _SHIFT) | dst).reshape(_NW, _NCHUNK, _CHUNK)
    dstp = jnp.concatenate(
        [dst, jnp.full((_DEPAD - _E,), _PAD_ROW, jnp.int32)]
    ).reshape(_NW, _DNCHUNK, _DCHUNK)

    zeros_deg = jnp.zeros((_DEG_PER_SUB,), jnp.float32)
    ones_deg = jnp.ones((_DCHUNK,), jnp.float32)
    zeros_acc = jnp.zeros((_ROWS_PER_SUB, _D), jnp.float32)

    degp = _sc_degree(dstp, zeros_deg, ones_deg)
    deg = degp[0, :_N] + degp[1, :_N] + 1.0
    dinv = (deg ** -0.5).reshape(_N, 1)

    bn_scale = 1.0 / jnp.sqrt(1.0 + _EPS)
    row = lambda v: v.reshape(1, _D)
    g0s, g1s, g2s = row(g0) * bn_scale, row(g1) * bn_scale, row(g2) * bn_scale

    u = _tc_in(x, W0, dinv)
    s = _sc_scatter(u, packed, zeros_acc)
    u = _tc_mid(s, u, dinv, row(b0), g0s, row(be0), W1)
    s = _sc_scatter(u, packed, zeros_acc)
    u = _tc_mid(s, u, dinv, row(b1), g1s, row(be1), W2)
    s = _sc_scatter(u, packed, zeros_acc)
    return _tc_out(s, u, dinv, row(b2), g2s, row(be2), roW, row(rob))

# --- scband reference (transcript-rebuilt; emitter-appended) ---
"""Pipeline reference for scband-standard-gnn-60962765799636 (READ-ONLY COPY).

The authoritative reference and input builder live on the scoring server;
editing this copy changes nothing except your own understanding.
"""

import jax, jax.numpy as jnp
import numpy as np

N = 10000
E = 320000
D = 128
H = 128
O = 128
EPS = 1e-5


def _gcn_norm(edge_index, n):
    src = edge_index[0]
    dst = edge_index[1]
    loop = jnp.arange(n, dtype=src.dtype)
    src = jnp.concatenate([src, loop])
    dst = jnp.concatenate([dst, loop])
    deg = jax.ops.segment_sum(jnp.ones(src.shape[0], jnp.float32), dst, num_segments=n)
    dinv = jnp.where(deg > 0, deg ** -0.5, 0.0)
    norm = dinv[src] * dinv[dst]
    return src, dst, norm


def _gcn_layer(x, src, dst, norm, W, b, n):
    h = x @ W
    msg = h[src] * norm[:, None]
    out = jax.ops.segment_sum(msg, dst, num_segments=n)
    return out + b


def _bn_eval(x, g, b):
    # BatchNorm1d in eval mode with fresh running stats (mean=0, var=1)
    return x / jnp.sqrt(1.0 + EPS) * g + b


def setup_inputs(seed: int = 0):
    key = jax.random.key(seed)
    ks = jax.random.split(key, 8)
    x = jax.random.normal(ks[0], (N, D), dtype=jnp.float32)
    edge_index = jax.random.randint(ks[1], (2, E), 0, N, dtype=jnp.int32)
    W0 = jax.random.normal(ks[2], (D, H), dtype=jnp.float32) / np.sqrt(D)
    b0 = jnp.zeros((H,), jnp.float32)
    W1 = jax.random.normal(ks[3], (H, H), dtype=jnp.float32) / np.sqrt(H)
    b1 = jnp.zeros((H,), jnp.float32)
    W2 = jax.random.normal(ks[4], (H, H), dtype=jnp.float32) / np.sqrt(H)
    b2 = jnp.zeros((H,), jnp.float32)
    g0 = jnp.ones((H,), jnp.float32)
    be0 = jnp.zeros((H,), jnp.float32)
    g1 = jnp.ones((H,), jnp.float32)
    be1 = jnp.zeros((H,), jnp.float32)
    g2 = jnp.ones((H,), jnp.float32)
    be2 = jnp.zeros((H,), jnp.float32)
    roW = jax.random.normal(ks[5], (H, O), dtype=jnp.float32) / np.sqrt(H)
    rob = jnp.zeros((O,), jnp.float32)
    return {"x": x, "edge_index": edge_index, "W0": W0, "b0": b0, "g0": g0, "be0": be0, "W1": W1, "b1": b1, "g1": g1, "be1": be1, "W2": W2, "b2": b2, "g2": g2, "be2": be2, "roW": roW, "rob": rob}


def reference(x, edge_index, W0, b0, g0, be0, W1, b1, g1, be1, W2, b2, g2, be2, roW, rob):
    src, dst, norm = _gcn_norm(edge_index, N)
    h = x
    for (W, b, g, be) in ((W0, b0, g0, be0), (W1, b1, g1, be1), (W2, b2, g2, be2)):
        h = _gcn_layer(h, src, dst, norm, W, b, N)
        h = _bn_eval(h, g, be)
        h = jax.nn.relu(h)
        # dropout is identity in eval mode
    return h @ roW + rob

if __name__ == "__main__":
    import jax
    _d = setup_inputs()
    print(jax.jit(kernel)(*tuple(_d.values())))

</pallas_src>

<mosaic_0001>
#map = affine_map<(d0, d1) -> (0, 0)>
#map1 = affine_map<(d0, d1) -> (0, 0, 0)>
module attributes {stable_mosaic.version = 14 : i64} {
  func.func @_sc_scatter(%arg0: i32, %arg1: i32, %arg2: memref<10000x128xf32, #tpu.memory_space<hbm>>, %arg3: memref<32x125x80xi32, #tpu.memory_space<hbm>>, %arg4: memref<632x128xf32, #tpu.memory_space<hbm>>, %arg5: memref<2x10112x128xf32, #tpu.memory_space<hbm>>, %arg6: memref<10112x128xf32, #tpu.memory_space<vmem_shared>>, %arg7: memref<125x80xi32, #tpu.memory_space<vmem>>, %arg8: memref<2x80xi32, #tpu.memory_space<vmem>>, %arg9: memref<2x80xi32, #tpu.memory_space<vmem>>, %arg10: memref<80x128xf32, #tpu.memory_space<vmem>>, %arg11: memref<80x128xf32, #tpu.memory_space<vmem>>, %arg12: memref<!tpu.dma_semaphore, #tpu.memory_space<semaphore_mem>>, %arg13: memref<!tpu.dma_semaphore, #tpu.memory_space<semaphore_mem>>) attributes {dimension_semantics = [#tpu.dimension_semantics<core_parallel>, #tpu.dimension_semantics<subcore_parallel>], iteration_bounds = array<i64: 2, 16>, scalar_prefetch = 0 : i64, scratch_operands = 8 : i64, tpu.core_type = #tpu.core_type<sc_vector_subcore>, window_params = [{transform_indices = #map}, {transform_indices = #map1}, {transform_indices = #map}, {transform_indices = #map1}]} {
    %mul3A = arith.constant 2 : i32
    %mul3A_0 = arith.muli %arg1, %mul3A : i32
    %add3A = arith.addi %mul3A_0, %arg0 : i32
    "tpu.region"() ({
      %run_scoped3A_136 = tpu.sem_alloc : memref<!tpu.dma_semaphore, #tpu.memory_space<semaphore_mem>>
      %dma_start3A_137 = arith.constant 0 : i32
      %dma_start3A_138 = arith.constant 0 : i32
      %dma_start3A_139 = tpu.memref_slice %arg3[%add3A, %dma_start3A_137, %dma_start3A_138] : memref<32x125x80xi32, #tpu.memory_space<hbm>> -> memref<1x125x80xi32, #tpu.memory_space<hbm>>
      %dma_start3A_140 = tpu.memref_squeeze %dma_start3A_139 : memref<1x125x80xi32, #tpu.memory_space<hbm>> -> memref<125x80xi32, #tpu.memory_space<hbm>>
      %dma_start3A_141 = arith.constant 0 : i32
      %dma_start3A_142 = arith.constant 0 : i32
      %dma_start3A_143 = tpu.memref_slice %arg3[%add3A, %dma_start3A_141, %dma_start3A_142] : memref<32x125x80xi32, #tpu.memory_space<hbm>> -> memref<1x125x80xi32, #tpu.memory_space<hbm>>
      %dma_start3A_144 = tpu.memref_squeeze %dma_start3A_143 : memref<1x125x80xi32, #tpu.memory_space<hbm>> -> memref<125x80xi32, #tpu.memory_space<hbm>>
      tpu.enqueue_dma source(%dma_start3A_144 : memref<125x80xi32, #tpu.memory_space<hbm>>) target(%arg7 : memref<125x80xi32, #tpu.memory_space<vmem>>) target_semaphore(%run_scoped3A_136 : memref<!tpu.dma_semaphore, #tpu.memory_space<semaphore_mem>>)
      %dma_wait3A_145 = arith.constant 0 : i32
      %dma_wait3A_146 = arith.constant 0 : i32
      %dma_wait3A_147 = tpu.memref_slice %arg3[%add3A, %dma_wait3A_145, %dma_wait3A_146] : memref<32x125x80xi32, #tpu.memory_space<hbm>> -> memref<1x125x80xi32, #tpu.memory_space<hbm>>
      %dma_wait3A_148 = tpu.memref_squeeze %dma_wait3A_147 : memref<1x125x80xi32, #tpu.memory_space<hbm>> -> memref<125x80xi32, #tpu.memory_space<hbm>>
      %dma_wait3A_149 = arith.constant 0 : i32
      %dma_wait3A_150 = arith.constant 0 : i32
      %dma_wait3A_151 = tpu.memref_slice %arg3[%add3A, %dma_wait3A_149, %dma_wait3A_150] : memref<32x125x80xi32, #tpu.memory_space<hbm>> -> memref<1x125x80xi32, #tpu.memory_space<hbm>>
      %dma_wait3A_152 = tpu.memref_squeeze %dma_wait3A_151 : memref<1x125x80xi32, #tpu.memory_space<hbm>> -> memref<125x80xi32, #tpu.memory_space<hbm>>
      tpu.wait_dma2 semaphore(%run_scoped3A_136 : memref<!tpu.dma_semaphore, #tpu.memory_space<semaphore_mem>>) src(%dma_wait3A_152 : memref<125x80xi32, #tpu.memory_space<hbm>>) dst(%arg7 : memref<125x80xi32, #tpu.memory_space<vmem>>)
      tpu.yield
    }) : () -> ()
    %mul3A_1 = arith.constant 632 : i32
    %mul3A_2 = arith.muli %arg1, %mul3A_1 : i32
    "tpu.region"() ({
      %run_scoped3A_136 = tpu.sem_alloc : memref<!tpu.dma_semaphore, #tpu.memory_space<semaphore_mem>>
      %dma_start3A_137 = arith.constant 0 : i32
      %dma_start3A_138 = tpu.memref_slice %arg6[%mul3A_2, %dma_start3A_137] : memref<10112x128xf32, #tpu.memory_space<vmem_shared>> -> memref<632x128xf32, #tpu.memory_space<vmem_shared>>
      tpu.enqueue_dma source(%arg4 : memref<632x128xf32, #tpu.memory_space<hbm>>) target(%dma_start3A_138 : memref<632x128xf32, #tpu.memory_space<vmem_shared>>) target_semaphore(%run_scoped3A_136 : memref<!tpu.dma_semaphore, #tpu.memory_space<semaphore_mem>>)
      %dma_wait3A_139 = arith.constant 0 : i32
      %dma_wait3A_140 = tpu.memref_slice %arg6[%mul3A_2, %dma_wait3A_139] : memref<10112x128xf32, #tpu.memory_space<vmem_shared>> -> memref<632x128xf32, #tpu.memory_space<vmem_shared>>
      tpu.wait_dma2 semaphore(%run_scoped3A_136 : memref<!tpu.dma_semaphore, #tpu.memory_space<semaphore_mem>>) src(%arg4 : memref<632x128xf32, #tpu.memory_space<hbm>>) dst(%dma_wait3A_140 : memref<632x128xf32, #tpu.memory_space<vmem_shared>>)
      tpu.yield
    }) : () -> ()
    %barrier3A = arith.constant 0 : index
    tpu.barrier barrier_id(%barrier3A)
    %get3A = arith.constant 0 : i32
    %get3A_3 = arith.index_cast %get3A : i32 to index
    %get3A_4 = arith.constant 0 : index
    %get3A_5 = tpu.vector_load %arg7[%get3A_3, %get3A_4] {strides = array<i32>} : memref<125x80xi32, #tpu.memory_space<vmem>>, vector<1x16xi32>,
    %get3A_6 = vector.shape_cast %get3A_5 : vector<1x16xi32> to vector<16xi32>
    %shift_right_logical3A = arith.constant 14 : i32
    %shift_right_logical3A_7 = vector.broadcast %shift_right_logical3A : i32 to vector<16xi32>
    %shift_right_logical3A_8 = arith.shrui %get3A_6, %shift_right_logical3A_7 : vector<16xi32>
    %swap3A = arith.constant 0 : i32
    %swap3A_9 = arith.index_cast %swap3A : i32 to index
    %swap3A_10 = arith.constant 0 : index
    %swap3A_11 = tpu.vector_load %arg8[%swap3A_9, %swap3A_10] {strides = array<i32>} : memref<2x80xi32, #tpu.memory_space<vmem>>, vector<1x16xi32>,
    %swap3A_12 = vector.shape_cast %swap3A_11 : vector<1x16xi32> to vector<16xi32>
    %swap3A_13 = vector.shape_cast %shift_right_logical3A_8 : vector<16xi32> to vector<1x16xi32>
    tpu.vector_store %arg8[%swap3A_9, %swap3A_10], %swap3A_13 {strides = array<i32>} : memref<2x80xi32, #tpu.memory_space<vmem>>, vector<1x16xi32>,
    %and3A = arith.constant 16383 : i32
    %and3A_14 = vector.broadcast %and3A : i32 to vector<16xi32>
    %and3A_15 = arith.andi %get3A_6, %and3A_14 : vector<16xi32>
    %swap3A_16 = arith.constant 0 : i32
    %swap3A_17 = arith.index_cast %swap3A_16 : i32 to index
    %swap3A_18 = arith.constant 0 : index
    %swap3A_19 = tpu.vector_load %arg9[%swap3A_17, %swap3A_18] {strides = array<i32>} : memref<2x80xi32, #tpu.memory_space<vmem>>, vector<1x16xi32>,
    %swap3A_20 = vector.shape_cast %swap3A_19 : vector<1x16xi32> to vector<16xi32>
    %swap3A_21 = vector.shape_cast %and3A_15 : vector<16xi32> to vector<1x16xi32>
    tpu.vector_store %arg9[%swap3A_17, %swap3A_18], %swap3A_21 {strides = array<i32>} : memref<2x80xi32, #tpu.memory_space<vmem>>, vector<1x16xi32>,
    %get3A_22 = arith.constant 0 : i32
    %get3A_23 = arith.index_cast %get3A_22 : i32 to index
    %get3A_24 = arith.constant 16 : index
    %get3A_25 = tpu.vector_load %arg7[%get3A_23, %get3A_24] {strides = array<i32>} : memref<125x80xi32, #tpu.memory_space<vmem>>, vector<1x16xi32>,
    %get3A_26 = vector.shape_cast %get3A_25 : vector<1x16xi32> to vector<16xi32>
    %shift_right_logical3A_27 = arith.constant 14 : i32
    %shift_right_logical3A_28 = vector.broadcast %shift_right_logical3A_27 : i32 to vector<16xi32>
    %shift_right_logical3A_29 = arith.shrui %get3A_26, %shift_right_logical3A_28 : vector<16xi32>
    %swap3A_30 = arith.constant 0 : i32
    %swap3A_31 = arith.index_cast %swap3A_30 : i32 to index
    %swap3A_32 = arith.constant 16 : index
    %swap3A_33 = tpu.vector_load %arg8[%swap3A_31, %swap3A_32] {strides = array<i32>} : memref<2x80xi32, #tpu.memory_space<vmem>>, vector<1x16xi32>,
    %swap3A_34 = vector.shape_cast %swap3A_33 : vector<1x16xi32> to vector<16xi32>
    %swap3A_35 = vector.shape_cast %shift_right_logical3A_29 : vector<16xi32> to vector<1x16xi32>
    tpu.vector_store %arg8[%swap3A_31, %swap3A_32], %swap3A_35 {strides = array<i32>} : memref<2x80xi32, #tpu.memory_space<vmem>>, vector<1x16xi32>,
    %and3A_36 = arith.constant 16383 : i32
    %and3A_37 = vector.broadcast %and3A_36 : i32 to vector<16xi32>
    %and3A_38 = arith.andi %get3A_26, %and3A_37 : vector<16xi32>
    %swap3A_39 = arith.constant 0 : i32
    %swap3A_40 = arith.index_cast %swap3A_39 : i32 to index
    %swap3A_41 = arith.constant 16 : index
    %swap3A_42 = tpu.vector_load %arg9[%swap3A_40, %swap3A_41] {strides = array<i32>} : memref<2x80xi32, #tpu.memory_space<vmem>>, vector<1x16xi32>,
    %swap3A_43 = vector.shape_cast %swap3A_42 : vector<1x16xi32> to vector<16xi32>
    %swap3A_44 = vector.shape_cast %and3A_38 : vector<16xi32> to vector<1x16xi32>
    tpu.vector_store %arg9[%swap3A_40, %swap3A_41], %swap3A_44 {strides = array<i32>} : memref<2x80xi32, #tpu.memory_space<vmem>>, vector<1x16xi32>,
    %get3A_45 = arith.constant 0 : i32
    %get3A_46 = arith.index_cast %get3A_45 : i32 to index
    %get3A_47 = arith.constant 32 : index
    %get3A_48 = tpu.vector_load %arg7[%get3A_46, %get3A_47] {strides = array<i32>} : memref<125x80xi32, #tpu.memory_space<vmem>>, vector<1x16xi32>,
    %get3A_49 = vector.shape_cast %get3A_48 : vector<1x16xi32> to vector<16xi32>
    %shift_right_logical3A_50 = arith.constant 14 : i32
    %shift_right_logical3A_51 = vector.broadcast %shift_right_logical3A_50 : i32 to vector<16xi32>
    %shift_right_logical3A_52 = arith.shrui %get3A_49, %shift_right_logical3A_51 : vector<16xi32>
    %swap3A_53 = arith.constant 0 : i32
    %swap3A_54 = arith.index_cast %swap3A_53 : i32 to index
    %swap3A_55 = arith.constant 32 : index
    %swap3A_56 = tpu.vector_load %arg8[%swap3A_54, %swap3A_55] {strides = array<i32>} : memref<2x80xi32, #tpu.memory_space<vmem>>, vector<1x16xi32>,
    %swap3A_57 = vector.shape_cast %swap3A_56 : vector<1x16xi32> to vector<16xi32>
    %swap3A_58 = vector.shape_cast %shift_right_logical3A_52 : vector<16xi32> to vector<1x16xi32>
    tpu.vector_store %arg8[%swap3A_54, %swap3A_55], %swap3A_58 {strides = array<i32>} : memref<2x80xi32, #tpu.memory_space<vmem>>, vector<1x16xi32>,
    %and3A_59 = arith.constant 16383 : i32
    %and3A_60 = vector.broadcast %and3A_59 : i32 to vector<16xi32>
    %and3A_61 = arith.andi %get3A_49, %and3A_60 : vector<16xi32>
    %swap3A_62 = arith.constant 0 : i32
    %swap3A_63 = arith.index_cast %swap3A_62 : i32 to index
    %swap3A_64 = arith.constant 32 : index
    %swap3A_65 = tpu.vector_load %arg9[%swap3A_63, %swap3A_64] {strides = array<i32>} : memref<2x80xi32, #tpu.memory_space<vmem>>, vector<1x16xi32>,
    %swap3A_66 = vector.shape_cast %swap3A_65 : vector<1x16xi32> to vector<16xi32>
    %swap3A_67 = vector.shape_cast %and3A_61 : vector<16xi32> to vector<1x16xi32>
    tpu.vector_store %arg9[%swap3A_63, %swap3A_64], %swap3A_67 {strides = array<i32>} : memref<2x80xi32, #tpu.memory_space<vmem>>, vector<1x16xi32>,
    %get3A_68 = arith.constant 0 : i32
    %get3A_69 = arith.index_cast %get3A_68 : i32 to index
    %get3A_70 = arith.constant 48 : index
    %get3A_71 = tpu.vector_load %arg7[%get3A_69, %get3A_70] {strides = array<i32>} : memref<125x80xi32, #tpu.memory_space<vmem>>, vector<1x16xi32>,
    %get3A_72 = vector.shape_cast %get3A_71 : vector<1x16xi32> to vector<16xi32>
    %shift_right_logical3A_73 = arith.constant 14 : i32
    %shift_right_logical3A_74 = vector.broadcast %shift_right_logical3A_73 : i32 to vector<16xi32>
    %shift_right_logical3A_75 = arith.shrui %get3A_72, %shift_right_logical3A_74 : vector<16xi32>
    %swap3A_76 = arith.constant 0 : i32
    %swap3A_77 = arith.index_cast %swap3A_76 : i32 to index
    %swap3A_78 = arith.constant 48 : index
    %swap3A_79 = tpu.vector_load %arg8[%swap3A_77, %swap3A_78] {strides = array<i32>} : memref<2x80xi32, #tpu.memory_space<vmem>>, vector<1x16xi32>,
    %swap3A_80 = vector.shape_cast %swap3A_79 : vector<1x16xi32> to vector<16xi32>
    %swap3A_81 = vector.shape_cast %shift_right_logical3A_75 : vector<16xi32> to vector<1x16xi32>
    tpu.vector_store %arg8[%swap3A_77, %swap3A_78], %swap3A_81 {strides = array<i32>} : memref<2x80xi32, #tpu.memory_space<vmem>>, vector<1x16xi32>,
    %and3A_82 = arith.constant 16383 : i32
    %and3A_83 = vector.broadcast %and3A_82 : i32 to vector<16xi32>
    %and3A_84 = arith.andi %get3A_72, %and3A_83 : vector<16xi32>
    %swap3A_85 = arith.constant 0 : i32
    %swap3A_86 = arith.index_cast %swap3A_85 : i32 to index
    %swap3A_87 = arith.constant 48 : index
    %swap3A_88 = tpu.vector_load %arg9[%swap3A_86, %swap3A_87] {strides = array<i32>} : memref<2x80xi32, #tpu.memory_space<vmem>>, vector<1x16xi32>,
    %swap3A_89 = vector.shape_cast %swap3A_88 : vector<1x16xi32> to vector<16xi32>
    %swap3A_90 = vector.shape_cast %and3A_84 : vector<16xi32> to vector<1x16xi32>
    tpu.vector_store %arg9[%swap3A_86, %swap3A_87], %swap3A_90 {strides = array<i32>} : memref<2x80xi32, #tpu.memory_space<vmem>>, vector<1x16xi32>,
    %get3A_91 = arith.constant 0 : i32
    %get3A_92 = arith.index_cast %get3A_91 : i32 to index
    %get3A_93 = arith.constant 64 : index
    %get3A_94 = tpu.vector_load %arg7[%get3A_92, %get3A_93] {strides = array<i32>} : memref<125x80xi32, #tpu.memory_space<vmem>>, vector<1x16xi32>,
    %get3A_95 = vector.shape_cast %get3A_94 : vector<1x16xi32> to vector<16xi32>
    %shift_right_logical3A_96 = arith.constant 14 : i32
    %shift_right_logical3A_97 = vector.broadcast %shift_right_logical3A_96 : i32 to vector<16xi32>
    %shift_right_logical3A_98 = arith.shrui %get3A_95, %shift_right_logical3A_97 : vector<16xi32>
    %swap3A_99 = arith.constant 0 : i32
    %swap3A_100 = arith.index_cast %swap3A_99 : i32 to index
    %swap3A_101 = arith.constant 64 : index
    %swap3A_102 = tpu.vector_load %arg8[%swap3A_100, %swap3A_101] {strides = array<i32>} : memref<2x80xi32, #tpu.memory_space<vmem>>, vector<1x16xi32>,
    %swap3A_103 = vector.shape_cast %swap3A_102 : vector<1x16xi32> to vector<16xi32>
    %swap3A_104 = vector.shape_cast %shift_right_logical3A_98 : vector<16xi32> to vector<1x16xi32>
    tpu.vector_store %arg8[%swap3A_100, %swap3A_101], %swap3A_104 {strides = array<i32>} : memref<2x80xi32, #tpu.memory_space<vmem>>, vector<1x16xi32>,
    %and3A_105 = arith.constant 16383 : i32
    %and3A_106 = vector.broadcast %and3A_105 : i32 to vector<16xi32>
    %and3A_107 = arith.andi %get3A_95, %and3A_106 : vector<16xi32>
    %swap3A_108 = arith.constant 0 : i32
    %swap3A_109 = arith.index_cast %swap3A_108 : i32 to index
    %swap3A_110 = arith.constant 64 : index
    %swap3A_111 = tpu.vector_load %arg9[%swap3A_109, %swap3A_110] {strides = array<i32>} : memref<2x80xi32, #tpu.memory_space<vmem>>, vector<1x16xi32>,
    %swap3A_112 = vector.shape_cast %swap3A_111 : vector<1x16xi32> to vector<16xi32>
    %swap3A_113 = vector.shape_cast %and3A_107 : vector<16xi32> to vector<1x16xi32>
    tpu.vector_store %arg9[%swap3A_109, %swap3A_110], %swap3A_113 {strides = array<i32>} : memref<2x80xi32, #tpu.memory_space<vmem>>, vector<1x16xi32>,
    %dma_start3A = arith.constant 0 : i32
    %dma_start3A_114 = arith.constant 0 : i32
    %dma_start3A_115 = tpu.memref_slice %arg8[%dma_start3A, %dma_start3A_114] : memref<2x80xi32, #tpu.memory_space<vmem>> -> memref<1x80xi32, #tpu.memory_space<vmem>>
    %dma_start3A_116 = tpu.memref_squeeze %dma_start3A_115 : memref<1x80xi32, #tpu.memory_space<vmem>> -> memref<80xi32, #tpu.memory_space<vmem>>
    %dma_start3A_117 = arith.constant 0 : i32
    %dma_start3A_118 = arith.constant 0 : i32
    %dma_start3A_119 = tpu.memref_slice %arg2[%dma_start3A_117, %dma_start3A_118] : memref<10000x128xf32, #tpu.memory_space<hbm>> -> memref<10000x128xf32, #tpu.memory_space<hbm>>
    tpu.enqueue_indirect_dma source(%dma_start3A_119 : memref<10000x128xf32, #tpu.memory_space<hbm>>) target(%arg10 : memref<80x128xf32, #tpu.memory_space<vmem>>) offsets(%dma_start3A_116 : memref<80xi32, #tpu.memory_space<vmem>>) semaphore(%arg12 : memref<!tpu.dma_semaphore, #tpu.memory_space<semaphore_mem>>)
    %scan3A = arith.constant 0 : i32
    %scan3A_120 = arith.constant 0 : i32
    %scan3A_121 = arith.constant 62 : i32
    %scan3A_122 = arith.addi %scan3A_120, %scan3A_121 : i32
    %scan3A_123 = arith.constant 1 : i32
    scf.for %scan3A_136 = %scan3A_120 to %scan3A_122 step %scan3A_123  : i32 {
      %mul3A_137 = arith.constant 2 : i32
      %mul3A_138 = arith.muli %mul3A_137, %scan3A_136 : i32
      %add3A_139 = arith.constant 1 : i32
      %add3A_140 = arith.addi %mul3A_138, %add3A_139 : i32
      %get3A_141 = arith.index_cast %add3A_140 : i32 to index
      %get3A_142 = arith.constant 0 : index
      %get3A_143 = tpu.vector_load %arg7[%get3A_141, %get3A_142] {strides = array<i32>} : memref<125x80xi32, #tpu.memory_space<vmem>>, vector<1x16xi32>,
      %get3A_144 = vector.shape_cast %get3A_143 : vector<1x16xi32> to vector<16xi32>
      %shift_right_logical3A_145 = arith.constant 14 : i32
      %shift_right_logical3A_146 = vector.broadcast %shift_right_logical3A_145 : i32 to vector<16xi32>
      %shift_right_logical3A_147 = arith.shrui %get3A_144, %shift_right_logical3A_146 : vector<16xi32>
      %swap3A_148 = arith.constant 1 : i32
      %swap3A_149 = arith.index_cast %swap3A_148 : i32 to index
      %swap3A_150 = arith.constant 0 : index
      %swap3A_151 = tpu.vector_load %arg8[%swap3A_149, %swap3A_150] {strides = array<i32>} : memref<2x80xi32, #tpu.memory_space<vmem>>, vector<1x16xi32>,
      %swap3A_152 = vector.shape_cast %swap3A_151 : vector<1x16xi32> to vector<16xi32>
      %swap3A_153 = vector.shape_cast %shift_right_logical3A_147 : vector<16xi32> to vector<1x16xi32>
      tpu.vector_store %arg8[%swap3A_149, %swap3A_150], %swap3A_153 {strides = array<i32>} : memref<2x80xi32, #tpu.memory_space<vmem>>, vector<1x16xi32>,
      %and3A_154 = arith.constant 16383 : i32
      %and3A_155 = vector.broadcast %and3A_154 : i32 to vector<16xi32>
      %and3A_156 = arith.andi %get3A_144, %and3A_155 : vector<16xi32>
      %swap3A_157 = arith.constant 1 : i32
      %swap3A_158 = arith.index_cast %swap3A_157 : i32 to index
      %swap3A_159 = arith.constant 0 : index
      %swap3A_160 = tpu.vector_load %arg9[%swap3A_158, %swap3A_159] {strides = array<i32>} : memref<2x80xi32, #tpu.memory_space<vmem>>, vector<1x16xi32>,
      %swap3A_161 = vector.shape_cast %swap3A_160 : vector<1x16xi32> to vector<16xi32>
      %swap3A_162 = vector.shape_cast %and3A_156 : vector<16xi32> to vector<1x16xi32>
      tpu.vector_store %arg9[%swap3A_158, %swap3A_159], %swap3A_162 {strides = array<i32>} : memref<2x80xi32, #tpu.memory_space<vmem>>, vector<1x16xi32>,
      %get3A_163 = arith.index_cast %add3A_140 : i32 to index
      %get3A_164 = arith.constant 16 : index
      %get3A_165 = tpu.vector_load %arg7[%get3A_163, %get3A_164] {strides = array<i32>} : memref<125x80xi32, #tpu.memory_space<vmem>>, vector<1x16xi32>,
      %get3A_166 = vector.shape_cast %get3A_165 : vector<1x16xi32> to vector<16xi32>
      %shift_right_logical3A_167 = arith.constant 14 : i32
      %shift_right_logical3A_168 = vector.broadcast %shift_right_logical3A_167 : i32 to vector<16xi32>
      %shift_right_logical3A_169 = arith.shrui %get3A_166, %shift_right_logical3A_168 : vector<16xi32>
      %swap3A_170 = arith.constant 1 : i32
      %swap3A_171 = arith.index_cast %swap3A_170 : i32 to index
      %swap3A_172 = arith.constant 16 : index
      %swap3A_173 = tpu.vector_load %arg8[%swap3A_171, %swap3A_172] {strides = array<i32>} : memref<2x80xi32, #tpu.memory_space<vmem>>, vector<1x16xi32>,
      %swap3A_174 = vector.shape_cast %swap3A_173 : vector<1x16xi32> to vector<16xi32>
      %swap3A_175 = vector.shape_cast %shift_right_logical3A_169 : vector<16xi32> to vector<1x16xi32>
      tpu.vector_store %arg8[%swap3A_171, %swap3A_172], %swap3A_175 {strides = array<i32>} : memref<2x80xi32, #tpu.memory_space<vmem>>, vector<1x16xi32>,
      %and3A_176 = arith.constant 16383 : i32
      %and3A_177 = vector.broadcast %and3A_176 : i32 to vector<16xi32>
      %and3A_178 = arith.andi %get3A_166, %and3A_177 : vector<16xi32>
      %swap3A_179 = arith.constant 1 : i32
      %swap3A_180 = arith.index_cast %swap3A_179 : i32 to index
      %swap3A_181 = arith.constant 16 : index
      %swap3A_182 = tpu.vector_load %arg9[%swap3A_180, %swap3A_181] {strides = array<i32>} : memref<2x80xi32, #tpu.memory_space<vmem>>, vector<1x16xi32>,
      %swap3A_183 = vector.shape_cast %swap3A_182 : vector<1x16xi32> to vector<16xi32>
      %swap3A_184 = vector.shape_cast %and3A_178 : vector<16xi32> to vector<1x16xi32>
      tpu.vector_store %arg9[%swap3A_180, %swap3A_181], %swap3A_184 {strides = array<i32>} : memref<2x80xi32, #tpu.memory_space<vmem>>, vector<1x16xi32>,
      %get3A_185 = arith.index_cast %add3A_140 : i32 to index
      %get3A_186 = arith.constant 32 : index
      %get3A_187 = tpu.vector_load %arg7[%get3A_185, %get3A_186] {strides = array<i32>} : memref<125x80xi32, #tpu.memory_space<vmem>>, vector<1x16xi32>,
      %get3A_188 = vector.shape_cast %get3A_187 : vector<1x16xi32> to vector<16xi32>
      %shift_right_logical3A_189 = arith.constant 14 : i32
      %shift_right_logical3A_190 = vector.broadcast %shift_right_logical3A_189 : i32 to vector<16xi32>
      %shift_right_logical3A_191 = arith.shrui %get3A_188, %shift_right_logical3A_190 : vector<16xi32>
      %swap3A_192 = arith.constant 1 : i32
      %swap3A_193 = arith.index_cast %swap3A_192 : i32 to index
      %swap3A_194 = arith.constant 32 : index
      %swap3A_195 = tpu.vector_load %arg8[%swap3A_193, %swap3A_194] {strides = array<i32>} : memref<2x80xi32, #tpu.memory_space<vmem>>, vector<1x16xi32>,
      %swap3A_196 = vector.shape_cast %swap3A_195 : vector<1x16xi32> to vector<16xi32>
      %swap3A_197 = vector.shape_cast %shift_right_logical3A_191 : vector<16xi32> to vector<1x16xi32>
      tpu.vector_store %arg8[%swap3A_193, %swap3A_194], %swap3A_197 {strides = array<i32>} : memref<2x80xi32, #tpu.memory_space<vmem>>, vector<1x16xi32>,
      %and3A_198 = arith.constant 16383 : i32
      %and3A_199 = vector.broadcast %and3A_198 : i32 to vector<16xi32>
      %and3A_200 = arith.andi %get3A_188, %and3A_199 : vector<16xi32>
      %swap3A_201 = arith.constant 1 : i32
      %swap3A_202 = arith.index_cast %swap3A_201 : i32 to index
      %swap3A_203 = arith.constant 32 : index
      %swap3A_204 = tpu.vector_load %arg9[%swap3A_202, %swap3A_203] {strides = array<i32>} : memref<2x80xi32, #tpu.memory_space<vmem>>, vector<1x16xi32>,
      %swap3A_205 = vector.shape_cast %swap3A_204 : vector<1x16xi32> to vector<16xi32>
      %swap3A_206 = vector.shape_cast %and3A_200 : vector<16xi32> to vector<1x16xi32>
      tpu.vector_store %arg9[%swap3A_202, %swap3A_203], %swap3A_206 {strides = array<i32>} : memref<2x80xi32, #tpu.memory_space<vmem>>, vector<1x16xi32>,
      %get3A_207 = arith.index_cast %add3A_140 : i32 to index
      %get3A_208 = arith.constant 48 : index
      %get3A_209 = tpu.vector_load %arg7[%get3A_207, %get3A_208] {strides = array<i32>} : memref<125x80xi32, #tpu.memory_space<vmem>>, vector<1x16xi32>,
      %get3A_210 = vector.shape_cast %get3A_209 : vector<1x16xi32> to vector<16xi32>
      %shift_right_logical3A_211 = arith.constant 14 : i32
      %shift_right_logical3A_212 = vector.broadcast %shift_right_logical3A_211 : i32 to vector<16xi32>
      %shift_right_logical3A_213 = arith.shrui %get3A_210, %shift_right_logical3A_212 : vector<16xi32>
      %swap3A_214 = arith.constant 1 : i32
      %swap3A_215 = arith.index_cast %swap3A_214 : i32 to index
      %swap3A_216 = arith.constant 48 : index
      %swap3A_217 = tpu.vector_load %arg8[%swap3A_215, %swap3A_216] {strides = array<i32>} : memref<2x80xi32, #tpu.memory_space<vmem>>, vector<1x16xi32>,
      %swap3A_218 = vector.shape_cast %swap3A_217 : vector<1x16xi32> to vector<16xi32>
      %swap3A_219 = vector.shape_cast %shift_right_logical3A_213 : vector<16xi32> to vector<1x16xi32>
      tpu.vector_store %arg8[%swap3A_215, %swap3A_216], %swap3A_219 {strides = array<i32>} : memref<2x80xi32, #tpu.memory_space<vmem>>, vector<1x16xi32>,
      %and3A_220 = arith.constant 16383 : i32
      %and3A_221 = vector.broadcast %and3A_220 : i32 to vector<16xi32>
      %and3A_222 = arith.andi %get3A_210, %and3A_221 : vector<16xi32>
      %swap3A_223 = arith.constant 1 : i32
      %swap3A_224 = arith.index_cast %swap3A_223 : i32 to index
      %swap3A_225 = arith.constant 48 : index
      %swap3A_226 = tpu.vector_load %arg9[%swap3A_224, %swap3A_225] {strides = array<i32>} : memref<2x80xi32, #tpu.memory_space<vmem>>, vector<1x16xi32>,
      %swap3A_227 = vector.shape_cast %swap3A_226 : vector<1x16xi32> to vector<16xi32>
      %swap3A_228 = vector.shape_cast %and3A_222 : vector<16xi32> to vector<1x16xi32>
      tpu.vector_store %arg9[%swap3A_224, %swap3A_225], %swap3A_228 {strides = array<i32>} : memref<2x80xi32, #tpu.memory_space<vmem>>, vector<1x16xi32>,
      %get3A_229 = arith.index_cast %add3A_140 : i32 to index
      %get3A_230 = arith.constant 64 : index
      %get3A_231 = tpu.vector_load %arg7[%get3A_229, %get3A_230] {strides = array<i32>} : memref<125x80xi32, #tpu.memory_space<vmem>>, vector<1x16xi32>,
      %get3A_232 = vector.shape_cast %get3A_231 : vector<1x16xi32> to vector<16xi32>
      %shift_right_logical3A_233 = arith.constant 14 : i32
      %shift_right_logical3A_234 = vector.broadcast %shift_right_logical3A_233 : i32 to vector<16xi32>
      %shift_right_logical3A_235 = arith.shrui %get3A_232, %shift_right_logical3A_234 : vector<16xi32>
      %swap3A_236 = arith.constant 1 : i32
      %swap3A_237 = arith.index_cast %swap3A_236 : i32 to index
      %swap3A_238 = arith.constant 64 : index
      %swap3A_239 = tpu.vector_load %arg8[%swap3A_237, %swap3A_238] {strides = array<i32>} : memref<2x80xi32, #tpu.memory_space<vmem>>, vector<1x16xi32>,
      %swap3A_240 = vector.shape_cast %swap3A_239 : vector<1x16xi32> to vector<16xi32>
      %swap3A_241 = vector.shape_cast %shift_right_logical3A_235 : vector<16xi32> to vector<1x16xi32>
      tpu.vector_store %arg8[%swap3A_237, %swap3A_238], %swap3A_241 {strides = array<i32>} : memref<2x80xi32, #tpu.memory_space<vmem>>, vector<1x16xi32>,
      %and3A_242 = arith.constant 16383 : i32
      %and3A_243 = vector.broadcast %and3A_242 : i32 to vector<16xi32>
      %and3A_244 = arith.andi %get3A_232, %and3A_243 : vector<16xi32>
      %swap3A_245 = arith.constant 1 : i32
      %swap3A_246 = arith.index_cast %swap3A_245 : i32 to index
      %swap3A_247 = arith.constant 64 : index
      %swap3A_248 = tpu.vector_load %arg9[%swap3A_246, %swap3A_247] {strides = array<i32>} : memref<2x80xi32, #tpu.memory_space<vmem>>, vector<1x16xi32>,
      %swap3A_249 = vector.shape_cast %swap3A_248 : vector<1x16xi32> to vector<16xi32>
      %swap3A_250 = vector.shape_cast %and3A_244 : vector<16xi32> to vector<1x16xi32>
      tpu.vector_store %arg9[%swap3A_246, %swap3A_247], %swap3A_250 {strides = array<i32>} : memref<2x80xi32, #tpu.memory_space<vmem>>, vector<1x16xi32>,
      %dma_start3A_251 = arith.constant 1 : i32
      %dma_start3A_252 = arith.constant 0 : i32
      %dma_start3A_253 = tpu.memref_slice %arg8[%dma_start3A_251, %dma_start3A_252] : memref<2x80xi32, #tpu.memory_space<vmem>> -> memref<1x80xi32, #tpu.memory_space<vmem>>
      %dma_start3A_254 = tpu.memref_squeeze %dma_start3A_253 : memref<1x80xi32, #tpu.memory_space<vmem>> -> memref<80xi32, #tpu.memory_space<vmem>>
      %dma_start3A_255 = arith.constant 0 : i32
      %dma_start3A_256 = arith.constant 0 : i32
      %dma_start3A_257 = tpu.memref_slice %arg2[%dma_start3A_255, %dma_start3A_256] : memref<10000x128xf32, #tpu.memory_space<hbm>> -> memref<10000x128xf32, #tpu.memory_space<hbm>>
      tpu.enqueue_indirect_dma source(%dma_start3A_257 : memref<10000x128xf32, #tpu.memory_space<hbm>>) target(%arg11 : memref<80x128xf32, #tpu.memory_space<vmem>>) offsets(%dma_start3A_254 : memref<80xi32, #tpu.memory_space<vmem>>) semaphore(%arg13 : memref<!tpu.dma_semaphore, #tpu.memory_space<semaphore_mem>>)
      %dma_wait3A_258 = arith.constant 0 : i32
      %dma_wait3A_259 = arith.constant 0 : i32
      %dma_wait3A_260 = tpu.memref_slice %arg8[%dma_wait3A_258, %dma_wait3A_259] : memref<2x80xi32, #tpu.memory_space<vmem>> -> memref<1x80xi32, #tpu.memory_space<vmem>>
      %dma_wait3A_261 = tpu.memref_squeeze %dma_wait3A_260 : memref<1x80xi32, #tpu.memory_space<vmem>> -> memref<80xi32, #tpu.memory_space<vmem>>
      %dma_wait3A_262 = arith.constant 0 : i32
      %dma_wait3A_263 = arith.constant 0 : i32
      %dma_wait3A_264 = tpu.memref_slice %arg2[%dma_wait3A_262, %dma_wait3A_263] : memref<10000x128xf32, #tpu.memory_space<hbm>> -> memref<10000x128xf32, #tpu.memory_space<hbm>>
      tpu.wait_indirect_dma semaphore(%arg12 : memref<!tpu.dma_semaphore, #tpu.memory_space<semaphore_mem>>) src(%dma_wait3A_264 : memref<10000x128xf32, #tpu.memory_space<hbm>>) dst(%arg10 : memref<80x128xf32, #tpu.memory_space<vmem>>)
      %run_scoped3A_265 = arith.constant 0 : i32
      "tpu.region"() ({
        %run_scoped3A_393 = tpu.sem_alloc : memref<!tpu.dma_semaphore, #tpu.memory_space<semaphore_mem>>
        %dma_start3A_394 = arith.constant 0 : i32
        %dma_start3A_395 = tpu.memref_slice %arg9[%run_scoped3A_265, %dma_start3A_394] : memref<2x80xi32, #tpu.memory_space<vmem>> -> memref<1x80xi32, #tpu.memory_space<vmem>>
        %dma_start3A_396 = tpu.memref_squeeze %dma_start3A_395 : memref<1x80xi32, #tpu.memory_space<vmem>> -> memref<80xi32, #tpu.memory_space<vmem>>
        %dma_start3A_397 = arith.constant 0 : i32
        %dma_start3A_398 = arith.constant 0 : i32
        %dma_start3A_399 = tpu.memref_slice %arg6[%dma_start3A_397, %dma_start3A_398] : memref<10112x128xf32, #tpu.memory_space<vmem_shared>> -> memref<10112x128xf32, #tpu.memory_space<vmem_shared>>
        tpu.enqueue_indirect_dma source(%arg10 : memref<80x128xf32, #tpu.memory_space<vmem>>) target(%dma_start3A_399 : memref<10112x128xf32, #tpu.memory_space<vmem_shared>>) offsets(%dma_start3A_396 : memref<80xi32, #tpu.memory_space<vmem>>) semaphore(%run_scoped3A_393 : memref<!tpu.dma_semaphore, #tpu.memory_space<semaphore_mem>>) {add = true}
        %dma_wait3A_400 = arith.constant 0 : i32
        %dma_wait3A_401 = tpu.memref_slice %arg9[%run_scoped3A_265, %dma_wait3A_400] : memref<2x80xi32, #tpu.memory_space<vmem>> -> memref<1x80xi32, #tpu.memory_space<vmem>>
        %dma_wait3A_402 = tpu.memref_squeeze %dma_wait3A_401 : memref<1x80xi32, #tpu.memory_space<vmem>> -> memref<80xi32, #tpu.memory_space<vmem>>
        %dma_wait3A_403 = arith.constant 0 : i32
        %dma_wait3A_404 = arith.constant 0 : i32
        %dma_wait3A_405 = tpu.memref_slice %arg6[%dma_wait3A_403, %dma_wait3A_404] : memref<10112x128xf32, #tpu.memory_space<vmem_shared>> -> memref<10112x128xf32, #tpu.memory_space<vmem_shared>>
        tpu.wait_indirect_dma semaphore(%run_scoped3A_393 : memref<!tpu.dma_semaphore, #tpu.memory_space<semaphore_mem>>) src(%arg10 : memref<80x128xf32, #tpu.memory_space<vmem>>) dst(%dma_wait3A_405 : memref<10112x128xf32, #tpu.memory_space<vmem_shared>>)
        tpu.yield
      }) : () -> ()
      %add3A_266 = arith.constant 1 : i32
      %add3A_267 = arith.addi %add3A_140, %add3A_266 : i32
      %get3A_268 = arith.index_cast %add3A_267 : i32 to index
      %get3A_269 = arith.constant 0 : index
      %get3A_270 = tpu.vector_load %arg7[%get3A_268, %get3A_269] {strides = array<i32>} : memref<125x80xi32, #tpu.memory_space<vmem>>, vector<1x16xi32>,
      %get3A_271 = vector.shape_cast %get3A_270 : vector<1x16xi32> to vector<16xi32>
      %shift_right_logical3A_272 = arith.constant 14 : i32
      %shift_right_logical3A_273 = vector.broadcast %shift_right_logical3A_272 : i32 to vector<16xi32>
      %shift_right_logical3A_274 = arith.shrui %get3A_271, %shift_right_logical3A_273 : vector<16xi32>
      %swap3A_275 = arith.constant 0 : i32
      %swap3A_276 = arith.index_cast %swap3A_275 : i32 to index
      %swap3A_277 = arith.constant 0 : index
      %swap3A_278 = tpu.vector_load %arg8[%swap3A_276, %swap3A_277] {strides = array<i32>} : memref<2x80xi32, #tpu.memory_space<vmem>>, vector<1x16xi32>,
      %swap3A_279 = vector.shape_cast %swap3A_278 : vector<1x16xi32> to vector<16xi32>
      %swap3A_280 = vector.shape_cast %shift_right_logical3A_274 : vector<16xi32> to vector<1x16xi32>
      tpu.vector_store %arg8[%swap3A_276, %swap3A_277], %swap3A_280 {strides = array<i32>} : memref<2x80xi32, #tpu.memory_space<vmem>>, vector<1x16xi32>,
      %and3A_281 = arith.constant 16383 : i32
      %and3A_282 = vector.broadcast %and3A_281 : i32 to vector<16xi32>
      %and3A_283 = arith.andi %get3A_271, %and3A_282 : vector<16xi32>
      %swap3A_284 = arith.constant 0 : i32
      %swap3A_285 = arith.index_cast %swap3A_284 : i32 to index
      %swap3A_286 = arith.constant 0 : index
      %swap3A_287 = tpu.vector_load %arg9[%swap3A_285, %swap3A_286] {strides = array<i32>} : memref<2x80xi32, #tpu.memory_space<vmem>>, vector<1x16xi32>,
      %swap3A_288 = vector.shape_cast %swap3A_287 : vector<1x16xi32> to vector<16xi32>
      %swap3A_289 = vector.shape_cast %and3A_283 : vector<16xi32> to vector<1x16xi32>
      tpu.vector_store %arg9[%swap3A_285, %swap3A_286], %swap3A_289 {strides = array<i32>} : memref<2x80xi32, #tpu.memory_space<vmem>>, vector<1x16xi32>,
      %get3A_290 = arith.index_cast %add3A_267 : i32 to index
      %get3A_291 = arith.constant 16 : index
      %get3A_292 = tpu.vector_load %arg7[%get3A_290, %get3A_291] {strides = array<i32>} : memref<125x80xi32, #tpu.memory_space<vmem>>, vector<1x16xi32>,
      %get3A_293 = vector.shape_cast %get3A_292 : vector<1x16xi32> to vector<16xi32>
      %shift_right_logical3A_294 = arith.constant 14 : i32
      %shift_right_logical3A_295 = vector.broadcast %shift_right_logical3A_294 : i32 to vector<16xi32>
      %shift_right_logical3A_296 = arith.shrui %get3A_293, %shift_right_logical3A_295 : vector<16xi32>
      %swap3A_297 = arith.constant 0 : i32
      %swap3A_298 = arith.index_cast %swap3A_297 : i32 to index
      %swap3A_299 = arith.constant 16 : index
      %swap3A_300 = tpu.vector_load %arg8[%swap3A_298, %swap3A_299] {strides = array<i32>} : memref<2x80xi32, #tpu.memory_space<vmem>>, vector<1x16xi32>,
      %swap3A_301 = vector.shape_cast %swap3A_300 : vector<1x16xi32> to vector<16xi32>
      %swap3A_302 = vector.shape_cast %shift_right_logical3A_296 : vector<16xi32> to vector<1x16xi32>
      tpu.vector_store %arg8[%swap3A_298, %swap3A_299], %swap3A_302 {strides = array<i32>} : memref<2x80xi32, #tpu.memory_space<vmem>>, vector<1x16xi32>,
      %and3A_303 = arith.constant 16383 : i32
      %and3A_304 = vector.broadcast %and3A_303 : i32 to vector<16xi32>
      %and3A_305 = arith.andi %get3A_293, %and3A_304 : vector<16xi32>
      %swap3A_306 = arith.constant 0 : i32
      %swap3A_307 = arith.index_cast %swap3A_306 : i32 to index
      %swap3A_308 = arith.constant 16 : index
      %swap3A_309 = tpu.vector_load %arg9[%swap3A_307, %swap3A_308] {strides = array<i32>} : memref<2x80xi32, #tpu.memory_space<vmem>>, vector<1x16xi32>,
      %swap3A_310 = vector.shape_cast %swap3A_309 : vector<1x16xi32> to vector<16xi32>
      %swap3A_311 = vector.shape_cast %and3A_305 : vector<16xi32> to vector<1x16xi32>
      tpu.vector_store %arg9[%swap3A_307, %swap3A_308], %swap3A_311 {strides = array<i32>} : memref<2x80xi32, #tpu.memory_space<vmem>>, vector<1x16xi32>,
      %get3A_312 = arith.index_cast %add3A_267 : i32 to index
      %get3A_313 = arith.constant 32 : index
      %get3A_314 = tpu.vector_load %arg7[%get3A_312, %get3A_313] {strides = array<i32>} : memref<125x80xi32, #tpu.memory_space<vmem>>, vector<1x16xi32>,
      %get3A_315 = vector.shape_cast %get3A_314 : vector<1x16xi32> to vector<16xi32>
      %shift_right_logical3A_316 = arith.constant 14 : i32
      %shift_right_logical3A_317 = vector.broadcast %shift_right_logical3A_316 : i32 to vector<16xi32>
      %shift_right_logical3A_318 = arith.shrui %get3A_315, %shift_right_logical3A_317 : vector<16xi32>
      %swap3A_319 = arith.constant 0 : i32
      %swap3A_320 = arith.index_cast %swap3A_319 : i32 to index
      %swap3A_321 = arith.constant 32 : index
      %swap3A_322 = tpu.vector_load %arg8[%swap3A_320, %swap3A_321] {strides = array<i32>} : memref<2x80xi32, #tpu.memory_space<vmem>>, vector<1x16xi32>,
      %swap3A_323 = vector.shape_cast %swap3A_322 : vector<1x16xi32> to vector<16xi32>
      %swap3A_324 = vector.shape_cast %shift_right_logical3A_318 : vector<16xi32> to vector<1x16xi32>
      tpu.vector_store %arg8[%swap3A_320, %swap3A_321], %swap3A_324 {strides = array<i32>} : memref<2x80xi32, #tpu.memory_space<vmem>>, vector<1x16xi32>,
      %and3A_325 = arith.constant 16383 : i32
      %and3A_326 = vector.broadcast %and3A_325 : i32 to vector<16xi32>
      %and3A_327 = arith.andi %get3A_315, %and3A_326 : vector<16xi32>
      %swap3A_328 = arith.constant 0 : i32
      %swap3A_329 = arith.index_cast %swap3A_328 : i32 to index
      %swap3A_330 = arith.constant 32 : index
      %swap3A_331 = tpu.vector_load %arg9[%swap3A_329, %swap3A_330] {strides = array<i32>} : memref<2x80xi32, #tpu.memory_space<vmem>>, vector<1x16xi32>,
      %swap3A_332 = vector.shape_cast %swap3A_331 : vector<1x16xi32> to vector<16xi32>
      %swap3A_333 = vector.shape_cast %and3A_327 : vector<16xi32> to vector<1x16xi32>
      tpu.vector_store %arg9[%swap3A_329, %swap3A_330], %swap3A_333 {strides = array<i32>} : memref<2x80xi32, #tpu.memory_space<vmem>>, vector<1x16xi32>,
      %get3A_334 = arith.index_cast %add3A_267 : i32 to index
      %get3A_335 = arith.constant 48 : index
      %get3A_336 = tpu.vector_load %arg7[%get3A_334, %get3A_335] {strides = array<i32>} : memref<125x80xi32, #tpu.memory_space<vmem>>, vector<1x16xi32>,
      %get3A_337 = vector.shape_cast %get3A_336 : vector<1x16xi32> to vector<16xi32>
      %shift_right_logical3A_338 = arith.constant 14 : i32
      %shift_right_logical3A_339 = vector.broadcast %shift_right_logical3A_338 : i32 to vector<16xi32>
      %shift_right_logical3A_340 = arith.shrui %get3A_337, %shift_right_logical3A_339 : vector<16xi32>
      %swap3A_341 = arith.constant 0 : i32
      %swap3A_342 = arith.index_cast %swap3A_341 : i32 to index
      %swap3A_343 = arith.constant 48 : index
      %swap3A_344 = tpu.vector_load %arg8[%swap3A_342, %swap3A_343] {strides = array<i32>} : memref<2x80xi32, #tpu.memory_space<vmem>>, vector<1x16xi32>,
      %swap3A_345 = vector.shape_cast %swap3A_344 : vector<1x16xi32> to vector<16xi32>
      %swap3A_346 = vector.shape_cast %shift_right_logical3A_340 : vector<16xi32> to vector<1x16xi32>
      tpu.vector_store %arg8[%swap3A_342, %swap3A_343], %swap3A_346 {strides = array<i32>} : memref<2x80xi32, #tpu.memory_space<vmem>>, vector<1x16xi32>,
      %and3A_347 = arith.constant 16383 : i32
      %and3A_348 = vector.broadcast %and3A_347 : i32 to vector<16xi32>
      %and3A_349 = arith.andi %get3A_337, %and3A_348 : vector<16xi32>
      %swap3A_350 = arith.constant 0 : i32
      %swap3A_351 = arith.index_cast %swap3A_350 : i32 to index
      %swap3A_352 = arith.constant 48 : index
      %swap3A_353 = tpu.vector_load %arg9[%swap3A_351, %swap3A_352] {strides = array<i32>} : memref<2x80xi32, #tpu.memory_space<vmem>>, vector<1x16xi32>,
      %swap3A_354 = vector.shape_cast %swap3A_353 : vector<1x16xi32> to vector<16xi32>
      %swap3A_355 = vector.shape_cast %and3A_349 : vector<16xi32> to vector<1x16xi32>
      tpu.vector_store %arg9[%swap3A_351, %swap3A_352], %swap3A_355 {strides = array<i32>} : memref<2x80xi32, #tpu.memory_space<vmem>>, vector<1x16xi32>,
      %get3A_356 = arith.index_cast %add3A_267 : i32 to index
      %get3A_357 = arith.constant 64 : index
      %get3A_358 = tpu.vector_load %arg7[%get3A_356, %get3A_357] {strides = array<i32>} : memref<125x80xi32, #tpu.memory_space<vmem>>, vector<1x16xi32>,
      %get3A_359 = vector.shape_cast %get3A_358 : vector<1x16xi32> to vector<16xi32>
      %shift_right_logical3A_360 = arith.constant 14 : i32
      %shift_right_logical3A_361 = vector.broadcast %shift_right_logical3A_360 : i32 to vector<16xi32>
      %shift_right_logical3A_362 = arith.shrui %get3A_359, %shift_right_logical3A_361 : vector<16xi32>
      %swap3A_363 = arith.constant 0 : i32
      %swap3A_364 = arith.index_cast %swap3A_363 : i32 to index
      %swap3A_365 = arith.constant 64 : index
      %swap3A_366 = tpu.vector_load %arg8[%swap3A_364, %swap3A_365] {strides = array<i32>} : memref<2x80xi32, #tpu.memory_space<vmem>>, vector<1x16xi32>,
      %swap3A_367 = vector.shape_cast %swap3A_366 : vector<1x16xi32> to vector<16xi32>
      %swap3A_368 = vector.shape_cast %shift_right_logical3A_362 : vector<16xi32> to vector<1x16xi32>
      tpu.vector_store %arg8[%swap3A_364, %swap3A_365], %swap3A_368 {strides = array<i32>} : memref<2x80xi32, #tpu.memory_space<vmem>>, vector<1x16xi32>,
      %and3A_369 = arith.constant 16383 : i32
      %and3A_370 = vector.broadcast %and3A_369 : i32 to vector<16xi32>
      %and3A_371 = arith.andi %get3A_359, %and3A_370 : vector<16xi32>
      %swap3A_372 = arith.constant 0 : i32
      %swap3A_373 = arith.index_cast %swap3A_372 : i32 to index
      %swap3A_374 = arith.constant 64 : index
      %swap3A_375 = tpu.vector_load %arg9[%swap3A_373, %swap3A_374] {strides = array<i32>} : memref<2x80xi32, #tpu.memory_space<vmem>>, vector<1x16xi32>,
      %swap3A_376 = vector.shape_cast %swap3A_375 : vector<1x16xi32> to vector<16xi32>
      %swap3A_377 = vector.shape_cast %and3A_371 : vector<16xi32> to vector<1x16xi32>
      tpu.vector_store %arg9[%swap3A_373, %swap3A_374], %swap3A_377 {strides = array<i32>} : memref<2x80xi32, #tpu.memory_space<vmem>>, vector<1x16xi32>,
      %dma_start3A_378 = arith.constant 0 : i32
      %dma_start3A_379 = arith.constant 0 : i32
      %dma_start3A_380 = tpu.memref_slice %arg8[%dma_start3A_378, %dma_start3A_379] : memref<2x80xi32, #tpu.memory_space<vmem>> -> memref<1x80xi32, #tpu.memory_space<vmem>>
      %dma_start3A_381 = tpu.memref_squeeze %dma_start3A_380 : memref<1x80xi32, #tpu.memory_space<vmem>> -> memref<80xi32, #tpu.memory_space<vmem>>
      %dma_start3A_382 = arith.constant 0 : i32
      %dma_start3A_383 = arith.constant 0 : i32
      %dma_start3A_384 = tpu.memref_slice %arg2[%dma_start3A_382, %dma_start3A_383] : memref<10000x128xf32, #tpu.memory_space<hbm>> -> memref<10000x128xf32, #tpu.memory_space<hbm>>
      tpu.enqueue_indirect_dma source(%dma_start3A_384 : memref<10000x128xf32, #tpu.memory_space<hbm>>) target(%arg10 : memref<80x128xf32, #tpu.memory_space<vmem>>) offsets(%dma_start3A_381 : memref<80xi32, #tpu.memory_space<vmem>>) semaphore(%arg12 : memref<!tpu.dma_semaphore, #tpu.memory_space<semaphore_mem>>)
      %dma_wait3A_385 = arith.constant 1 : i32
      %dma_wait3A_386 = arith.constant 0 : i32
      %dma_wait3A_387 = tpu.memref_slice %arg8[%dma_wait3A_385, %dma_wait3A_386] : memref<2x80xi32, #tpu.memory_space<vmem>> -> memref<1x80xi32, #tpu.memory_space<vmem>>
      %dma_wait3A_388 = tpu.memref_squeeze %dma_wait3A_387 : memref<1x80xi32, #tpu.memory_space<vmem>> -> memref<80xi32, #tpu.memory_space<vmem>>
      %dma_wait3A_389 = arith.constant 0 : i32
      %dma_wait3A_390 = arith.constant 0 : i32
      %dma_wait3A_391 = tpu.memref_slice %arg2[%dma_wait3A_389, %dma_wait3A_390] : memref<10000x128xf32, #tpu.memory_space<hbm>> -> memref<10000x128xf32, #tpu.memory_space<hbm>>
      tpu.wait_indirect_dma semaphore(%arg13 : memref<!tpu.dma_semaphore, #tpu.memory_space<semaphore_mem>>) src(%dma_wait3A_391 : memref<10000x128xf32, #tpu.memory_space<hbm>>) dst(%arg11 : memref<80x128xf32, #tpu.memory_space<vmem>>)
      %run_scoped3A_392 = arith.constant 1 : i32
      "tpu.region"() ({
        %run_scoped3A_393 = tpu.sem_alloc : memref<!tpu.dma_semaphore, #tpu.memory_space<semaphore_mem>>
        %dma_start3A_394 = arith.constant 0 : i32
        %dma_start3A_395 = tpu.memref_slice %arg9[%run_scoped3A_392, %dma_start3A_394] : memref<2x80xi32, #tpu.memory_space<vmem>> -> memref<1x80xi32, #tpu.memory_space<vmem>>
        %dma_start3A_396 = tpu.memref_squeeze %dma_start3A_395 : memref<1x80xi32, #tpu.memory_space<vmem>> -> memref<80xi32, #tpu.memory_space<vmem>>
        %dma_start3A_397 = arith.constant 0 : i32
        %dma_start3A_398 = arith.constant 0 : i32
        %dma_start3A_399 = tpu.memref_slice %arg6[%dma_start3A_397, %dma_start3A_398] : memref<10112x128xf32, #tpu.memory_space<vmem_shared>> -> memref<10112x128xf32, #tpu.memory_space<vmem_shared>>
        tpu.enqueue_indirect_dma source(%arg11 : memref<80x128xf32, #tpu.memory_space<vmem>>) target(%dma_start3A_399 : memref<10112x128xf32, #tpu.memory_space<vmem_shared>>) offsets(%dma_start3A_396 : memref<80xi32, #tpu.memory_space<vmem>>) semaphore(%run_scoped3A_393 : memref<!tpu.dma_semaphore, #tpu.memory_space<semaphore_mem>>) {add = true}
        %dma_wait3A_400 = arith.constant 0 : i32
        %dma_wait3A_401 = tpu.memref_slice %arg9[%run_scoped3A_392, %dma_wait3A_400] : memref<2x80xi32, #tpu.memory_space<vmem>> -> memref<1x80xi32, #tpu.memory_space<vmem>>
        %dma_wait3A_402 = tpu.memref_squeeze %dma_wait3A_401 : memref<1x80xi32, #tpu.memory_space<vmem>> -> memref<80xi32, #tpu.memory_space<vmem>>
        %dma_wait3A_403 = arith.constant 0 : i32
        %dma_wait3A_404 = arith.constant 0 : i32
        %dma_wait3A_405 = tpu.memref_slice %arg6[%dma_wait3A_403, %dma_wait3A_404] : memref<10112x128xf32, #tpu.memory_space<vmem_shared>> -> memref<10112x128xf32, #tpu.memory_space<vmem_shared>>
        tpu.wait_indirect_dma semaphore(%run_scoped3A_393 : memref<!tpu.dma_semaphore, #tpu.memory_space<semaphore_mem>>) src(%arg11 : memref<80x128xf32, #tpu.memory_space<vmem>>) dst(%dma_wait3A_405 : memref<10112x128xf32, #tpu.memory_space<vmem_shared>>)
        tpu.yield
      }) : () -> ()
    }
    %scan3A_124 = arith.constant 62 : i32
    %dma_wait3A = arith.constant 0 : i32
    %dma_wait3A_125 = arith.constant 0 : i32
    %dma_wait3A_126 = tpu.memref_slice %arg8[%dma_wait3A, %dma_wait3A_125] : memref<2x80xi32, #tpu.memory_space<vmem>> -> memref<1x80xi32, #tpu.memory_space<vmem>>
    %dma_wait3A_127 = tpu.memref_squeeze %dma_wait3A_126 : memref<1x80xi32, #tpu.memory_space<vmem>> -> memref<80xi32, #tpu.memory_space<vmem>>
    %dma_wait3A_128 = arith.constant 0 : i32
    %dma_wait3A_129 = arith.constant 0 : i32
    %dma_wait3A_130 = tpu.memref_slice %arg2[%dma_wait3A_128, %dma_wait3A_129] : memref<10000x128xf32, #tpu.memory_space<hbm>> -> memref<10000x128xf32, #tpu.memory_space<hbm>>
    tpu.wait_indirect_dma semaphore(%arg12 : memref<!tpu.dma_semaphore, #tpu.memory_space<semaphore_mem>>) src(%dma_wait3A_130 : memref<10000x128xf32, #tpu.memory_space<hbm>>) dst(%arg10 : memref<80x128xf32, #tpu.memory_space<vmem>>)
    %run_scoped3A = arith.constant 0 : i32
    "tpu.region"() ({
      %run_scoped3A_136 = tpu.sem_alloc : memref<!tpu.dma_semaphore, #tpu.memory_space<semaphore_mem>>
      %dma_start3A_137 = arith.constant 0 : i32
      %dma_start3A_138 = tpu.memref_slice %arg9[%run_scoped3A, %dma_start3A_137] : memref<2x80xi32, #tpu.memory_space<vmem>> -> memref<1x80xi32, #tpu.memory_space<vmem>>
      %dma_start3A_139 = tpu.memref_squeeze %dma_start3A_138 : memref<1x80xi32, #tpu.memory_space<vmem>> -> memref<80xi32, #tpu.memory_space<vmem>>
      %dma_start3A_140 = arith.constant 0 : i32
      %dma_start3A_141 = arith.constant 0 : i32
      %dma_start3A_142 = tpu.memref_slice %arg6[%dma_start3A_140, %dma_start3A_141] : memref<10112x128xf32, #tpu.memory_space<vmem_shared>> -> memref<10112x128xf32, #tpu.memory_space<vmem_shared>>
      tpu.enqueue_indirect_dma source(%arg10 : memref<80x128xf32, #tpu.memory_space<vmem>>) target(%dma_start3A_142 : memref<10112x128xf32, #tpu.memory_space<vmem_shared>>) offsets(%dma_start3A_139 : memref<80xi32, #tpu.memory_space<vmem>>) semaphore(%run_scoped3A_136 : memref<!tpu.dma_semaphore, #tpu.memory_space<semaphore_mem>>) {add = true}
      %dma_wait3A_143 = arith.constant 0 : i32
      %dma_wait3A_144 = tpu.memref_slice %arg9[%run_scoped3A, %dma_wait3A_143] : memref<2x80xi32, #tpu.memory_space<vmem>> -> memref<1x80xi32, #tpu.memory_space<vmem>>
      %dma_wait3A_145 = tpu.memref_squeeze %dma_wait3A_144 : memref<1x80xi32, #tpu.memory_space<vmem>> -> memref<80xi32, #tpu.memory_space<vmem>>
      %dma_wait3A_146 = arith.constant 0 : i32
      %dma_wait3A_147 = arith.constant 0 : i32
      %dma_wait3A_148 = tpu.memref_slice %arg6[%dma_wait3A_146, %dma_wait3A_147] : memref<10112x128xf32, #tpu.memory_space<vmem_shared>> -> memref<10112x128xf32, #tpu.memory_space<vmem_shared>>
      tpu.wait_indirect_dma semaphore(%run_scoped3A_136 : memref<!tpu.dma_semaphore, #tpu.memory_space<semaphore_mem>>) src(%arg10 : memref<80x128xf32, #tpu.memory_space<vmem>>) dst(%dma_wait3A_148 : memref<10112x128xf32, #tpu.memory_space<vmem_shared>>)
      tpu.yield
    }) : () -> ()
    %barrier3A_131 = arith.constant 0 : index
    tpu.barrier barrier_id(%barrier3A_131)
    %mul3A_132 = arith.constant 632 : i32
    %mul3A_133 = arith.muli %arg1, %mul3A_132 : i32
    %mul3A_134 = arith.constant 632 : i32
    %mul3A_135 = arith.muli %arg1, %mul3A_134 : i32
    "tpu.region"() ({
      %run_scoped3A_136 = tpu.sem_alloc : memref<!tpu.dma_semaphore, #tpu.memory_space<semaphore_mem>>
      %dma_start3A_137 = arith.constant 0 : i32
      %dma_start3A_138 = arith.constant 0 : i32
      %dma_start3A_139 = tpu.memref_slice %arg5[%arg0, %dma_start3A_137, %dma_start3A_138] : memref<2x10112x128xf32, #tpu.memory_space<hbm>> -> memref<1x10112x128xf32, #tpu.memory_space<hbm>>
      %dma_start3A_140 = tpu.memref_squeeze %dma_start3A_139 : memref<1x10112x128xf32, #tpu.memory_space<hbm>> -> memref<10112x128xf32, #tpu.memory_space<hbm>>
      %dma_start3A_141 = arith.constant 0 : i32
      %dma_start3A_142 = tpu.memref_slice %dma_start3A_140[%mul3A_135, %dma_start3A_141] : memref<10112x128xf32, #tpu.memory_space<hbm>> -> memref<632x128xf32, #tpu.memory_space<hbm>>
      %dma_start3A_143 = arith.constant 0 : i32
      %dma_start3A_144 = tpu.memref_slice %arg6[%mul3A_133, %dma_start3A_143] : memref<10112x128xf32, #tpu.memory_space<vmem_shared>> -> memref<632x128xf32, #tpu.memory_space<vmem_shared>>
      tpu.enqueue_dma source(%dma_start3A_144 : memref<632x128xf32, #tpu.memory_space<vmem_shared>>) target(%dma_start3A_142 : memref<632x128xf32, #tpu.memory_space<hbm>>) target_semaphore(%run_scoped3A_136 : memref<!tpu.dma_semaphore, #tpu.memory_space<semaphore_mem>>)
      %dma_wait3A_145 = arith.constant 0 : i32
      %dma_wait3A_146 = arith.constant 0 : i32
      %dma_wait3A_147 = tpu.memref_slice %arg5[%arg0, %dma_wait3A_145, %dma_wait3A_146] : memref<2x10112x128xf32, #tpu.memory_space<hbm>> -> memref<1x10112x128xf32, #tpu.memory_space<hbm>>
      %dma_wait3A_148 = tpu.memref_squeeze %dma_wait3A_147 : memref<1x10112x128xf32, #tpu.memory_space<hbm>> -> memref<10112x128xf32, #tpu.memory_space<hbm>>
      %dma_wait3A_149 = arith.constant 0 : i32
      %dma_wait3A_150 = tpu.memref_slice %dma_wait3A_148[%mul3A_135, %dma_wait3A_149] : memref<10112x128xf32, #tpu.memory_space<hbm>> -> memref<632x128xf32, #tpu.memory_space<hbm>>
      %dma_wait3A_151 = arith.constant 0 : i32
      %dma_wait3A_152 = tpu.memref_slice %arg6[%mul3A_133, %dma_wait3A_151] : memref<10112x128xf32, #tpu.memory_space<vmem_shared>> -> memref<632x128xf32, #tpu.memory_space<vmem_shared>>
      tpu.wait_dma2 semaphore(%run_scoped3A_136 : memref<!tpu.dma_semaphore, #tpu.memory_space<semaphore_mem>>) src(%dma_wait3A_152 : memref<632x128xf32, #tpu.memory_space<vmem_shared>>) dst(%dma_wait3A_150 : memref<632x128xf32, #tpu.memory_space<hbm>>)
      tpu.yield
    }) : () -> ()
    return
  }
}

#map = affine_map<(d0, d1) -> (0, 0)>
#map1 = affine_map<(d0, d1) -> (0, 0, 0)>
module attributes {stable_mosaic.version = 14 : i64} {
  func.func @_sc_scatter(%arg0: i32, %arg1: i32, %arg2: memref<10000x128xf32, #tpu.memory_space<hbm>>, %arg3: memref<32x125x80xi32, #tpu.memory_space<hbm>>, %arg4: memref<632x128xf32, #tpu.memory_space<hbm>>, %arg5: memref<2x10112x128xf32, #tpu.memory_space<hbm>>, %arg6: memref<10112x128xf32, #tpu.memory_space<vmem_shared>>, %arg7: memref<125x80xi32, #tpu.memory_space<vmem>>, %arg8: memref<2x80xi32, #tpu.memory_space<vmem>>, %arg9: memref<2x80xi32, #tpu.memory_space<vmem>>, %arg10: memref<80x128xf32, #tpu.memory_space<vmem>>, %arg11: memref<80x128xf32, #tpu.memory_space<vmem>>, %arg12: memref<!tpu.dma_semaphore, #tpu.memory_space<semaphore_mem>>, %arg13: memref<!tpu.dma_semaphore, #tpu.memory_space<semaphore_mem>>) attributes {dimension_semantics = [#tpu.dimension_semantics<core_parallel>, #tpu.dimension_semantics<subcore_parallel>], iteration_bounds = array<i64: 2, 16>, scalar_prefetch = 0 : i64, scratch_operands = 8 : i64, tpu.core_type = #tpu.core_type<sc_vector_subcore>, window_params = [{transform_indices = #map}, {transform_indices = #map1}, {transform_indices = #map}, {transform_indices = #map1}]} {
    %mul3A = arith.constant 2 : i32
    %mul3A_0 = arith.muli %arg1, %mul3A : i32
    %add3A = arith.addi %mul3A_0, %arg0 : i32
    "tpu.region"() ({
      %run_scoped3A_136 = tpu.sem_alloc : memref<!tpu.dma_semaphore, #tpu.memory_space<semaphore_mem>>
      %dma_start3A_137 = arith.constant 0 : i32
      %dma_start3A_138 = arith.constant 0 : i32
      %dma_start3A_139 = tpu.memref_slice %arg3[%add3A, %dma_start3A_137, %dma_start3A_138] : memref<32x125x80xi32, #tpu.memory_space<hbm>> -> memref<1x125x80xi32, #tpu.memory_space<hbm>>
      %dma_start3A_140 = tpu.memref_squeeze %dma_start3A_139 : memref<1x125x80xi32, #tpu.memory_space<hbm>> -> memref<125x80xi32, #tpu.memory_space<hbm>>
      %dma_start3A_141 = arith.constant 0 : i32
      %dma_start3A_142 = arith.constant 0 : i32
      %dma_start3A_143 = tpu.memref_slice %arg3[%add3A, %dma_start3A_141, %dma_start3A_142] : memref<32x125x80xi32, #tpu.memory_space<hbm>> -> memref<1x125x80xi32, #tpu.memory_space<hbm>>
      %dma_start3A_144 = tpu.memref_squeeze %dma_start3A_143 : memref<1x125x80xi32, #tpu.memory_space<hbm>> -> memref<125x80xi32, #tpu.memory_space<hbm>>
      tpu.enqueue_dma source(%dma_start3A_144 : memref<125x80xi32, #tpu.memory_space<hbm>>) target(%arg7 : memref<125x80xi32, #tpu.memory_space<vmem>>) target_semaphore(%run_scoped3A_136 : memref<!tpu.dma_semaphore, #tpu.memory_space<semaphore_mem>>)
      %dma_wait3A_145 = arith.constant 0 : i32
      %dma_wait3A_146 = arith.constant 0 : i32
      %dma_wait3A_147 = tpu.memref_slice %arg3[%add3A, %dma_wait3A_145, %dma_wait3A_146] : memref<32x125x80xi32, #tpu.memory_space<hbm>> -> memref<1x125x80xi32, #tpu.memory_space<hbm>>
      %dma_wait3A_148 = tpu.memref_squeeze %dma_wait3A_147 : memref<1x125x80xi32, #tpu.memory_space<hbm>> -> memref<125x80xi32, #tpu.memory_space<hbm>>
      %dma_wait3A_149 = arith.constant 0 : i32
      %dma_wait3A_150 = arith.constant 0 : i32
      %dma_wait3A_151 = tpu.memref_slice %arg3[%add3A, %dma_wait3A_149, %dma_wait3A_150] : memref<32x125x80xi32, #tpu.memory_space<hbm>> -> memref<1x125x80xi32, #tpu.memory_space<hbm>>
      %dma_wait3A_152 = tpu.memref_squeeze %dma_wait3A_151 : memref<1x125x80xi32, #tpu.memory_space<hbm>> -> memref<125x80xi32, #tpu.memory_space<hbm>>
      tpu.wait_dma2 semaphore(%run_scoped3A_136 : memref<!tpu.dma_semaphore, #tpu.memory_space<semaphore_mem>>) src(%dma_wait3A_152 : memref<125x80xi32, #tpu.memory_space<hbm>>) dst(%arg7 : memref<125x80xi32, #tpu.memory_space<vmem>>)
      tpu.yield
    }) : () -> ()
    %mul3A_1 = arith.constant 632 : i32
    %mul3A_2 = arith.muli %arg1, %mul3A_1 : i32
    "tpu.region"() ({
      %run_scoped3A_136 = tpu.sem_alloc : memref<!tpu.dma_semaphore, #tpu.memory_space<semaphore_mem>>
      %dma_start3A_137 = arith.constant 0 : i32
      %dma_start3A_138 = tpu.memref_slice %arg6[%mul3A_2, %dma_start3A_137] : memref<10112x128xf32, #tpu.memory_space<vmem_shared>> -> memref<632x128xf32, #tpu.memory_space<vmem_shared>>
      tpu.enqueue_dma source(%arg4 : memref<632x128xf32, #tpu.memory_space<hbm>>) target(%dma_start3A_138 : memref<632x128xf32, #tpu.memory_space<vmem_shared>>) target_semaphore(%run_scoped3A_136 : memref<!tpu.dma_semaphore, #tpu.memory_space<semaphore_mem>>)
      %dma_wait3A_139 = arith.constant 0 : i32
      %dma_wait3A_140 = tpu.memref_slice %arg6[%mul3A_2, %dma_wait3A_139] : memref<10112x128xf32, #tpu.memory_space<vmem_shared>> -> memref<632x128xf32, #tpu.memory_space<vmem_shared>>
      tpu.wait_dma2 semaphore(%run_scoped3A_136 : memref<!tpu.dma_semaphore, #tpu.memory_space<semaphore_mem>>) src(%arg4 : memref<632x128xf32, #tpu.memory_space<hbm>>) dst(%dma_wait3A_140 : memref<632x128xf32, #tpu.memory_space<vmem_shared>>)
      tpu.yield
    }) : () -> ()
    %barrier3A = arith.constant 0 : index
    tpu.barrier barrier_id(%barrier3A)
    %get3A = arith.constant 0 : i32
    %get3A_3 = arith.index_cast %get3A : i32 to index
    %get3A_4 = arith.constant 0 : index
    %get3A_5 = tpu.vector_load %arg7[%get3A_3, %get3A_4] {strides = array<i32>} : memref<125x80xi32, #tpu.memory_space<vmem>>, vector<1x16xi32>,
    %get3A_6 = vector.shape_cast %get3A_5 : vector<1x16xi32> to vector<16xi32>
    %shift_right_logical3A = arith.constant 14 : i32
    %shift_right_logical3A_7 = vector.broadcast %shift_right_logical3A : i32 to vector<16xi32>
    %shift_right_logical3A_8 = arith.shrui %get3A_6, %shift_right_logical3A_7 : vector<16xi32>
    %swap3A = arith.constant 0 : i32
    %swap3A_9 = arith.index_cast %swap3A : i32 to index
    %swap3A_10 = arith.constant 0 : index
    %swap3A_11 = tpu.vector_load %arg8[%swap3A_9, %swap3A_10] {strides = array<i32>} : memref<2x80xi32, #tpu.memory_space<vmem>>, vector<1x16xi32>,
    %swap3A_12 = vector.shape_cast %swap3A_11 : vector<1x16xi32> to vector<16xi32>
    %swap3A_13 = vector.shape_cast %shift_right_logical3A_8 : vector<16xi32> to vector<1x16xi32>
    tpu.vector_store %arg8[%swap3A_9, %swap3A_10], %swap3A_13 {strides = array<i32>} : memref<2x80xi32, #tpu.memory_space<vmem>>, vector<1x16xi32>,
    %and3A = arith.constant 16383 : i32
    %and3A_14 = vector.broadcast %and3A : i32 to vector<16xi32>
    %and3A_15 = arith.andi %get3A_6, %and3A_14 : vector<16xi32>
    %swap3A_16 = arith.constant 0 : i32
    %swap3A_17 = arith.index_cast %swap3A_16 : i32 to index
    %swap3A_18 = arith.constant 0 : index
    %swap3A_19 = tpu.vector_load %arg9[%swap3A_17, %swap3A_18] {strides = array<i32>} : memref<2x80xi32, #tpu.memory_space<vmem>>, vector<1x16xi32>,
    %swap3A_20 = vector.shape_cast %swap3A_19 : vector<1x16xi32> to vector<16xi32>
    %swap3A_21 = vector.shape_cast %and3A_15 : vector<16xi32> to vector<1x16xi32>
    tpu.vector_store %arg9[%swap3A_17, %swap3A_18], %swap3A_21 {strides = array<i32>} : memref<2x80xi32, #tpu.memory_space<vmem>>, vector<1x16xi32>,
    %get3A_22 = arith.constant 0 : i32
    %get3A_23 = arith.index_cast %get3A_22 : i32 to index
    %get3A_24 = arith.constant 16 : index
    %get3A_25 = tpu.vector_load %arg7[%get3A_23, %get3A_24] {strides = array<i32>} : memref<125x80xi32, #tpu.memory_space<vmem>>, vector<1x16xi32>,
    %get3A_26 = vector.shape_cast %get3A_25 : vector<1x16xi32> to vector<16xi32>
    %shift_right_logical3A_27 = arith.constant 14 : i32
    %shift_right_logical3A_28 = vector.broadcast %shift_right_logical3A_27 : i32 to vector<16xi32>
    %shift_right_logical3A_29 = arith.shrui %get3A_26, %shift_right_logical3A_28 : vector<16xi32>
    %swap3A_30 = arith.constant 0 : i32
    %swap3A_31 = arith.index_cast %swap3A_30 : i32 to index
    %swap3A_32 = arith.constant 16 : index
    %swap3A_33 = tpu.vector_load %arg8[%swap3A_31, %swap3A_32] {strides = array<i32>} : memref<2x80xi32, #tpu.memory_space<vmem>>, vector<1x16xi32>,
    %swap3A_34 = vector.shape_cast %swap3A_33 : vector<1x16xi32> to vector<16xi32>
    %swap3A_35 = vector.shape_cast %shift_right_logical3A_29 : vector<16xi32> to vector<1x16xi32>
    tpu.vector_store %arg8[%swap3A_31, %swap3A_32], %swap3A_35 {strides = array<i32>} : memref<2x80xi32, #tpu.memory_space<vmem>>, vector<1x16xi32>,
    %and3A_36 = arith.constant 16383 : i32
    %and3A_37 = vector.broadcast %and3A_36 : i32 to vector<16xi32>
    %and3A_38 = arith.andi %get3A_26, %and3A_37 : vector<16xi32>
    %swap3A_39 = arith.constant 0 : i32
    %swap3A_40 = arith.index_cast %swap3A_39 : i32 to index
    %swap3A_41 = arith.constant 16 : index
    %swap3A_42 = tpu.vector_load %arg9[%swap3A_40, %swap3A_41] {strides = array<i32>} : memref<2x80xi32, #tpu.memory_space<vmem>>, vector<1x16xi32>,
    %swap3A_43 = vector.shape_cast %swap3A_42 : vector<1x16xi32> to vector<16xi32>
    %swap3A_44 = vector.shape_cast %and3A_38 : vector<16xi32> to vector<1x16xi32>
    tpu.vector_store %arg9[%swap3A_40, %swap3A_41], %swap3A_44 {strides = array<i32>} : memref<2x80xi32, #tpu.memory_space<vmem>>, vector<1x16xi32>,
    %get3A_45 = arith.constant 0 : i32
    %get3A_46 = arith.index_cast %get3A_45 : i32 to index
    %get3A_47 = arith.constant 32 : index
    %get3A_48 = tpu.vector_load %arg7[%get3A_46, %get3A_47] {strides = array<i32>} : memref<125x80xi32, #tpu.memory_space<vmem>>, vector<1x16xi32>,
    %get3A_49 = vector.shape_cast %get3A_48 : vector<1x16xi32> to vector<16xi32>
    %shift_right_logical3A_50 = arith.constant 14 : i32
    %shift_right_logical3A_51 = vector.broadcast %shift_right_logical3A_50 : i32 to vector<16xi32>
    %shift_right_logical3A_52 = arith.shrui %get3A_49, %shift_right_logical3A_51 : vector<16xi32>
    %swap3A_53 = arith.constant 0 : i32
    %swap3A_54 = arith.index_cast %swap3A_53 : i32 to index
    %swap3A_55 = arith.constant 32 : index
    %swap3A_56 = tpu.vector_load %arg8[%swap3A_54, %swap3A_55] {strides = array<i32>} : memref<2x80xi32, #tpu.memory_space<vmem>>, vector<1x16xi32>,
    %swap3A_57 = vector.shape_cast %swap3A_56 : vector<1x16xi32> to vector<16xi32>
    %swap3A_58 = vector.shape_cast %shift_right_logical3A_52 : vector<16xi32> to vector<1x16xi32>
    tpu.vector_store %arg8[%swap3A_54, %swap3A_55], %swap3A_58 {strides = array<i32>} : memref<2x80xi32, #tpu.memory_space<vmem>>, vector<1x16xi32>,
    %and3A_59 = arith.constant 16383 : i32
    %and3A_60 = vector.broadcast %and3A_59 : i32 to vector<16xi32>
    %and3A_61 = arith.andi %get3A_49, %and3A_60 : vector<16xi32>
    %swap3A_62 = arith.constant 0 : i32
    %swap3A_63 = arith.index_cast %swap3A_62 : i32 to index
    %swap3A_64 = arith.constant 32 : index
    %swap3A_65 = tpu.vector_load %arg9[%swap3A_63, %swap3A_64] {strides = array<i32>} : memref<2x80xi32, #tpu.memory_space<vmem>>, vector<1x16xi32>,
    %swap3A_66 = vector.shape_cast %swap3A_65 : vector<1x16xi32> to vector<16xi32>
    %swap3A_67 = vector.shape_cast %and3A_61 : vector<16xi32> to vector<1x16xi32>
    tpu.vector_store %arg9[%swap3A_63, %swap3A_64], %swap3A_67 {strides = array<i32>} : memref<2x80xi32, #tpu.memory_space<vmem>>, vector<1x16xi32>,
    %get3A_68 = arith.constant 0 : i32
    %get3A_69 = arith.index_cast %get3A_68 : i32 to index
    %get3A_70 = arith.constant 48 : index
    %get3A_71 = tpu.vector_load %arg7[%get3A_69, %get3A_70] {strides = array<i32>} : memref<125x80xi32, #tpu.memory_space<vmem>>, vector<1x16xi32>,
    %get3A_72 = vector.shape_cast %get3A_71 : vector<1x16xi32> to vector<16xi32>
    %shift_right_logical3A_73 = arith.constant 14 : i32
    %shift_right_logical3A_74 = vector.broadcast %shift_right_logical3A_73 : i32 to vector<16xi32>
    %shift_right_logical3A_75 = arith.shrui %get3A_72, %shift_right_logical3A_74 : vector<16xi32>
    %swap3A_76 = arith.constant 0 : i32
    %swap3A_77 = arith.index_cast %swap3A_76 : i32 to index
    %swap3A_78 = arith.constant 48 : index
    %swap3A_79 = tpu.vector_load %arg8[%swap3A_77, %swap3A_78] {strides = array<i32>} : memref<2x80xi32, #tpu.memory_space<vmem>>, vector<1x16xi32>,
    %swap3A_80 = vector.shape_cast %swap3A_79 : vector<1x16xi32> to vector<16xi32>
    %swap3A_81 = vector.shape_cast %shift_right_logical3A_75 : vector<16xi32> to vector<1x16xi32>
    tpu.vector_store %arg8[%swap3A_77, %swap3A_78], %swap3A_81 {strides = array<i32>} : memref<2x80xi32, #tpu.memory_space<vmem>>, vector<1x16xi32>,
    %and3A_82 = arith.constant 16383 : i32
    %and3A_83 = vector.broadcast %and3A_82 : i32 to vector<16xi32>
    %and3A_84 = arith.andi %get3A_72, %and3A_83 : vector<16xi32>
    %swap3A_85 = arith.constant 0 : i32
    %swap3A_86 = arith.index_cast %swap3A_85 : i32 to index
    %swap3A_87 = arith.constant 48 : index
    %swap3A_88 = tpu.vector_load %arg9[%swap3A_86, %swap3A_87] {strides = array<i32>} : memref<2x80xi32, #tpu.memory_space<vmem>>, vector<1x16xi32>,
    %swap3A_89 = vector.shape_cast %swap3A_88 : vector<1x16xi32> to vector<16xi32>
    %swap3A_90 = vector.shape_cast %and3A_84 : vector<16xi32> to vector<1x16xi32>
    tpu.vector_store %arg9[%swap3A_86, %swap3A_87], %swap3A_90 {strides = array<i32>} : memref<2x80xi32, #tpu.memory_space<vmem>>, vector<1x16xi32>,
    %get3A_91 = arith.constant 0 : i32
    %get3A_92 = arith.index_cast %get3A_91 : i32 to index
    %get3A_93 = arith.constant 64 : index
    %get3A_94 = tpu.vector_load %arg7[%get3A_92, %get3A_93] {strides = array<i32>} : memref<125x80xi32, #tpu.memory_space<vmem>>, vector<1x16xi32>,
    %get3A_95 = vector.shape_cast %get3A_94 : vector<1x16xi32> to vector<16xi32>
    %shift_right_logical3A_96 = arith.constant 14 : i32
    %shift_right_logical3A_97 = vector.broadcast %shift_right_logical3A_96 : i32 to vector<16xi32>
    %shift_right_logical3A_98 = arith.shrui %get3A_95, %shift_right_logical3A_97 : vector<16xi32>
    %swap3A_99 = arith.constant 0 : i32
    %swap3A_100 = arith.index_cast %swap3A_99 : i32 to index
    %swap3A_101 = arith.constant 64 : index
    %swap3A_102 = tpu.vector_load %arg8[%swap3A_100, %swap3A_101] {strides = array<i32>} : memref<2x80xi32, #tpu.memory_space<vmem>>, vector<1x16xi32>,
    %swap3A_103 = vector.shape_cast %swap3A_102 : vector<1x16xi32> to vector<16xi32>
    %swap3A_104 = vector.shape_cast %shift_right_logical3A_98 : vector<16xi32> to vector<1x16xi32>
    tpu.vector_store %arg8[%swap3A_100, %swap3A_101], %swap3A_104 {strides = array<i32>} : memref<2x80xi32, #tpu.memory_space<vmem>>, vector<1x16xi32>,
    %and3A_105 = arith.constant 16383 : i32
    %and3A_106 = vector.broadcast %and3A_105 : i32 to vector<16xi32>
    %and3A_107 = arith.andi %get3A_95, %and3A_106 : vector<16xi32>
    %swap3A_108 = arith.constant 0 : i32
    %swap3A_109 = arith.index_cast %swap3A_108 : i32 to index
    %swap3A_110 = arith.constant 64 : index
    %swap3A_111 = tpu.vector_load %arg9[%swap3A_109, %swap3A_110] {strides = array<i32>} : memref<2x80xi32, #tpu.memory_space<vmem>>, vector<1x16xi32>,
    %swap3A_112 = vector.shape_cast %swap3A_111 : vector<1x16xi32> to vector<16xi32>
    %swap3A_113 = vector.shape_cast %and3A_107 : vector<16xi32> to vector<1x16xi32>
    tpu.vector_store %arg9[%swap3A_109, %swap3A_110], %swap3A_113 {strides = array<i32>} : memref<2x80xi32, #tpu.memory_space<vmem>>, vector<1x16xi32>,
    %dma_start3A = arith.constant 0 : i32
    %dma_start3A_114 = arith.constant 0 : i32
    %dma_start3A_115 = tpu.memref_slice %arg8[%dma_start3A, %dma_start3A_114] : memref<2x80xi32, #tpu.memory_space<vmem>> -> memref<1x80xi32, #tpu.memory_space<vmem>>
    %dma_start3A_116 = tpu.memref_squeeze %dma_start3A_115 : memref<1x80xi32, #tpu.memory_space<vmem>> -> memref<80xi32, #tpu.memory_space<vmem>>
    %dma_start3A_117 = arith.constant 0 : i32
    %dma_start3A_118 = arith.constant 0 : i32
    %dma_start3A_119 = tpu.memref_slice %arg2[%dma_start3A_117, %dma_start3A_118] : memref<10000x128xf32, #tpu.memory_space<hbm>> -> memref<10000x128xf32, #tpu.memory_space<hbm>>
    tpu.enqueue_indirect_dma source(%dma_start3A_119 : memref<10000x128xf32, #tpu.memory_space<hbm>>) target(%arg10 : memref<80x128xf32, #tpu.memory_space<vmem>>) offsets(%dma_start3A_116 : memref<80xi32, #tpu.memory_space<vmem>>) semaphore(%arg12 : memref<!tpu.dma_semaphore, #tpu.memory_space<semaphore_mem>>)
    %scan3A = arith.constant 0 : i32
    %scan3A_120 = arith.constant 0 : i32
    %scan3A_121 = arith.constant 62 : i32
    %scan3A_122 = arith.addi %scan3A_120, %scan3A_121 : i32
    %scan3A_123 = arith.constant 1 : i32
    scf.for %scan3A_136 = %scan3A_120 to %scan3A_122 step %scan3A_123  : i32 {
      %mul3A_137 = arith.constant 2 : i32
      %mul3A_138 = arith.muli %mul3A_137, %scan3A_136 : i32
      %add3A_139 = arith.constant 1 : i32
      %add3A_140 = arith.addi %mul3A_138, %add3A_139 : i32
      %get3A_141 = arith.index_cast %add3A_140 : i32 to index
      %get3A_142 = arith.constant 0 : index
      %get3A_143 = tpu.vector_load %arg7[%get3A_141, %get3A_142] {strides = array<i32>} : memref<125x80xi32, #tpu.memory_space<vmem>>, vector<1x16xi32>,
      %get3A_144 = vector.shape_cast %get3A_143 : vector<1x16xi32> to vector<16xi32>
      %shift_right_logical3A_145 = arith.constant 14 : i32
      %shift_right_logical3A_146 = vector.broadcast %shift_right_logical3A_145 : i32 to vector<16xi32>
      %shift_right_logical3A_147 = arith.shrui %get3A_144, %shift_right_logical3A_146 : vector<16xi32>
      %swap3A_148 = arith.constant 1 : i32
      %swap3A_149 = arith.index_cast %swap3A_148 : i32 to index
      %swap3A_150 = arith.constant 0 : index
      %swap3A_151 = tpu.vector_load %arg8[%swap3A_149, %swap3A_150] {strides = array<i32>} : memref<2x80xi32, #tpu.memory_space<vmem>>, vector<1x16xi32>,
      %swap3A_152 = vector.shape_cast %swap3A_151 : vector<1x16xi32> to vector<16xi32>
      %swap3A_153 = vector.shape_cast %shift_right_logical3A_147 : vector<16xi32> to vector<1x16xi32>
      tpu.vector_store %arg8[%swap3A_149, %swap3A_150], %swap3A_153 {strides = array<i32>} : memref<2x80xi32, #tpu.memory_space<vmem>>, vector<1x16xi32>,
      %and3A_154 = arith.constant 16383 : i32
      %and3A_155 = vector.broadcast %and3A_154 : i32 to vector<16xi32>
      %and3A_156 = arith.andi %get3A_144, %and3A_155 : vector<16xi32>
      %swap3A_157 = arith.constant 1 : i32
      %swap3A_158 = arith.index_cast %swap3A_157 : i32 to index
      %swap3A_159 = arith.constant 0 : index
      %swap3A_160 = tpu.vector_load %arg9[%swap3A_158, %swap3A_159] {strides = array<i32>} : memref<2x80xi32, #tpu.memory_space<vmem>>, vector<1x16xi32>,
      %swap3A_161 = vector.shape_cast %swap3A_160 : vector<1x16xi32> to vector<16xi32>
      %swap3A_162 = vector.shape_cast %and3A_156 : vector<16xi32> to vector<1x16xi32>
      tpu.vector_store %arg9[%swap3A_158, %swap3A_159], %swap3A_162 {strides = array<i32>} : memref<2x80xi32, #tpu.memory_space<vmem>>, vector<1x16xi32>,
      %get3A_163 = arith.index_cast %add3A_140 : i32 to index
      %get3A_164 = arith.constant 16 : index
      %get3A_165 = tpu.vector_load %arg7[%get3A_163, %get3A_164] {strides = array<i32>} : memref<125x80xi32, #tpu.memory_space<vmem>>, vector<1x16xi32>,
      %get3A_166 = vector.shape_cast %get3A_165 : vector<1x16xi32> to vector<16xi32>
      %shift_right_logical3A_167 = arith.constant 14 : i32
      %shift_right_logical3A_168 = vector.broadcast %shift_right_logical3A_167 : i32 to vector<16xi32>
      %shift_right_logical3A_169 = arith.shrui %get3A_166, %shift_right_logical3A_168 : vector<16xi32>
      %swap3A_170 = arith.constant 1 : i32
      %swap3A_171 = arith.index_cast %swap3A_170 : i32 to index
      %swap3A_172 = arith.constant 16 : index
      %swap3A_173 = tpu.vector_load %arg8[%swap3A_171, %swap3A_172] {strides = array<i32>} : memref<2x80xi32, #tpu.memory_space<vmem>>, vector<1x16xi32>,
      %swap3A_174 = vector.shape_cast %swap3A_173 : vector<1x16xi32> to vector<16xi32>
      %swap3A_175 = vector.shape_cast %shift_right_logical3A_169 : vector<16xi32> to vector<1x16xi32>
      tpu.vector_store %arg8[%swap3A_171, %swap3A_172], %swap3A_175 {strides = array<i32>} : memref<2x80xi32, #tpu.memory_space<vmem>>, vector<1x16xi32>,
      %and3A_176 = arith.constant 16383 : i32
      %and3A_177 = vector.broadcast %and3A_176 : i32 to vector<16xi32>
      %and3A_178 = arith.andi %get3A_166, %and3A_177 : vector<16xi32>
      %swap3A_179 = arith.constant 1 : i32
      %swap3A_180 = arith.index_cast %swap3A_179 : i32 to index
      %swap3A_181 = arith.constant 16 : index
      %swap3A_182 = tpu.vector_load %arg9[%swap3A_180, %swap3A_181] {strides = array<i32>} : memref<2x80xi32, #tpu.memory_space<vmem>>, vector<1x16xi32>,
      %swap3A_183 = vector.shape_cast %swap3A_182 : vector<1x16xi32> to vector<16xi32>
      %swap3A_184 = vector.shape_cast %and3A_178 : vector<16xi32> to vector<1x16xi32>
      tpu.vector_store %arg9[%swap3A_180, %swap3A_181], %swap3A_184 {strides = array<i32>} : memref<2x80xi32, #tpu.memory_space<vmem>>, vector<1x16xi32>,
      %get3A_185 = arith.index_cast %add3A_140 : i32 to index
      %get3A_186 = arith.constant 32 : index
      %get3A_187 = tpu.vector_load %arg7[%get3A_185, %get3A_186] {strides = array<i32>} : memref<125x80xi32, #tpu.memory_space<vmem>>, vector<1x16xi32>,
      %get3A_188 = vector.shape_cast %get3A_187 : vector<1x16xi32> to vector<16xi32>
      %shift_right_logical3A_189 = arith.constant 14 : i32
      %shift_right_logical3A_190 = vector.broadcast %shift_right_logical3A_189 : i32 to vector<16xi32>
      %shift_right_logical3A_191 = arith.shrui %get3A_188, %shift_right_logical3A_190 : vector<16xi32>
      %swap3A_192 = arith.constant 1 : i32
      %swap3A_193 = arith.index_cast %swap3A_192 : i32 to index
      %swap3A_194 = arith.constant 32 : index
      %swap3A_195 = tpu.vector_load %arg8[%swap3A_193, %swap3A_194] {strides = array<i32>} : memref<2x80xi32, #tpu.memory_space<vmem>>, vector<1x16xi32>,
      %swap3A_196 = vector.shape_cast %swap3A_195 : vector<1x16xi32> to vector<16xi32>
      %swap3A_197 = vector.shape_cast %shift_right_logical3A_191 : vector<16xi32> to vector<1x16xi32>
      tpu.vector_store %arg8[%swap3A_193, %swap3A_194], %swap3A_197 {strides = array<i32>} : memref<2x80xi32, #tpu.memory_space<vmem>>, vector<1x16xi32>,
      %and3A_198 = arith.constant 16383 : i32
      %and3A_199 = vector.broadcast %and3A_198 : i32 to vector<16xi32>
      %and3A_200 = arith.andi %get3A_188, %and3A_199 : vector<16xi32>
      %swap3A_201 = arith.constant 1 : i32
      %swap3A_202 = arith.index_cast %swap3A_201 : i32 to index
      %swap3A_203 = arith.constant 32 : index
      %swap3A_204 = tpu.vector_load %arg9[%swap3A_202, %swap3A_203] {strides = array<i32>} : memref<2x80xi32, #tpu.memory_space<vmem>>, vector<1x16xi32>,
      %swap3A_205 = vector.shape_cast %swap3A_204 : vector<1x16xi32> to vector<16xi32>
      %swap3A_206 = vector.shape_cast %and3A_200 : vector<16xi32> to vector<1x16xi32>
      tpu.vector_store %arg9[%swap3A_202, %swap3A_203], %swap3A_206 {strides = array<i32>} : memref<2x80xi32, #tpu.memory_space<vmem>>, vector<1x16xi32>,
      %get3A_207 = arith.index_cast %add3A_140 : i32 to index
      %get3A_208 = arith.constant 48 : index
      %get3A_209 = tpu.vector_load %arg7[%get3A_207, %get3A_208] {strides = array<i32>} : memref<125x80xi32, #tpu.memory_space<vmem>>, vector<1x16xi32>,
      %get3A_210 = vector.shape_cast %get3A_209 : vector<1x16xi32> to vector<16xi32>
      %shift_right_logical3A_211 = arith.constant 14 : i32
      %shift_right_logical3A_212 = vector.broadcast %shift_right_logical3A_211 : i32 to vector<16xi32>
      %shift_right_logical3A_213 = arith.shrui %get3A_210, %shift_right_logical3A_212 : vector<16xi32>
      %swap3A_214 = arith.constant 1 : i32
      %swap3A_215 = arith.index_cast %swap3A_214 : i32 to index
      %swap3A_216 = arith.constant 48 : index
      %swap3A_217 = tpu.vector_load %arg8[%swap3A_215, %swap3A_216] {strides = array<i32>} : memref<2x80xi32, #tpu.memory_space<vmem>>, vector<1x16xi32>,
      %swap3A_218 = vector.shape_cast %swap3A_217 : vector<1x16xi32> to vector<16xi32>
      %swap3A_219 = vector.shape_cast %shift_right_logical3A_213 : vector<16xi32> to vector<1x16xi32>
      tpu.vector_store %arg8[%swap3A_215, %swap3A_216], %swap3A_219 {strides = array<i32>} : memref<2x80xi32, #tpu.memory_space<vmem>>, vector<1x16xi32>,
      %and3A_220 = arith.constant 16383 : i32
      %and3A_221 = vector.broadcast %and3A_220 : i32 to vector<16xi32>
      %and3A_222 = arith.andi %get3A_210, %and3A_221 : vector<16xi32>
      %swap3A_223 = arith.constant 1 : i32
      %swap3A_224 = arith.index_cast %swap3A_223 : i32 to index
      %swap3A_225 = arith.constant 48 : index
      %swap3A_226 = tpu.vector_load %arg9[%swap3A_224, %swap3A_225] {strides = array<i32>} : memref<2x80xi32, #tpu.memory_space<vmem>>, vector<1x16xi32>,
      %swap3A_227 = vector.shape_cast %swap3A_226 : vector<1x16xi32> to vector<16xi32>
      %swap3A_228 = vector.shape_cast %and3A_222 : vector<16xi32> to vector<1x16xi32>
      tpu.vector_store %arg9[%swap3A_224, %swap3A_225], %swap3A_228 {strides = array<i32>} : memref<2x80xi32, #tpu.memory_space<vmem>>, vector<1x16xi32>,
      %get3A_229 = arith.index_cast %add3A_140 : i32 to index
      %get3A_230 = arith.constant 64 : index
      %get3A_231 = tpu.vector_load %arg7[%get3A_229, %get3A_230] {strides = array<i32>} : memref<125x80xi32, #tpu.memory_space<vmem>>, vector<1x16xi32>,
      %get3A_232 = vector.shape_cast %get3A_231 : vector<1x16xi32> to vector<16xi32>
      %shift_right_logical3A_233 = arith.constant 14 : i32
      %shift_right_logical3A_234 = vector.broadcast %shift_right_logical3A_233 : i32 to vector<16xi32>
      %shift_right_logical3A_235 = arith.shrui %get3A_232, %shift_right_logical3A_234 : vector<16xi32>
      %swap3A_236 = arith.constant 1 : i32
      %swap3A_237 = arith.index_cast %swap3A_236 : i32 to index
      %swap3A_238 = arith.constant 64 : index
      %swap3A_239 = tpu.vector_load %arg8[%swap3A_237, %swap3A_238] {strides = array<i32>} : memref<2x80xi32, #tpu.memory_space<vmem>>, vector<1x16xi32>,
      %swap3A_240 = vector.shape_cast %swap3A_239 : vector<1x16xi32> to vector<16xi32>
      %swap3A_241 = vector.shape_cast %shift_right_logical3A_235 : vector<16xi32> to vector<1x16xi32>
      tpu.vector_store %arg8[%swap3A_237, %swap3A_238], %swap3A_241 {strides = array<i32>} : memref<2x80xi32, #tpu.memory_space<vmem>>, vector<1x16xi32>,
      %and3A_242 = arith.constant 16383 : i32
      %and3A_243 = vector.broadcast %and3A_242 : i32 to vector<16xi32>
      %and3A_244 = arith.andi %get3A_232, %and3A_243 : vector<16xi32>
      %swap3A_245 = arith.constant 1 : i32
      %swap3A_246 = arith.index_cast %swap3A_245 : i32 to index
      %swap3A_247 = arith.constant 64 : index
      %swap3A_248 = tpu.vector_load %arg9[%swap3A_246, %swap3A_247] {strides = array<i32>} : memref<2x80xi32, #tpu.memory_space<vmem>>, vector<1x16xi32>,
      %swap3A_249 = vector.shape_cast %swap3A_248 : vector<1x16xi32> to vector<16xi32>
      %swap3A_250 = vector.shape_cast %and3A_244 : vector<16xi32> to vector<1x16xi32>
      tpu.vector_store %arg9[%swap3A_246, %swap3A_247], %swap3A_250 {strides = array<i32>} : memref<2x80xi32, #tpu.memory_space<vmem>>, vector<1x16xi32>,
      %dma_start3A_251 = arith.constant 1 : i32
      %dma_start3A_252 = arith.constant 0 : i32
      %dma_start3A_253 = tpu.memref_slice %arg8[%dma_start3A_251, %dma_start3A_252] : memref<2x80xi32, #tpu.memory_space<vmem>> -> memref<1x80xi32, #tpu.memory_space<vmem>>
      %dma_start3A_254 = tpu.memref_squeeze %dma_start3A_253 : memref<1x80xi32, #tpu.memory_space<vmem>> -> memref<80xi32, #tpu.memory_space<vmem>>
      %dma_start3A_255 = arith.constant 0 : i32
      %dma_start3A_256 = arith.constant 0 : i32
      %dma_start3A_257 = tpu.memref_slice %arg2[%dma_start3A_255, %dma_start3A_256] : memref<10000x128xf32, #tpu.memory_space<hbm>> -> memref<10000x128xf32, #tpu.memory_space<hbm>>
      tpu.enqueue_indirect_dma source(%dma_start3A_257 : memref<10000x128xf32, #tpu.memory_space<hbm>>) target(%arg11 : memref<80x128xf32, #tpu.memory_space<vmem>>) offsets(%dma_start3A_254 : memref<80xi32, #tpu.memory_space<vmem>>) semaphore(%arg13 : memref<!tpu.dma_semaphore, #tpu.memory_space<semaphore_mem>>)
      %dma_wait3A_258 = arith.constant 0 : i32
      %dma_wait3A_259 = arith.constant 0 : i32
      %dma_wait3A_260 = tpu.memref_slice %arg8[%dma_wait3A_258, %dma_wait3A_259] : memref<2x80xi32, #tpu.memory_space<vmem>> -> memref<1x80xi32, #tpu.memory_space<vmem>>
      %dma_wait3A_261 = tpu.memref_squeeze %dma_wait3A_260 : memref<1x80xi32, #tpu.memory_space<vmem>> -> memref<80xi32, #tpu.memory_space<vmem>>
      %dma_wait3A_262 = arith.constant 0 : i32
      %dma_wait3A_263 = arith.constant 0 : i32
      %dma_wait3A_264 = tpu.memref_slice %arg2[%dma_wait3A_262, %dma_wait3A_263] : memref<10000x128xf32, #tpu.memory_space<hbm>> -> memref<10000x128xf32, #tpu.memory_space<hbm>>
      tpu.wait_indirect_dma semaphore(%arg12 : memref<!tpu.dma_semaphore, #tpu.memory_space<semaphore_mem>>) src(%dma_wait3A_264 : memref<10000x128xf32, #tpu.memory_space<hbm>>) dst(%arg10 : memref<80x128xf32, #tpu.memory_space<vmem>>)
      %run_scoped3A_265 = arith.constant 0 : i32
      "tpu.region"() ({
        %run_scoped3A_393 = tpu.sem_alloc : memref<!tpu.dma_semaphore, #tpu.memory_space<semaphore_mem>>
        %dma_start3A_394 = arith.constant 0 : i32
        %dma_start3A_395 = tpu.memref_slice %arg9[%run_scoped3A_265, %dma_start3A_394] : memref<2x80xi32, #tpu.memory_space<vmem>> -> memref<1x80xi32, #tpu.memory_space<vmem>>
        %dma_start3A_396 = tpu.memref_squeeze %dma_start3A_395 : memref<1x80xi32, #tpu.memory_space<vmem>> -> memref<80xi32, #tpu.memory_space<vmem>>
        %dma_start3A_397 = arith.constant 0 : i32
        %dma_start3A_398 = arith.constant 0 : i32
        %dma_start3A_399 = tpu.memref_slice %arg6[%dma_start3A_397, %dma_start3A_398] : memref<10112x128xf32, #tpu.memory_space<vmem_shared>> -> memref<10112x128xf32, #tpu.memory_space<vmem_shared>>
        tpu.enqueue_indirect_dma source(%arg10 : memref<80x128xf32, #tpu.memory_space<vmem>>) target(%dma_start3A_399 : memref<10112x128xf32, #tpu.memory_space<vmem_shared>>) offsets(%dma_start3A_396 : memref<80xi32, #tpu.memory_space<vmem>>) semaphore(%run_scoped3A_393 : memref<!tpu.dma_semaphore, #tpu.memory_space<semaphore_mem>>) {add = true}
        %dma_wait3A_400 = arith.constant 0 : i32
        %dma_wait3A_401 = tpu.memref_slice %arg9[%run_scoped3A_265, %dma_wait3A_400] : memref<2x80xi32, #tpu.memory_space<vmem>> -> memref<1x80xi32, #tpu.memory_space<vmem>>
        %dma_wait3A_402 = tpu.memref_squeeze %dma_wait3A_401 : memref<1x80xi32, #tpu.memory_space<vmem>> -> memref<80xi32, #tpu.memory_space<vmem>>
        %dma_wait3A_403 = arith.constant 0 : i32
        %dma_wait3A_404 = arith.constant 0 : i32
        %dma_wait3A_405 = tpu.memref_slice %arg6[%dma_wait3A_403, %dma_wait3A_404] : memref<10112x128xf32, #tpu.memory_space<vmem_shared>> -> memref<10112x128xf32, #tpu.memory_space<vmem_shared>>
        tpu.wait_indirect_dma semaphore(%run_scoped3A_393 : memref<!tpu.dma_semaphore, #tpu.memory_space<semaphore_mem>>) src(%arg10 : memref<80x128xf32, #tpu.memory_space<vmem>>) dst(%dma_wait3A_405 : memref<10112x128xf32, #tpu.memory_space<vmem_shared>>)
        tpu.yield
      }) : () -> ()
      %add3A_266 = arith.constant 1 : i32
      %add3A_267 = arith.addi %add3A_140, %add3A_266 : i32
      %get3A_268 = arith.index_cast %add3A_267 : i32 to index
      %get3A_269 = arith.constant 0 : index
      %get3A_270 = tpu.vector_load %arg7[%get3A_268, %get3A_269] {strides = array<i32>} : memref<125x80xi32, #tpu.memory_space<vmem>>, vector<1x16xi32>,
      %get3A_271 = vector.shape_cast %get3A_270 : vector<1x16xi32> to vector<16xi32>
      %shift_right_logical3A_272 = arith.constant 14 : i32
      %shift_right_logical3A_273 = vector.broadcast %shift_right_logical3A_272 : i32 to vector<16xi32>
      %shift_right_logical3A_274 = arith.shrui %get3A_271, %shift_right_logical3A_273 : vector<16xi32>
      %swap3A_275 = arith.constant 0 : i32
      %swap3A_276 = arith.index_cast %swap3A_275 : i32 to index
      %swap3A_277 = arith.constant 0 : index
      %swap3A_278 = tpu.vector_load %arg8[%swap3A_276, %swap3A_277] {strides = array<i32>} : memref<2x80xi32, #tpu.memory_space<vmem>>, vector<1x16xi32>,
      %swap3A_279 = vector.shape_cast %swap3A_278 : vector<1x16xi32> to vector<16xi32>
      %swap3A_280 = vector.shape_cast %shift_right_logical3A_274 : vector<16xi32> to vector<1x16xi32>
      tpu.vector_store %arg8[%swap3A_276, %swap3A_277], %swap3A_280 {strides = array<i32>} : memref<2x80xi32, #tpu.memory_space<vmem>>, vector<1x16xi32>,
      %and3A_281 = arith.constant 16383 : i32
      %and3A_282 = vector.broadcast %and3A_281 : i32 to vector<16xi32>
      %and3A_283 = arith.andi %get3A_271, %and3A_282 : vector<16xi32>
      %swap3A_284 = arith.constant 0 : i32
      %swap3A_285 = arith.index_cast %swap3A_284 : i32 to index
      %swap3A_286 = arith.constant 0 : index
      %swap3A_287 = tpu.vector_load %arg9[%swap3A_285, %swap3A_286] {strides = array<i32>} : memref<2x80xi32, #tpu.memory_space<vmem>>, vector<1x16xi32>,
      %swap3A_288 = vector.shape_cast %swap3A_287 : vector<1x16xi32> to vector<16xi32>
      %swap3A_289 = vector.shape_cast %and3A_283 : vector<16xi32> to vector<1x16xi32>
      tpu.vector_store %arg9[%swap3A_285, %swap3A_286], %swap3A_289 {strides = array<i32>} : memref<2x80xi32, #tpu.memory_space<vmem>>, vector<1x16xi32>,
      %get3A_290 = arith.index_cast %add3A_267 : i32 to index
      %get3A_291 = arith.constant 16 : index
      %get3A_292 = tpu.vector_load %arg7[%get3A_290, %get3A_291] {strides = array<i32>} : memref<125x80xi32, #tpu.memory_space<vmem>>, vector<1x16xi32>,
      %get3A_293 = vector.shape_cast %get3A_292 : vector<1x16xi32> to vector<16xi32>
      %shift_right_logical3A_294 = arith.constant 14 : i32
      %shift_right_logical3A_295 = vector.broadcast %shift_right_logical3A_294 : i32 to vector<16xi32>
      %shift_right_logical3A_296 = arith.shrui %get3A_293, %shift_right_logical3A_295 : vector<16xi32>
      %swap3A_297 = arith.constant 0 : i32
      %swap3A_298 = arith.index_cast %swap3A_297 : i32 to index
      %swap3A_299 = arith.constant 16 : index
      %swap3A_300 = tpu.vector_load %arg8[%swap3A_298, %swap3A_299] {strides = array<i32>} : memref<2x80xi32, #tpu.memory_space<vmem>>, vector<1x16xi32>,
      %swap3A_301 = vector.shape_cast %swap3A_300 : vector<1x16xi32> to vector<16xi32>
      %swap3A_302 = vector.shape_cast %shift_right_logical3A_296 : vector<16xi32> to vector<1x16xi32>
      tpu.vector_store %arg8[%swap3A_298, %swap3A_299], %swap3A_302 {strides = array<i32>} : memref<2x80xi32, #tpu.memory_space<vmem>>, vector<1x16xi32>,
      %and3A_303 = arith.constant 16383 : i32
      %and3A_304 = vector.broadcast %and3A_303 : i32 to vector<16xi32>
      %and3A_305 = arith.andi %get3A_293, %and3A_304 : vector<16xi32>
      %swap3A_306 = arith.constant 0 : i32
      %swap3A_307 = arith.index_cast %swap3A_306 : i32 to index
      %swap3A_308 = arith.constant 16 : index
      %swap3A_309 = tpu.vector_load %arg9[%swap3A_307, %swap3A_308] {strides = array<i32>} : memref<2x80xi32, #tpu.memory_space<vmem>>, vector<1x16xi32>,
      %swap3A_310 = vector.shape_cast %swap3A_309 : vector<1x16xi32> to vector<16xi32>
      %swap3A_311 = vector.shape_cast %and3A_305 : vector<16xi32> to vector<1x16xi32>
      tpu.vector_store %arg9[%swap3A_307, %swap3A_308], %swap3A_311 {strides = array<i32>} : memref<2x80xi32, #tpu.memory_space<vmem>>, vector<1x16xi32>,
      %get3A_312 = arith.index_cast %add3A_267 : i32 to index
      %get3A_313 = arith.constant 32 : index
      %get3A_314 = tpu.vector_load %arg7[%get3A_312, %get3A_313] {strides = array<i32>} : memref<125x80xi32, #tpu.memory_space<vmem>>, vector<1x16xi32>,
      %get3A_315 = vector.shape_cast %get3A_314 : vector<1x16xi32> to vector<16xi32>
      %shift_right_logical3A_316 = arith.constant 14 : i32
      %shift_right_logical3A_317 = vector.broadcast %shift_right_logical3A_316 : i32 to vector<16xi32>
      %shift_right_logical3A_318 = arith.shrui %get3A_315, %shift_right_logical3A_317 : vector<16xi32>
      %swap3A_319 = arith.constant 0 : i32
      %swap3A_320 = arith.index_cast %swap3A_319 : i32 to index
      %swap3A_321 = arith.constant 32 : index
      %swap3A_322 = tpu.vector_load %arg8[%swap3A_320, %swap3A_321] {strides = array<i32>} : memref<2x80xi32, #tpu.memory_space<vmem>>, vector<1x16xi32>,
      %swap3A_323 = vector.shape_cast %swap3A_322 : vector<1x16xi32> to vector<16xi32>
      %swap3A_324 = vector.shape_cast %shift_right_logical3A_318 : vector<16xi32> to vector<1x16xi32>
      tpu.vector_store %arg8[%swap3A_320, %swap3A_321], %swap3A_324 {strides = array<i32>} : memref<2x80xi32, #tpu.memory_space<vmem>>, vector<1x16xi32>,
      %and3A_325 = arith.constant 16383 : i32
      %and3A_326 = vector.broadcast %and3A_325 : i32 to vector<16xi32>
      %and3A_327 = arith.andi %get3A_315, %and3A_326 : vector<16xi32>
      %swap3A_328 = arith.constant 0 : i32
      %swap3A_329 = arith.index_cast %swap3A_328 : i32 to index
      %swap3A_330 = arith.constant 32 : index
      %swap3A_331 = tpu.vector_load %arg9[%swap3A_329, %swap3A_330] {strides = array<i32>} : memref<2x80xi32, #tpu.memory_space<vmem>>, vector<1x16xi32>,
      %swap3A_332 = vector.shape_cast %swap3A_331 : vector<1x16xi32> to vector<16xi32>
      %swap3A_333 = vector.shape_cast %and3A_327 : vector<16xi32> to vector<1x16xi32>
      tpu.vector_store %arg9[%swap3A_329, %swap3A_330], %swap3A_333 {strides = array<i32>} : memref<2x80xi32, #tpu.memory_space<vmem>>, vector<1x16xi32>,
      %get3A_334 = arith.index_cast %add3A_267 : i32 to index
      %get3A_335 = arith.constant 48 : index
      %get3A_336 = tpu.vector_load %arg7[%get3A_334, %get3A_335] {strides = array<i32>} : memref<125x80xi32, #tpu.memory_space<vmem>>, vector<1x16xi32>,
      %get3A_337 = vector.shape_cast %get3A_336 : vector<1x16xi32> to vector<16xi32>
      %shift_right_logical3A_338 = arith.constant 14 : i32
      %shift_right_logical3A_339 = vector.broadcast %shift_right_logical3A_338 : i32 to vector<16xi32>
      %shift_right_logical3A_340 = arith.shrui %get3A_337, %shift_right_logical3A_339 : vector<16xi32>
      %swap3A_341 = arith.constant 0 : i32
      %swap3A_342 = arith.index_cast %swap3A_341 : i32 to index
      %swap3A_343 = arith.constant 48 : index
      %swap3A_344 = tpu.vector_load %arg8[%swap3A_342, %swap3A_343] {strides = array<i32>} : memref<2x80xi32, #tpu.memory_space<vmem>>, vector<1x16xi32>,
      %swap3A_345 = vector.shape_cast %swap3A_344 : vector<1x16xi32> to vector<16xi32>
      %swap3A_346 = vector.shape_cast %shift_right_logical3A_340 : vector<16xi32> to vector<1x16xi32>
      tpu.vector_store %arg8[%swap3A_342, %swap3A_343], %swap3A_346 {strides = array<i32>} : memref<2x80xi32, #tpu.memory_space<vmem>>, vector<1x16xi32>,
      %and3A_347 = arith.constant 16383 : i32
      %and3A_348 = vector.broadcast %and3A_347 : i32 to vector<16xi32>
      %and3A_349 = arith.andi %get3A_337, %and3A_348 : vector<16xi32>
      %swap3A_350 = arith.constant 0 : i32
      %swap3A_351 = arith.index_cast %swap3A_350 : i32 to index
      %swap3A_352 = arith.constant 48 : index
      %swap3A_353 = tpu.vector_load %arg9[%swap3A_351, %swap3A_352] {strides = array<i32>} : memref<2x80xi32, #tpu.memory_space<vmem>>, vector<1x16xi32>,
      %swap3A_354 = vector.shape_cast %swap3A_353 : vector<1x16xi32> to vector<16xi32>
      %swap3A_355 = vector.shape_cast %and3A_349 : vector<16xi32> to vector<1x16xi32>
      tpu.vector_store %arg9[%swap3A_351, %swap3A_352], %swap3A_355 {strides = array<i32>} : memref<2x80xi32, #tpu.memory_space<vmem>>, vector<1x16xi32>,
      %get3A_356 = arith.index_cast %add3A_267 : i32 to index
      %get3A_357 = arith.constant 64 : index
      %get3A_358 = tpu.vector_load %arg7[%get3A_356, %get3A_357] {strides = array<i32>} : memref<125x80xi32, #tpu.memory_space<vmem>>, vector<1x16xi32>,
      %get3A_359 = vector.shape_cast %get3A_358 : vector<1x16xi32> to vector<16xi32>
      %shift_right_logical3A_360 = arith.constant 14 : i32
      %shift_right_logical3A_361 = vector.broadcast %shift_right_logical3A_360 : i32 to vector<16xi32>
      %shift_right_logical3A_362 = arith.shrui %get3A_359, %shift_right_logical3A_361 : vector<16xi32>
      %swap3A_363 = arith.constant 0 : i32
      %swap3A_364 = arith.index_cast %swap3A_363 : i32 to index
      %swap3A_365 = arith.constant 64 : index
      %swap3A_366 = tpu.vector_load %arg8[%swap3A_364, %swap3A_365] {strides = array<i32>} : memref<2x80xi32, #tpu.memory_space<vmem>>, vector<1x16xi32>,
      %swap3A_367 = vector.shape_cast %swap3A_366 : vector<1x16xi32> to vector<16xi32>
      %swap3A_368 = vector.shape_cast %shift_right_logical3A_362 : vector<16xi32> to vector<1x16xi32>
      tpu.vector_store %arg8[%swap3A_364, %swap3A_365], %swap3A_368 {strides = array<i32>} : memref<2x80xi32, #tpu.memory_space<vmem>>, vector<1x16xi32>,
      %and3A_369 = arith.constant 16383 : i32
      %and3A_370 = vector.broadcast %and3A_369 : i32 to vector<16xi32>
      %and3A_371 = arith.andi %get3A_359, %and3A_370 : vector<16xi32>
      %swap3A_372 = arith.constant 0 : i32
      %swap3A_373 = arith.index_cast %swap3A_372 : i32 to index
      %swap3A_374 = arith.constant 64 : index
      %swap3A_375 = tpu.vector_load %arg9[%swap3A_373, %swap3A_374] {strides = array<i32>} : memref<2x80xi32, #tpu.memory_space<vmem>>, vector<1x16xi32>,
      %swap3A_376 = vector.shape_cast %swap3A_375 : vector<1x16xi32> to vector<16xi32>
      %swap3A_377 = vector.shape_cast %and3A_371 : vector<16xi32> to vector<1x16xi32>
      tpu.vector_store %arg9[%swap3A_373, %swap3A_374], %swap3A_377 {strides = array<i32>} : memref<2x80xi32, #tpu.memory_space<vmem>>, vector<1x16xi32>,
      %dma_start3A_378 = arith.constant 0 : i32
      %dma_start3A_379 = arith.constant 0 : i32
      %dma_start3A_380 = tpu.memref_slice %arg8[%dma_start3A_378, %dma_start3A_379] : memref<2x80xi32, #tpu.memory_space<vmem>> -> memref<1x80xi32, #tpu.memory_space<vmem>>
      %dma_start3A_381 = tpu.memref_squeeze %dma_start3A_380 : memref<1x80xi32, #tpu.memory_space<vmem>> -> memref<80xi32, #tpu.memory_space<vmem>>
      %dma_start3A_382 = arith.constant 0 : i32
      %dma_start3A_383 = arith.constant 0 : i32
      %dma_start3A_384 = tpu.memref_slice %arg2[%dma_start3A_382, %dma_start3A_383] : memref<10000x128xf32, #tpu.memory_space<hbm>> -> memref<10000x128xf32, #tpu.memory_space<hbm>>
      tpu.enqueue_indirect_dma source(%dma_start3A_384 : memref<10000x128xf32, #tpu.memory_space<hbm>>) target(%arg10 : memref<80x128xf32, #tpu.memory_space<vmem>>) offsets(%dma_start3A_381 : memref<80xi32, #tpu.memory_space<vmem>>) semaphore(%arg12 : memref<!tpu.dma_semaphore, #tpu.memory_space<semaphore_mem>>)
      %dma_wait3A_385 = arith.constant 1 : i32
      %dma_wait3A_386 = arith.constant 0 : i32
      %dma_wait3A_387 = tpu.memref_slice %arg8[%dma_wait3A_385, %dma_wait3A_386] : memref<2x80xi32, #tpu.memory_space<vmem>> -> memref<1x80xi32, #tpu.memory_space<vmem>>
      %dma_wait3A_388 = tpu.memref_squeeze %dma_wait3A_387 : memref<1x80xi32, #tpu.memory_space<vmem>> -> memref<80xi32, #tpu.memory_space<vmem>>
      %dma_wait3A_389 = arith.constant 0 : i32
      %dma_wait3A_390 = arith.constant 0 : i32
      %dma_wait3A_391 = tpu.memref_slice %arg2[%dma_wait3A_389, %dma_wait3A_390] : memref<10000x128xf32, #tpu.memory_space<hbm>> -> memref<10000x128xf32, #tpu.memory_space<hbm>>
      tpu.wait_indirect_dma semaphore(%arg13 : memref<!tpu.dma_semaphore, #tpu.memory_space<semaphore_mem>>) src(%dma_wait3A_391 : memref<10000x128xf32, #tpu.memory_space<hbm>>) dst(%arg11 : memref<80x128xf32, #tpu.memory_space<vmem>>)
      %run_scoped3A_392 = arith.constant 1 : i32
      "tpu.region"() ({
        %run_scoped3A_393 = tpu.sem_alloc : memref<!tpu.dma_semaphore, #tpu.memory_space<semaphore_mem>>
        %dma_start3A_394 = arith.constant 0 : i32
        %dma_start3A_395 = tpu.memref_slice %arg9[%run_scoped3A_392, %dma_start3A_394] : memref<2x80xi32, #tpu.memory_space<vmem>> -> memref<1x80xi32, #tpu.memory_space<vmem>>
        %dma_start3A_396 = tpu.memref_squeeze %dma_start3A_395 : memref<1x80xi32, #tpu.memory_space<vmem>> -> memref<80xi32, #tpu.memory_space<vmem>>
        %dma_start3A_397 = arith.constant 0 : i32
        %dma_start3A_398 = arith.constant 0 : i32
        %dma_start3A_399 = tpu.memref_slice %arg6[%dma_start3A_397, %dma_start3A_398] : memref<10112x128xf32, #tpu.memory_space<vmem_shared>> -> memref<10112x128xf32, #tpu.memory_space<vmem_shared>>
        tpu.enqueue_indirect_dma source(%arg11 : memref<80x128xf32, #tpu.memory_space<vmem>>) target(%dma_start3A_399 : memref<10112x128xf32, #tpu.memory_space<vmem_shared>>) offsets(%dma_start3A_396 : memref<80xi32, #tpu.memory_space<vmem>>) semaphore(%run_scoped3A_393 : memref<!tpu.dma_semaphore, #tpu.memory_space<semaphore_mem>>) {add = true}
        %dma_wait3A_400 = arith.constant 0 : i32
        %dma_wait3A_401 = tpu.memref_slice %arg9[%run_scoped3A_392, %dma_wait3A_400] : memref<2x80xi32, #tpu.memory_space<vmem>> -> memref<1x80xi32, #tpu.memory_space<vmem>>
        %dma_wait3A_402 = tpu.memref_squeeze %dma_wait3A_401 : memref<1x80xi32, #tpu.memory_space<vmem>> -> memref<80xi32, #tpu.memory_space<vmem>>
        %dma_wait3A_403 = arith.constant 0 : i32
        %dma_wait3A_404 = arith.constant 0 : i32
        %dma_wait3A_405 = tpu.memref_slice %arg6[%dma_wait3A_403, %dma_wait3A_404] : memref<10112x128xf32, #tpu.memory_space<vmem_shared>> -> memref<10112x128xf32, #tpu.memory_space<vmem_shared>>
        tpu.wait_indirect_dma semaphore(%run_scoped3A_393 : memref<!tpu.dma_semaphore, #tpu.memory_space<semaphore_mem>>) src(%arg11 : memref<80x128xf32, #tpu.memory_space<vmem>>) dst(%dma_wait3A_405 : memref<10112x128xf32, #tpu.memory_space<vmem_shared>>)
        tpu.yield
      }) : () -> ()
    }
    %scan3A_124 = arith.constant 62 : i32
    %dma_wait3A = arith.constant 0 : i32
    %dma_wait3A_125 = arith.constant 0 : i32
    %dma_wait3A_126 = tpu.memref_slice %arg8[%dma_wait3A, %dma_wait3A_125] : memref<2x80xi32, #tpu.memory_space<vmem>> -> memref<1x80xi32, #tpu.memory_space<vmem>>
    %dma_wait3A_127 = tpu.memref_squeeze %dma_wait3A_126 : memref<1x80xi32, #tpu.memory_space<vmem>> -> memref<80xi32, #tpu.memory_space<vmem>>
    %dma_wait3A_128 = arith.constant 0 : i32
    %dma_wait3A_129 = arith.constant 0 : i32
    %dma_wait3A_130 = tpu.memref_slice %arg2[%dma_wait3A_128, %dma_wait3A_129] : memref<10000x128xf32, #tpu.memory_space<hbm>> -> memref<10000x128xf32, #tpu.memory_space<hbm>>
    tpu.wait_indirect_dma semaphore(%arg12 : memref<!tpu.dma_semaphore, #tpu.memory_space<semaphore_mem>>) src(%dma_wait3A_130 : memref<10000x128xf32, #tpu.memory_space<hbm>>) dst(%arg10 : memref<80x128xf32, #tpu.memory_space<vmem>>)
    %run_scoped3A = arith.constant 0 : i32
    "tpu.region"() ({
      %run_scoped3A_136 = tpu.sem_alloc : memref<!tpu.dma_semaphore, #tpu.memory_space<semaphore_mem>>
      %dma_start3A_137 = arith.constant 0 : i32
      %dma_start3A_138 = tpu.memref_slice %arg9[%run_scoped3A, %dma_start3A_137] : memref<2x80xi32, #tpu.memory_space<vmem>> -> memref<1x80xi32, #tpu.memory_space<vmem>>
      %dma_start3A_139 = tpu.memref_squeeze %dma_start3A_138 : memref<1x80xi32, #tpu.memory_space<vmem>> -> memref<80xi32, #tpu.memory_space<vmem>>
      %dma_start3A_140 = arith.constant 0 : i32
      %dma_start3A_141 = arith.constant 0 : i32
      %dma_start3A_142 = tpu.memref_slice %arg6[%dma_start3A_140, %dma_start3A_141] : memref<10112x128xf32, #tpu.memory_space<vmem_shared>> -> memref<10112x128xf32, #tpu.memory_space<vmem_shared>>
      tpu.enqueue_indirect_dma source(%arg10 : memref<80x128xf32, #tpu.memory_space<vmem>>) target(%dma_start3A_142 : memref<10112x128xf32, #tpu.memory_space<vmem_shared>>) offsets(%dma_start3A_139 : memref<80xi32, #tpu.memory_space<vmem>>) semaphore(%run_scoped3A_136 : memref<!tpu.dma_semaphore, #tpu.memory_space<semaphore_mem>>) {add = true}
      %dma_wait3A_143 = arith.constant 0 : i32
      %dma_wait3A_144 = tpu.memref_slice %arg9[%run_scoped3A, %dma_wait3A_143] : memref<2x80xi32, #tpu.memory_space<vmem>> -> memref<1x80xi32, #tpu.memory_space<vmem>>
      %dma_wait3A_145 = tpu.memref_squeeze %dma_wait3A_144 : memref<1x80xi32, #tpu.memory_space<vmem>> -> memref<80xi32, #tpu.memory_space<vmem>>
      %dma_wait3A_146 = arith.constant 0 : i32
      %dma_wait3A_147 = arith.constant 0 : i32
      %dma_wait3A_148 = tpu.memref_slice %arg6[%dma_wait3A_146, %dma_wait3A_147] : memref<10112x128xf32, #tpu.memory_space<vmem_shared>> -> memref<10112x128xf32, #tpu.memory_space<vmem_shared>>
      tpu.wait_indirect_dma semaphore(%run_scoped3A_136 : memref<!tpu.dma_semaphore, #tpu.memory_space<semaphore_mem>>) src(%arg10 : memref<80x128xf32, #tpu.memory_space<vmem>>) dst(%dma_wait3A_148 : memref<10112x128xf32, #tpu.memory_space<vmem_shared>>)
      tpu.yield
    }) : () -> ()
    %barrier3A_131 = arith.constant 0 : index
    tpu.barrier barrier_id(%barrier3A_131)
    %mul3A_132 = arith.constant 632 : i32
    %mul3A_133 = arith.muli %arg1, %mul3A_132 : i32
    %mul3A_134 = arith.constant 632 : i32
    %mul3A_135 = arith.muli %arg1, %mul3A_134 : i32
    "tpu.region"() ({
      %run_scoped3A_136 = tpu.sem_alloc : memref<!tpu.dma_semaphore, #tpu.memory_space<semaphore_mem>>
      %dma_start3A_137 = arith.constant 0 : i32
      %dma_start3A_138 = arith.constant 0 : i32
      %dma_start3A_139 = tpu.memref_slice %arg5[%arg0, %dma_start3A_137, %dma_start3A_138] : memref<2x10112x128xf32, #tpu.memory_space<hbm>> -> memref<1x10112x128xf32, #tpu.memory_space<hbm>>
      %dma_start3A_140 = tpu.memref_squeeze %dma_start3A_139 : memref<1x10112x128xf32, #tpu.memory_space<hbm>> -> memref<10112x128xf32, #tpu.memory_space<hbm>>
      %dma_start3A_141 = arith.constant 0 : i32
      %dma_start3A_142 = tpu.memref_slice %dma_start3A_140[%mul3A_135, %dma_start3A_141] : memref<10112x128xf32, #tpu.memory_space<hbm>> -> memref<632x128xf32, #tpu.memory_space<hbm>>
      %dma_start3A_143 = arith.constant 0 : i32
      %dma_start3A_144 = tpu.memref_slice %arg6[%mul3A_133, %dma_start3A_143] : memref<10112x128xf32, #tpu.memory_space<vmem_shared>> -> memref<632x128xf32, #tpu.memory_space<vmem_shared>>
      tpu.enqueue_dma source(%dma_start3A_144 : memref<632x128xf32, #tpu.memory_space<vmem_shared>>) target(%dma_start3A_142 : memref<632x128xf32, #tpu.memory_space<hbm>>) target_semaphore(%run_scoped3A_136 : memref<!tpu.dma_semaphore, #tpu.memory_space<semaphore_mem>>)
      %dma_wait3A_145 = arith.constant 0 : i32
      %dma_wait3A_146 = arith.constant 0 : i32
      %dma_wait3A_147 = tpu.memref_slice %arg5[%arg0, %dma_wait3A_145, %dma_wait3A_146] : memref<2x10112x128xf32, #tpu.memory_space<hbm>> -> memref<1x10112x128xf32, #tpu.memory_space<hbm>>
      %dma_wait3A_148 = tpu.memref_squeeze %dma_wait3A_147 : memref<1x10112x128xf32, #tpu.memory_space<hbm>> -> memref<10112x128xf32, #tpu.memory_space<hbm>>
      %dma_wait3A_149 = arith.constant 0 : i32
      %dma_wait3A_150 = tpu.memref_slice %dma_wait3A_148[%mul3A_135, %dma_wait3A_149] : memref<10112x128xf32, #tpu.memory_space<hbm>> -> memref<632x128xf32, #tpu.memory_space<hbm>>
      %dma_wait3A_151 = arith.constant 0 : i32
      %dma_wait3A_152 = tpu.memref_slice %arg6[%mul3A_133, %dma_wait3A_151] : memref<10112x128xf32, #tpu.memory_space<vmem_shared>> -> memref<632x128xf32, #tpu.memory_space<vmem_shared>>
      tpu.wait_dma2 semaphore(%run_scoped3A_136 : memref<!tpu.dma_semaphore, #tpu.memory_space<semaphore_mem>>) src(%dma_wait3A_152 : memref<632x128xf32, #tpu.memory_space<vmem_shared>>) dst(%dma_wait3A_150 : memref<632x128xf32, #tpu.memory_space<hbm>>)
      tpu.yield
    }) : () -> ()
    return
  }
}

#map = affine_map<(d0, d1) -> (0, 0, 0)>
#map1 = affine_map<(d0, d1) -> (0)>
#map2 = affine_map<(d0, d1) -> (0, 0)>
module attributes {stable_mosaic.version = 14 : i64} {
  func.func @_sc_degree(%arg0: i32, %arg1: i32, %arg2: memref<32x160x64xi32, #tpu.memory_space<hbm>>, %arg3: memref<640xf32, #tpu.memory_space<hbm>>, %arg4: memref<64xf32, #tpu.memory_space<hbm>>, %arg5: memref<2x10240xf32, #tpu.memory_space<hbm>>, %arg6: memref<10240xf32, #tpu.memory_space<vmem_shared>>, %arg7: memref<80x64xi32, #tpu.memory_space<vmem>>, %arg8: memref<64xf32, #tpu.memory_space<vmem>>) attributes {dimension_semantics = [#tpu.dimension_semantics<core_parallel>, #tpu.dimension_semantics<subcore_parallel>], iteration_bounds = array<i64: 2, 16>, scalar_prefetch = 0 : i64, scratch_operands = 3 : i64, tpu.core_type = #tpu.core_type<sc_vector_subcore>, window_params = [{transform_indices = #map}, {transform_indices = #map1}, {transform_indices = #map1}, {transform_indices = #map2}]} {
    %mul3A = arith.constant 2 : i32
    %mul3A_0 = arith.muli %arg1, %mul3A : i32
    %add3A = arith.addi %mul3A_0, %arg0 : i32
    "tpu.region"() ({
      %run_scoped3A = tpu.sem_alloc : memref<!tpu.dma_semaphore, #tpu.memory_space<semaphore_mem>>
      tpu.enqueue_dma source(%arg4 : memref<64xf32, #tpu.memory_space<hbm>>) target(%arg8 : memref<64xf32, #tpu.memory_space<vmem>>) target_semaphore(%run_scoped3A : memref<!tpu.dma_semaphore, #tpu.memory_space<semaphore_mem>>)
      tpu.wait_dma2 semaphore(%run_scoped3A : memref<!tpu.dma_semaphore, #tpu.memory_space<semaphore_mem>>) src(%arg4 : memref<64xf32, #tpu.memory_space<hbm>>) dst(%arg8 : memref<64xf32, #tpu.memory_space<vmem>>)
      tpu.yield
    }) : () -> ()
    %mul3A_1 = arith.constant 640 : i32
    %mul3A_2 = arith.muli %arg1, %mul3A_1 : i32
    "tpu.region"() ({
      %run_scoped3A = tpu.sem_alloc : memref<!tpu.dma_semaphore, #tpu.memory_space<semaphore_mem>>
      %dma_start3A = tpu.memref_slice %arg6[%mul3A_2] : memref<10240xf32, #tpu.memory_space<vmem_shared>> -> memref<640xf32, #tpu.memory_space<vmem_shared>>
      tpu.enqueue_dma source(%arg3 : memref<640xf32, #tpu.memory_space<hbm>>) target(%dma_start3A : memref<640xf32, #tpu.memory_space<vmem_shared>>) target_semaphore(%run_scoped3A : memref<!tpu.dma_semaphore, #tpu.memory_space<semaphore_mem>>)
      %dma_wait3A = tpu.memref_slice %arg6[%mul3A_2] : memref<10240xf32, #tpu.memory_space<vmem_shared>> -> memref<640xf32, #tpu.memory_space<vmem_shared>>
      tpu.wait_dma2 semaphore(%run_scoped3A : memref<!tpu.dma_semaphore, #tpu.memory_space<semaphore_mem>>) src(%arg3 : memref<640xf32, #tpu.memory_space<hbm>>) dst(%dma_wait3A : memref<640xf32, #tpu.memory_space<vmem_shared>>)
      tpu.yield
    }) : () -> ()
    %barrier3A = arith.constant 0 : index
    tpu.barrier barrier_id(%barrier3A)
    "tpu.region"() ({
      %run_scoped3A = tpu.sem_alloc : memref<!tpu.dma_semaphore, #tpu.memory_space<semaphore_mem>>
      %dma_start3A = arith.constant 0 : i32
      %dma_start3A_19 = arith.constant 0 : i32
      %dma_start3A_20 = tpu.memref_slice %arg2[%add3A, %dma_start3A, %dma_start3A_19] : memref<32x160x64xi32, #tpu.memory_space<hbm>> -> memref<1x160x64xi32, #tpu.memory_space<hbm>>
      %dma_start3A_21 = tpu.memref_squeeze %dma_start3A_20 : memref<1x160x64xi32, #tpu.memory_space<hbm>> -> memref<160x64xi32, #tpu.memory_space<hbm>>
      %dma_start3A_22 = arith.constant 0 : i32
      %dma_start3A_23 = arith.constant 0 : i32
      %dma_start3A_24 = tpu.memref_slice %dma_start3A_21[%dma_start3A_22, %dma_start3A_23] : memref<160x64xi32, #tpu.memory_space<hbm>> -> memref<80x64xi32, #tpu.memory_space<hbm>>
      %dma_start3A_25 = arith.constant 0 : i32
      %dma_start3A_26 = arith.constant 0 : i32
      %dma_start3A_27 = tpu.memref_slice %arg2[%add3A, %dma_start3A_25, %dma_start3A_26] : memref<32x160x64xi32, #tpu.memory_space<hbm>> -> memref<1x160x64xi32, #tpu.memory_space<hbm>>
      %dma_start3A_28 = tpu.memref_squeeze %dma_start3A_27 : memref<1x160x64xi32, #tpu.memory_space<hbm>> -> memref<160x64xi32, #tpu.memory_space<hbm>>
      %dma_start3A_29 = arith.constant 0 : i32
      %dma_start3A_30 = arith.constant 0 : i32
      %dma_start3A_31 = tpu.memref_slice %dma_start3A_28[%dma_start3A_29, %dma_start3A_30] : memref<160x64xi32, #tpu.memory_space<hbm>> -> memref<80x64xi32, #tpu.memory_space<hbm>>
      tpu.enqueue_dma source(%dma_start3A_31 : memref<80x64xi32, #tpu.memory_space<hbm>>) target(%arg7 : memref<80x64xi32, #tpu.memory_space<vmem>>) target_semaphore(%run_scoped3A : memref<!tpu.dma_semaphore, #tpu.memory_space<semaphore_mem>>)
      %dma_wait3A = arith.constant 0 : i32
      %dma_wait3A_32 = arith.constant 0 : i32
      %dma_wait3A_33 = tpu.memref_slice %arg2[%add3A, %dma_wait3A, %dma_wait3A_32] : memref<32x160x64xi32, #tpu.memory_space<hbm>> -> memref<1x160x64xi32, #tpu.memory_space<hbm>>
      %dma_wait3A_34 = tpu.memref_squeeze %dma_wait3A_33 : memref<1x160x64xi32, #tpu.memory_space<hbm>> -> memref<160x64xi32, #tpu.memory_space<hbm>>
      %dma_wait3A_35 = arith.constant 0 : i32
      %dma_wait3A_36 = arith.constant 0 : i32
      %dma_wait3A_37 = tpu.memref_slice %dma_wait3A_34[%dma_wait3A_35, %dma_wait3A_36] : memref<160x64xi32, #tpu.memory_space<hbm>> -> memref<80x64xi32, #tpu.memory_space<hbm>>
      %dma_wait3A_38 = arith.constant 0 : i32
      %dma_wait3A_39 = arith.constant 0 : i32
      %dma_wait3A_40 = tpu.memref_slice %arg2[%add3A, %dma_wait3A_38, %dma_wait3A_39] : memref<32x160x64xi32, #tpu.memory_space<hbm>> -> memref<1x160x64xi32, #tpu.memory_space<hbm>>
      %dma_wait3A_41 = tpu.memref_squeeze %dma_wait3A_40 : memref<1x160x64xi32, #tpu.memory_space<hbm>> -> memref<160x64xi32, #tpu.memory_space<hbm>>
      %dma_wait3A_42 = arith.constant 0 : i32
      %dma_wait3A_43 = arith.constant 0 : i32
      %dma_wait3A_44 = tpu.memref_slice %dma_wait3A_41[%dma_wait3A_42, %dma_wait3A_43] : memref<160x64xi32, #tpu.memory_space<hbm>> -> memref<80x64xi32, #tpu.memory_space<hbm>>
      tpu.wait_dma2 semaphore(%run_scoped3A : memref<!tpu.dma_semaphore, #tpu.memory_space<semaphore_mem>>) src(%dma_wait3A_44 : memref<80x64xi32, #tpu.memory_space<hbm>>) dst(%arg7 : memref<80x64xi32, #tpu.memory_space<vmem>>)
      tpu.yield
    }) : () -> ()
    %scan3A = arith.constant 0 : i32
    %scan3A_3 = arith.constant 0 : i32
    %scan3A_4 = arith.constant 80 : i32
    %scan3A_5 = arith.addi %scan3A_3, %scan3A_4 : i32
    %scan3A_6 = arith.constant 1 : i32
    scf.for %scan3A_19 = %scan3A_3 to %scan3A_5 step %scan3A_6  : i32 {
      "tpu.region"() ({
        %run_scoped3A = tpu.sem_alloc : memref<!tpu.dma_semaphore, #tpu.memory_space<semaphore_mem>>
        %dma_start3A = arith.constant 0 : i32
        %dma_start3A_20 = tpu.memref_slice %arg7[%scan3A_19, %dma_start3A] : memref<80x64xi32, #tpu.memory_space<vmem>> -> memref<1x64xi32, #tpu.memory_space<vmem>>
        %dma_start3A_21 = tpu.memref_squeeze %dma_start3A_20 : memref<1x64xi32, #tpu.memory_space<vmem>> -> memref<64xi32, #tpu.memory_space<vmem>>
        %dma_start3A_22 = arith.constant 0 : i32
        %dma_start3A_23 = tpu.memref_slice %arg6[%dma_start3A_22] : memref<10240xf32, #tpu.memory_space<vmem_shared>> -> memref<10240xf32, #tpu.memory_space<vmem_shared>>
        tpu.enqueue_indirect_dma source(%arg8 : memref<64xf32, #tpu.memory_space<vmem>>) target(%dma_start3A_23 : memref<10240xf32, #tpu.memory_space<vmem_shared>>) offsets(%dma_start3A_21 : memref<64xi32, #tpu.memory_space<vmem>>) semaphore(%run_scoped3A : memref<!tpu.dma_semaphore, #tpu.memory_space<semaphore_mem>>) {add = true}
        %dma_wait3A = arith.constant 0 : i32
        %dma_wait3A_24 = tpu.memref_slice %arg7[%scan3A_19, %dma_wait3A] : memref<80x64xi32, #tpu.memory_space<vmem>> -> memref<1x64xi32, #tpu.memory_space<vmem>>
        %dma_wait3A_25 = tpu.memref_squeeze %dma_wait3A_24 : memref<1x64xi32, #tpu.memory_space<vmem>> -> memref<64xi32, #tpu.memory_space<vmem>>
        %dma_wait3A_26 = arith.constant 0 : i32
        %dma_wait3A_27 = tpu.memref_slice %arg6[%dma_wait3A_26] : memref<10240xf32, #tpu.memory_space<vmem_shared>> -> memref<10240xf32, #tpu.memory_space<vmem_shared>>
        tpu.wait_indirect_dma semaphore(%run_scoped3A : memref<!tpu.dma_semaphore, #tpu.memory_space<semaphore_mem>>) src(%arg8 : memref<64xf32, #tpu.memory_space<vmem>>) dst(%dma_wait3A_27 : memref<10240xf32, #tpu.memory_space<vmem_shared>>)
        tpu.yield
      }) : () -> ()
    }
    %scan3A_7 = arith.constant 80 : i32
    "tpu.region"() ({
      %run_scoped3A = tpu.sem_alloc : memref<!tpu.dma_semaphore, #tpu.memory_space<semaphore_mem>>
      %dma_start3A = arith.constant 0 : i32
      %dma_start3A_19 = arith.constant 0 : i32
      %dma_start3A_20 = tpu.memref_slice %arg2[%add3A, %dma_start3A, %dma_start3A_19] : memref<32x160x64xi32, #tpu.memory_space<hbm>> -> memref<1x160x64xi32, #tpu.memory_space<hbm>>
      %dma_start3A_21 = tpu.memref_squeeze %dma_start3A_20 : memref<1x160x64xi32, #tpu.memory_space<hbm>> -> memref<160x64xi32, #tpu.memory_space<hbm>>
      %dma_start3A_22 = arith.constant 80 : i32
      %dma_start3A_23 = arith.constant 0 : i32
      %dma_start3A_24 = tpu.memref_slice %dma_start3A_21[%dma_start3A_22, %dma_start3A_23] : memref<160x64xi32, #tpu.memory_space<hbm>> -> memref<80x64xi32, #tpu.memory_space<hbm>>
      %dma_start3A_25 = arith.constant 0 : i32
      %dma_start3A_26 = arith.constant 0 : i32
      %dma_start3A_27 = tpu.memref_slice %arg2[%add3A, %dma_start3A_25, %dma_start3A_26] : memref<32x160x64xi32, #tpu.memory_space<hbm>> -> memref<1x160x64xi32, #tpu.memory_space<hbm>>
      %dma_start3A_28 = tpu.memref_squeeze %dma_start3A_27 : memref<1x160x64xi32, #tpu.memory_space<hbm>> -> memref<160x64xi32, #tpu.memory_space<hbm>>
      %dma_start3A_29 = arith.constant 80 : i32
      %dma_start3A_30 = arith.constant 0 : i32
      %dma_start3A_31 = tpu.memref_slice %dma_start3A_28[%dma_start3A_29, %dma_start3A_30] : memref<160x64xi32, #tpu.memory_space<hbm>> -> memref<80x64xi32, #tpu.memory_space<hbm>>
      tpu.enqueue_dma source(%dma_start3A_31 : memref<80x64xi32, #tpu.memory_space<hbm>>) target(%arg7 : memref<80x64xi32, #tpu.memory_space<vmem>>) target_semaphore(%run_scoped3A : memref<!tpu.dma_semaphore, #tpu.memory_space<semaphore_mem>>)
      %dma_wait3A = arith.constant 0 : i32
      %dma_wait3A_32 = arith.constant 0 : i32
      %dma_wait3A_33 = tpu.memref_slice %arg2[%add3A, %dma_wait3A, %dma_wait3A_32] : memref<32x160x64xi32, #tpu.memory_space<hbm>> -> memref<1x160x64xi32, #tpu.memory_space<hbm>>
      %dma_wait3A_34 = tpu.memref_squeeze %dma_wait3A_33 : memref<1x160x64xi32, #tpu.memory_space<hbm>> -> memref<160x64xi32, #tpu.memory_space<hbm>>
      %dma_wait3A_35 = arith.constant 80 : i32
      %dma_wait3A_36 = arith.constant 0 : i32
      %dma_wait3A_37 = tpu.memref_slice %dma_wait3A_34[%dma_wait3A_35, %dma_wait3A_36] : memref<160x64xi32, #tpu.memory_space<hbm>> -> memref<80x64xi32, #tpu.memory_space<hbm>>
      %dma_wait3A_38 = arith.constant 0 : i32
      %dma_wait3A_39 = arith.constant 0 : i32
      %dma_wait3A_40 = tpu.memref_slice %arg2[%add3A, %dma_wait3A_38, %dma_wait3A_39] : memref<32x160x64xi32, #tpu.memory_space<hbm>> -> memref<1x160x64xi32, #tpu.memory_space<hbm>>
      %dma_wait3A_41 = tpu.memref_squeeze %dma_wait3A_40 : memref<1x160x64xi32, #tpu.memory_space<hbm>> -> memref<160x64xi32, #tpu.memory_space<hbm>>
      %dma_wait3A_42 = arith.constant 80 : i32
      %dma_wait3A_43 = arith.constant 0 : i32
      %dma_wait3A_44 = tpu.memref_slice %dma_wait3A_41[%dma_wait3A_42, %dma_wait3A_43] : memref<160x64xi32, #tpu.memory_space<hbm>> -> memref<80x64xi32, #tpu.memory_space<hbm>>
      tpu.wait_dma2 semaphore(%run_scoped3A : memref<!tpu.dma_semaphore, #tpu.memory_space<semaphore_mem>>) src(%dma_wait3A_44 : memref<80x64xi32, #tpu.memory_space<hbm>>) dst(%arg7 : memref<80x64xi32, #tpu.memory_space<vmem>>)
      tpu.yield
    }) : () -> ()
    %scan3A_8 = arith.constant 0 : i32
    %scan3A_9 = arith.constant 0 : i32
    %scan3A_10 = arith.constant 80 : i32
    %scan3A_11 = arith.addi %scan3A_9, %scan3A_10 : i32
    %scan3A_12 = arith.constant 1 : i32
    scf.for %scan3A_19 = %scan3A_9 to %scan3A_11 step %scan3A_12  : i32 {
      "tpu.region"() ({
        %run_scoped3A = tpu.sem_alloc : memref<!tpu.dma_semaphore, #tpu.memory_space<semaphore_mem>>
        %dma_start3A = arith.constant 0 : i32
        %dma_start3A_20 = tpu.memref_slice %arg7[%scan3A_19, %dma_start3A] : memref<80x64xi32, #tpu.memory_space<vmem>> -> memref<1x64xi32, #tpu.memory_space<vmem>>
        %dma_start3A_21 = tpu.memref_squeeze %dma_start3A_20 : memref<1x64xi32, #tpu.memory_space<vmem>> -> memref<64xi32, #tpu.memory_space<vmem>>
        %dma_start3A_22 = arith.constant 0 : i32
        %dma_start3A_23 = tpu.memref_slice %arg6[%dma_start3A_22] : memref<10240xf32, #tpu.memory_space<vmem_shared>> -> memref<10240xf32, #tpu.memory_space<vmem_shared>>
        tpu.enqueue_indirect_dma source(%arg8 : memref<64xf32, #tpu.memory_space<vmem>>) target(%dma_start3A_23 : memref<10240xf32, #tpu.memory_space<vmem_shared>>) offsets(%dma_start3A_21 : memref<64xi32, #tpu.memory_space<vmem>>) semaphore(%run_scoped3A : memref<!tpu.dma_semaphore, #tpu.memory_space<semaphore_mem>>) {add = true}
        %dma_wait3A = arith.constant 0 : i32
        %dma_wait3A_24 = tpu.memref_slice %arg7[%scan3A_19, %dma_wait3A] : memref<80x64xi32, #tpu.memory_space<vmem>> -> memref<1x64xi32, #tpu.memory_space<vmem>>
        %dma_wait3A_25 = tpu.memref_squeeze %dma_wait3A_24 : memref<1x64xi32, #tpu.memory_space<vmem>> -> memref<64xi32, #tpu.memory_space<vmem>>
        %dma_wait3A_26 = arith.constant 0 : i32
        %dma_wait3A_27 = tpu.memref_slice %arg6[%dma_wait3A_26] : memref<10240xf32, #tpu.memory_space<vmem_shared>> -> memref<10240xf32, #tpu.memory_space<vmem_shared>>
        tpu.wait_indirect_dma semaphore(%run_scoped3A : memref<!tpu.dma_semaphore, #tpu.memory_space<semaphore_mem>>) src(%arg8 : memref<64xf32, #tpu.memory_space<vmem>>) dst(%dma_wait3A_27 : memref<10240xf32, #tpu.memory_space<vmem_shared>>)
        tpu.yield
      }) : () -> ()
    }
    %scan3A_13 = arith.constant 80 : i32
    %barrier3A_14 = arith.constant 0 : index
    tpu.barrier barrier_id(%barrier3A_14)
    %mul3A_15 = arith.constant 640 : i32
    %mul3A_16 = arith.muli %arg1, %mul3A_15 : i32
    %mul3A_17 = arith.constant 640 : i32
    %mul3A_18 = arith.muli %arg1, %mul3A_17 : i32
    "tpu.region"() ({
      %run_scoped3A = tpu.sem_alloc : memref<!tpu.dma_semaphore, #tpu.memory_space<semaphore_mem>>
      %dma_start3A = arith.constant 0 : i32
      %dma_start3A_19 = tpu.memref_slice %arg5[%arg0, %dma_start3A] : memref<2x10240xf32, #tpu.memory_space<hbm>> -> memref<1x10240xf32, #tpu.memory_space<hbm>>
      %dma_start3A_20 = tpu.memref_squeeze %dma_start3A_19 : memref<1x10240xf32, #tpu.memory_space<hbm>> -> memref<10240xf32, #tpu.memory_space<hbm>>
      %dma_start3A_21 = tpu.memref_slice %dma_start3A_20[%mul3A_18] : memref<10240xf32, #tpu.memory_space<hbm>> -> memref<640xf32, #tpu.memory_space<hbm>>
      %dma_start3A_22 = tpu.memref_slice %arg6[%mul3A_16] : memref<10240xf32, #tpu.memory_space<vmem_shared>> -> memref<640xf32, #tpu.memory_space<vmem_shared>>
      tpu.enqueue_dma source(%dma_start3A_22 : memref<640xf32, #tpu.memory_space<vmem_shared>>) target(%dma_start3A_21 : memref<640xf32, #tpu.memory_space<hbm>>) target_semaphore(%run_scoped3A : memref<!tpu.dma_semaphore, #tpu.memory_space<semaphore_mem>>)
      %dma_wait3A = arith.constant 0 : i32
      %dma_wait3A_23 = tpu.memref_slice %arg5[%arg0, %dma_wait3A] : memref<2x10240xf32, #tpu.memory_space<hbm>> -> memref<1x10240xf32, #tpu.memory_space<hbm>>
      %dma_wait3A_24 = tpu.memref_squeeze %dma_wait3A_23 : memref<1x10240xf32, #tpu.memory_space<hbm>> -> memref<10240xf32, #tpu.memory_space<hbm>>
      %dma_wait3A_25 = tpu.memref_slice %dma_wait3A_24[%mul3A_18] : memref<10240xf32, #tpu.memory_space<hbm>> -> memref<640xf32, #tpu.memory_space<hbm>>
      %dma_wait3A_26 = tpu.memref_slice %arg6[%mul3A_16] : memref<10240xf32, #tpu.memory_space<vmem_shared>> -> memref<640xf32, #tpu.memory_space<vmem_shared>>
      tpu.wait_dma2 semaphore(%run_scoped3A : memref<!tpu.dma_semaphore, #tpu.memory_space<semaphore_mem>>) src(%dma_wait3A_26 : memref<640xf32, #tpu.memory_space<vmem_shared>>) dst(%dma_wait3A_25 : memref<640xf32, #tpu.memory_space<hbm>>)
      tpu.yield
    }) : () -> ()
    return
  }
}

#map = affine_map<(d0, d1) -> (0, 0)>
#map1 = affine_map<(d0, d1) -> (0, 0, 0)>
module attributes {stable_mosaic.version = 14 : i64} {
  func.func @_sc_scatter(%arg0: i32, %arg1: i32, %arg2: memref<10000x128xf32, #tpu.memory_space<hbm>>, %arg3: memref<32x125x80xi32, #tpu.memory_space<hbm>>, %arg4: memref<632x128xf32, #tpu.memory_space<hbm>>, %arg5: memref<2x10112x128xf32, #tpu.memory_space<hbm>>, %arg6: memref<10112x128xf32, #tpu.memory_space<vmem_shared>>, %arg7: memref<125x80xi32, #tpu.memory_space<vmem>>, %arg8: memref<2x80xi32, #tpu.memory_space<vmem>>, %arg9: memref<2x80xi32, #tpu.memory_space<vmem>>, %arg10: memref<80x128xf32, #tpu.memory_space<vmem>>, %arg11: memref<80x128xf32, #tpu.memory_space<vmem>>, %arg12: memref<!tpu.dma_semaphore, #tpu.memory_space<semaphore_mem>>, %arg13: memref<!tpu.dma_semaphore, #tpu.memory_space<semaphore_mem>>) attributes {dimension_semantics = [#tpu.dimension_semantics<core_parallel>, #tpu.dimension_semantics<subcore_parallel>], iteration_bounds = array<i64: 2, 16>, scalar_prefetch = 0 : i64, scratch_operands = 8 : i64, tpu.core_type = #tpu.core_type<sc_vector_subcore>, window_params = [{transform_indices = #map}, {transform_indices = #map1}, {transform_indices = #map}, {transform_indices = #map1}]} {
    %mul3A = arith.constant 2 : i32
    %mul3A_0 = arith.muli %arg1, %mul3A : i32
    %add3A = arith.addi %mul3A_0, %arg0 : i32
    "tpu.region"() ({
      %run_scoped3A_136 = tpu.sem_alloc : memref<!tpu.dma_semaphore, #tpu.memory_space<semaphore_mem>>
      %dma_start3A_137 = arith.constant 0 : i32
      %dma_start3A_138 = arith.constant 0 : i32
      %dma_start3A_139 = tpu.memref_slice %arg3[%add3A, %dma_start3A_137, %dma_start3A_138] : memref<32x125x80xi32, #tpu.memory_space<hbm>> -> memref<1x125x80xi32, #tpu.memory_space<hbm>>
      %dma_start3A_140 = tpu.memref_squeeze %dma_start3A_139 : memref<1x125x80xi32, #tpu.memory_space<hbm>> -> memref<125x80xi32, #tpu.memory_space<hbm>>
      %dma_start3A_141 = arith.constant 0 : i32
      %dma_start3A_142 = arith.constant 0 : i32
      %dma_start3A_143 = tpu.memref_slice %arg3[%add3A, %dma_start3A_141, %dma_start3A_142] : memref<32x125x80xi32, #tpu.memory_space<hbm>> -> memref<1x125x80xi32, #tpu.memory_space<hbm>>
      %dma_start3A_144 = tpu.memref_squeeze %dma_start3A_143 : memref<1x125x80xi32, #tpu.memory_space<hbm>> -> memref<125x80xi32, #tpu.memory_space<hbm>>
      tpu.enqueue_dma source(%dma_start3A_144 : memref<125x80xi32, #tpu.memory_space<hbm>>) target(%arg7 : memref<125x80xi32, #tpu.memory_space<vmem>>) target_semaphore(%run_scoped3A_136 : memref<!tpu.dma_semaphore, #tpu.memory_space<semaphore_mem>>)
      %dma_wait3A_145 = arith.constant 0 : i32
      %dma_wait3A_146 = arith.constant 0 : i32
      %dma_wait3A_147 = tpu.memref_slice %arg3[%add3A, %dma_wait3A_145, %dma_wait3A_146] : memref<32x125x80xi32, #tpu.memory_space<hbm>> -> memref<1x125x80xi32, #tpu.memory_space<hbm>>
      %dma_wait3A_148 = tpu.memref_squeeze %dma_wait3A_147 : memref<1x125x80xi32, #tpu.memory_space<hbm>> -> memref<125x80xi32, #tpu.memory_space<hbm>>
      %dma_wait3A_149 = arith.constant 0 : i32
      %dma_wait3A_150 = arith.constant 0 : i32
      %dma_wait3A_151 = tpu.memref_slice %arg3[%add3A, %dma_wait3A_149, %dma_wait3A_150] : memref<32x125x80xi32, #tpu.memory_space<hbm>> -> memref<1x125x80xi32, #tpu.memory_space<hbm>>
      %dma_wait3A_152 = tpu.memref_squeeze %dma_wait3A_151 : memref<1x125x80xi32, #tpu.memory_space<hbm>> -> memref<125x80xi32, #tpu.memory_space<hbm>>
      tpu.wait_dma2 semaphore(%run_scoped3A_136 : memref<!tpu.dma_semaphore, #tpu.memory_space<semaphore_mem>>) src(%dma_wait3A_152 : memref<125x80xi32, #tpu.memory_space<hbm>>) dst(%arg7 : memref<125x80xi32, #tpu.memory_space<vmem>>)
      tpu.yield
    }) : () -> ()
    %mul3A_1 = arith.constant 632 : i32
    %mul3A_2 = arith.muli %arg1, %mul3A_1 : i32
    "tpu.region"() ({
      %run_scoped3A_136 = tpu.sem_alloc : memref<!tpu.dma_semaphore, #tpu.memory_space<semaphore_mem>>
      %dma_start3A_137 = arith.constant 0 : i32
      %dma_start3A_138 = tpu.memref_slice %arg6[%mul3A_2, %dma_start3A_137] : memref<10112x128xf32, #tpu.memory_space<vmem_shared>> -> memref<632x128xf32, #tpu.memory_space<vmem_shared>>
      tpu.enqueue_dma source(%arg4 : memref<632x128xf32, #tpu.memory_space<hbm>>) target(%dma_start3A_138 : memref<632x128xf32, #tpu.memory_space<vmem_shared>>) target_semaphore(%run_scoped3A_136 : memref<!tpu.dma_semaphore, #tpu.memory_space<semaphore_mem>>)
      %dma_wait3A_139 = arith.constant 0 : i32
      %dma_wait3A_140 = tpu.memref_slice %arg6[%mul3A_2, %dma_wait3A_139] : memref<10112x128xf32, #tpu.memory_space<vmem_shared>> -> memref<632x128xf32, #tpu.memory_space<vmem_shared>>
      tpu.wait_dma2 semaphore(%run_scoped3A_136 : memref<!tpu.dma_semaphore, #tpu.memory_space<semaphore_mem>>) src(%arg4 : memref<632x128xf32, #tpu.memory_space<hbm>>) dst(%dma_wait3A_140 : memref<632x128xf32, #tpu.memory_space<vmem_shared>>)
      tpu.yield
    }) : () -> ()
    %barrier3A = arith.constant 0 : index
    tpu.barrier barrier_id(%barrier3A)
    %get3A = arith.constant 0 : i32
    %get3A_3 = arith.index_cast %get3A : i32 to index
    %get3A_4 = arith.constant 0 : index
    %get3A_5 = tpu.vector_load %arg7[%get3A_3, %get3A_4] {strides = array<i32>} : memref<125x80xi32, #tpu.memory_space<vmem>>, vector<1x16xi32>,
    %get3A_6 = vector.shape_cast %get3A_5 : vector<1x16xi32> to vector<16xi32>
    %shift_right_logical3A = arith.constant 14 : i32
    %shift_right_logical3A_7 = vector.broadcast %shift_right_logical3A : i32 to vector<16xi32>
    %shift_right_logical3A_8 = arith.shrui %get3A_6, %shift_right_logical3A_7 : vector<16xi32>
    %swap3A = arith.constant 0 : i32
    %swap3A_9 = arith.index_cast %swap3A : i32 to index
    %swap3A_10 = arith.constant 0 : index
    %swap3A_11 = tpu.vector_load %arg8[%swap3A_9, %swap3A_10] {strides = array<i32>} : memref<2x80xi32, #tpu.memory_space<vmem>>, vector<1x16xi32>,
    %swap3A_12 = vector.shape_cast %swap3A_11 : vector<1x16xi32> to vector<16xi32>
    %swap3A_13 = vector.shape_cast %shift_right_logical3A_8 : vector<16xi32> to vector<1x16xi32>
    tpu.vector_store %arg8[%swap3A_9, %swap3A_10], %swap3A_13 {strides = array<i32>} : memref<2x80xi32, #tpu.memory_space<vmem>>, vector<1x16xi32>,
    %and3A = arith.constant 16383 : i32
    %and3A_14 = vector.broadcast %and3A : i32 to vector<16xi32>
    %and3A_15 = arith.andi %get3A_6, %and3A_14 : vector<16xi32>
    %swap3A_16 = arith.constant 0 : i32
    %swap3A_17 = arith.index_cast %swap3A_16 : i32 to index
    %swap3A_18 = arith.constant 0 : index
    %swap3A_19 = tpu.vector_load %arg9[%swap3A_17, %swap3A_18] {strides = array<i32>} : memref<2x80xi32, #tpu.memory_space<vmem>>, vector<1x16xi32>,
    %swap3A_20 = vector.shape_cast %swap3A_19 : vector<1x16xi32> to vector<16xi32>
    %swap3A_21 = vector.shape_cast %and3A_15 : vector<16xi32> to vector<1x16xi32>
    tpu.vector_store %arg9[%swap3A_17, %swap3A_18], %swap3A_21 {strides = array<i32>} : memref<2x80xi32, #tpu.memory_space<vmem>>, vector<1x16xi32>,
    %get3A_22 = arith.constant 0 : i32
    %get3A_23 = arith.index_cast %get3A_22 : i32 to index
    %get3A_24 = arith.constant 16 : index
    %get3A_25 = tpu.vector_load %arg7[%get3A_23, %get3A_24] {strides = array<i32>} : memref<125x80xi32, #tpu.memory_space<vmem>>, vector<1x16xi32>,
    %get3A_26 = vector.shape_cast %get3A_25 : vector<1x16xi32> to vector<16xi32>
    %shift_right_logical3A_27 = arith.constant 14 : i32
    %shift_right_logical3A_28 = vector.broadcast %shift_right_logical3A_27 : i32 to vector<16xi32>
    %shift_right_logical3A_29 = arith.shrui %get3A_26, %shift_right_logical3A_28 : vector<16xi32>
    %swap3A_30 = arith.constant 0 : i32
    %swap3A_31 = arith.index_cast %swap3A_30 : i32 to index
    %swap3A_32 = arith.constant 16 : index
    %swap3A_33 = tpu.vector_load %arg8[%swap3A_31, %swap3A_32] {strides = array<i32>} : memref<2x80xi32, #tpu.memory_space<vmem>>, vector<1x16xi32>,
    %swap3A_34 = vector.shape_cast %swap3A_33 : vector<1x16xi32> to vector<16xi32>
    %swap3A_35 = vector.shape_cast %shift_right_logical3A_29 : vector<16xi32> to vector<1x16xi32>
    tpu.vector_store %arg8[%swap3A_31, %swap3A_32], %swap3A_35 {strides = array<i32>} : memref<2x80xi32, #tpu.memory_space<vmem>>, vector<1x16xi32>,
    %and3A_36 = arith.constant 16383 : i32
    %and3A_37 = vector.broadcast %and3A_36 : i32 to vector<16xi32>
    %and3A_38 = arith.andi %get3A_26, %and3A_37 : vector<16xi32>
    %swap3A_39 = arith.constant 0 : i32
    %swap3A_40 = arith.index_cast %swap3A_39 : i32 to index
    %swap3A_41 = arith.constant 16 : index
    %swap3A_42 = tpu.vector_load %arg9[%swap3A_40, %swap3A_41] {strides = array<i32>} : memref<2x80xi32, #tpu.memory_space<vmem>>, vector<1x16xi32>,
    %swap3A_43 = vector.shape_cast %swap3A_42 : vector<1x16xi32> to vector<16xi32>
    %swap3A_44 = vector.shape_cast %and3A_38 : vector<16xi32> to vector<1x16xi32>
    tpu.vector_store %arg9[%swap3A_40, %swap3A_41], %swap3A_44 {strides = array<i32>} : memref<2x80xi32, #tpu.memory_space<vmem>>, vector<1x16xi32>,
    %get3A_45 = arith.constant 0 : i32
    %get3A_46 = arith.index_cast %get3A_45 : i32 to index
    %get3A_47 = arith.constant 32 : index
    %get3A_48 = tpu.vector_load %arg7[%get3A_46, %get3A_47] {strides = array<i32>} : memref<125x80xi32, #tpu.memory_space<vmem>>, vector<1x16xi32>,
    %get3A_49 = vector.shape_cast %get3A_48 : vector<1x16xi32> to vector<16xi32>
    %shift_right_logical3A_50 = arith.constant 14 : i32
    %shift_right_logical3A_51 = vector.broadcast %shift_right_logical3A_50 : i32 to vector<16xi32>
    %shift_right_logical3A_52 = arith.shrui %get3A_49, %shift_right_logical3A_51 : vector<16xi32>
    %swap3A_53 = arith.constant 0 : i32
    %swap3A_54 = arith.index_cast %swap3A_53 : i32 to index
    %swap3A_55 = arith.constant 32 : index
    %swap3A_56 = tpu.vector_load %arg8[%swap3A_54, %swap3A_55] {strides = array<i32>} : memref<2x80xi32, #tpu.memory_space<vmem>>, vector<1x16xi32>,
    %swap3A_57 = vector.shape_cast %swap3A_56 : vector<1x16xi32> to vector<16xi32>
    %swap3A_58 = vector.shape_cast %shift_right_logical3A_52 : vector<16xi32> to vector<1x16xi32>
    tpu.vector_store %arg8[%swap3A_54, %swap3A_55], %swap3A_58 {strides = array<i32>} : memref<2x80xi32, #tpu.memory_space<vmem>>, vector<1x16xi32>,
    %and3A_59 = arith.constant 16383 : i32
    %and3A_60 = vector.broadcast %and3A_59 : i32 to vector<16xi32>
    %and3A_61 = arith.andi %get3A_49, %and3A_60 : vector<16xi32>
    %swap3A_62 = arith.constant 0 : i32
    %swap3A_63 = arith.index_cast %swap3A_62 : i32 to index
    %swap3A_64 = arith.constant 32 : index
    %swap3A_65 = tpu.vector_load %arg9[%swap3A_63, %swap3A_64] {strides = array<i32>} : memref<2x80xi32, #tpu.memory_space<vmem>>, vector<1x16xi32>,
    %swap3A_66 = vector.shape_cast %swap3A_65 : vector<1x16xi32> to vector<16xi32>
    %swap3A_67 = vector.shape_cast %and3A_61 : vector<16xi32> to vector<1x16xi32>
    tpu.vector_store %arg9[%swap3A_63, %swap3A_64], %swap3A_67 {strides = array<i32>} : memref<2x80xi32, #tpu.memory_space<vmem>>, vector<1x16xi32>,
    %get3A_68 = arith.constant 0 : i32
    %get3A_69 = arith.index_cast %get3A_68 : i32 to index
    %get3A_70 = arith.constant 48 : index
    %get3A_71 = tpu.vector_load %arg7[%get3A_69, %get3A_70] {strides = array<i32>} : memref<125x80xi32, #tpu.memory_space<vmem>>, vector<1x16xi32>,
    %get3A_72 = vector.shape_cast %get3A_71 : vector<1x16xi32> to vector<16xi32>
    %shift_right_logical3A_73 = arith.constant 14 : i32
    %shift_right_logical3A_74 = vector.broadcast %shift_right_logical3A_73 : i32 to vector<16xi32>
    %shift_right_logical3A_75 = arith.shrui %get3A_72, %shift_right_logical3A_74 : vector<16xi32>
    %swap3A_76 = arith.constant 0 : i32
    %swap3A_77 = arith.index_cast %swap3A_76 : i32 to index
    %swap3A_78 = arith.constant 48 : index
    %swap3A_79 = tpu.vector_load %arg8[%swap3A_77, %swap3A_78] {strides = array<i32>} : memref<2x80xi32, #tpu.memory_space<vmem>>, vector<1x16xi32>,
    %swap3A_80 = vector.shape_cast %swap3A_79 : vector<1x16xi32> to vector<16xi32>
    %swap3A_81 = vector.shape_cast %shift_right_logical3A_75 : vector<16xi32> to vector<1x16xi32>
    tpu.vector_store %arg8[%swap3A_77, %swap3A_78], %swap3A_81 {strides = array<i32>} : memref<2x80xi32, #tpu.memory_space<vmem>>, vector<1x16xi32>,
    %and3A_82 = arith.constant 16383 : i32
    %and3A_83 = vector.broadcast %and3A_82 : i32 to vector<16xi32>
    %and3A_84 = arith.andi %get3A_72, %and3A_83 : vector<16xi32>
    %swap3A_85 = arith.constant 0 : i32
    %swap3A_86 = arith.index_cast %swap3A_85 : i32 to index
    %swap3A_87 = arith.constant 48 : index
    %swap3A_88 = tpu.vector_load %arg9[%swap3A_86, %swap3A_87] {strides = array<i32>} : memref<2x80xi32, #tpu.memory_space<vmem>>, vector<1x16xi32>,
    %swap3A_89 = vector.shape_cast %swap3A_88 : vector<1x16xi32> to vector<16xi32>
    %swap3A_90 = vector.shape_cast %and3A_84 : vector<16xi32> to vector<1x16xi32>
    tpu.vector_store %arg9[%swap3A_86, %swap3A_87], %swap3A_90 {strides = array<i32>} : memref<2x80xi32, #tpu.memory_space<vmem>>, vector<1x16xi32>,
    %get3A_91 = arith.constant 0 : i32
    %get3A_92 = arith.index_cast %get3A_91 : i32 to index
    %get3A_93 = arith.constant 64 : index
    %get3A_94 = tpu.vector_load %arg7[%get3A_92, %get3A_93] {strides = array<i32>} : memref<125x80xi32, #tpu.memory_space<vmem>>, vector<1x16xi32>,
    %get3A_95 = vector.shape_cast %get3A_94 : vector<1x16xi32> to vector<16xi32>
    %shift_right_logical3A_96 = arith.constant 14 : i32
    %shift_right_logical3A_97 = vector.broadcast %shift_right_logical3A_96 : i32 to vector<16xi32>
    %shift_right_logical3A_98 = arith.shrui %get3A_95, %shift_right_logical3A_97 : vector<16xi32>
    %swap3A_99 = arith.constant 0 : i32
    %swap3A_100 = arith.index_cast %swap3A_99 : i32 to index
    %swap3A_101 = arith.constant 64 : index
    %swap3A_102 = tpu.vector_load %arg8[%swap3A_100, %swap3A_101] {strides = array<i32>} : memref<2x80xi32, #tpu.memory_space<vmem>>, vector<1x16xi32>,
    %swap3A_103 = vector.shape_cast %swap3A_102 : vector<1x16xi32> to vector<16xi32>
    %swap3A_104 = vector.shape_cast %shift_right_logical3A_98 : vector<16xi32> to vector<1x16xi32>
    tpu.vector_store %arg8[%swap3A_100, %swap3A_101], %swap3A_104 {strides = array<i32>} : memref<2x80xi32, #tpu.memory_space<vmem>>, vector<1x16xi32>,
    %and3A_105 = arith.constant 16383 : i32
    %and3A_106 = vector.broadcast %and3A_105 : i32 to vector<16xi32>
    %and3A_107 = arith.andi %get3A_95, %and3A_106 : vector<16xi32>
    %swap3A_108 = arith.constant 0 : i32
    %swap3A_109 = arith.index_cast %swap3A_108 : i32 to index
    %swap3A_110 = arith.constant 64 : index
    %swap3A_111 = tpu.vector_load %arg9[%swap3A_109, %swap3A_110] {strides = array<i32>} : memref<2x80xi32, #tpu.memory_space<vmem>>, vector<1x16xi32>,
    %swap3A_112 = vector.shape_cast %swap3A_111 : vector<1x16xi32> to vector<16xi32>
    %swap3A_113 = vector.shape_cast %and3A_107 : vector<16xi32> to vector<1x16xi32>
    tpu.vector_store %arg9[%swap3A_109, %swap3A_110], %swap3A_113 {strides = array<i32>} : memref<2x80xi32, #tpu.memory_space<vmem>>, vector<1x16xi32>,
    %dma_start3A = arith.constant 0 : i32
    %dma_start3A_114 = arith.constant 0 : i32
    %dma_start3A_115 = tpu.memref_slice %arg8[%dma_start3A, %dma_start3A_114] : memref<2x80xi32, #tpu.memory_space<vmem>> -> memref<1x80xi32, #tpu.memory_space<vmem>>
    %dma_start3A_116 = tpu.memref_squeeze %dma_start3A_115 : memref<1x80xi32, #tpu.memory_space<vmem>> -> memref<80xi32, #tpu.memory_space<vmem>>
    %dma_start3A_117 = arith.constant 0 : i32
    %dma_start3A_118 = arith.constant 0 : i32
    %dma_start3A_119 = tpu.memref_slice %arg2[%dma_start3A_117, %dma_start3A_118] : memref<10000x128xf32, #tpu.memory_space<hbm>> -> memref<10000x128xf32, #tpu.memory_space<hbm>>
    tpu.enqueue_indirect_dma source(%dma_start3A_119 : memref<10000x128xf32, #tpu.memory_space<hbm>>) target(%arg10 : memref<80x128xf32, #tpu.memory_space<vmem>>) offsets(%dma_start3A_116 : memref<80xi32, #tpu.memory_space<vmem>>) semaphore(%arg12 : memref<!tpu.dma_semaphore, #tpu.memory_space<semaphore_mem>>)
    %scan3A = arith.constant 0 : i32
    %scan3A_120 = arith.constant 0 : i32
    %scan3A_121 = arith.constant 62 : i32
    %scan3A_122 = arith.addi %scan3A_120, %scan3A_121 : i32
    %scan3A_123 = arith.constant 1 : i32
    scf.for %scan3A_136 = %scan3A_120 to %scan3A_122 step %scan3A_123  : i32 {
      %mul3A_137 = arith.constant 2 : i32
      %mul3A_138 = arith.muli %mul3A_137, %scan3A_136 : i32
      %add3A_139 = arith.constant 1 : i32
      %add3A_140 = arith.addi %mul3A_138, %add3A_139 : i32
      %get3A_141 = arith.index_cast %add3A_140 : i32 to index
      %get3A_142 = arith.constant 0 : index
      %get3A_143 = tpu.vector_load %arg7[%get3A_141, %get3A_142] {strides = array<i32>} : memref<125x80xi32, #tpu.memory_space<vmem>>, vector<1x16xi32>,
      %get3A_144 = vector.shape_cast %get3A_143 : vector<1x16xi32> to vector<16xi32>
      %shift_right_logical3A_145 = arith.constant 14 : i32
      %shift_right_logical3A_146 = vector.broadcast %shift_right_logical3A_145 : i32 to vector<16xi32>
      %shift_right_logical3A_147 = arith.shrui %get3A_144, %shift_right_logical3A_146 : vector<16xi32>
      %swap3A_148 = arith.constant 1 : i32
      %swap3A_149 = arith.index_cast %swap3A_148 : i32 to index
      %swap3A_150 = arith.constant 0 : index
      %swap3A_151 = tpu.vector_load %arg8[%swap3A_149, %swap3A_150] {strides = array<i32>} : memref<2x80xi32, #tpu.memory_space<vmem>>, vector<1x16xi32>,
      %swap3A_152 = vector.shape_cast %swap3A_151 : vector<1x16xi32> to vector<16xi32>
      %swap3A_153 = vector.shape_cast %shift_right_logical3A_147 : vector<16xi32> to vector<1x16xi32>
      tpu.vector_store %arg8[%swap3A_149, %swap3A_150], %swap3A_153 {strides = array<i32>} : memref<2x80xi32, #tpu.memory_space<vmem>>, vector<1x16xi32>,
      %and3A_154 = arith.constant 16383 : i32
      %and3A_155 = vector.broadcast %and3A_154 : i32 to vector<16xi32>
      %and3A_156 = arith.andi %get3A_144, %and3A_155 : vector<16xi32>
      %swap3A_157 = arith.constant 1 : i32
      %swap3A_158 = arith.index_cast %swap3A_157 : i32 to index
      %swap3A_159 = arith.constant 0 : index
      %swap3A_160 = tpu.vector_load %arg9[%swap3A_158, %swap3A_159] {strides = array<i32>} : memref<2x80xi32, #tpu.memory_space<vmem>>, vector<1x16xi32>,
      %swap3A_161 = vector.shape_cast %swap3A_160 : vector<1x16xi32> to vector<16xi32>
      %swap3A_162 = vector.shape_cast %and3A_156 : vector<16xi32> to vector<1x16xi32>
      tpu.vector_store %arg9[%swap3A_158, %swap3A_159], %swap3A_162 {strides = array<i32>} : memref<2x80xi32, #tpu.memory_space<vmem>>, vector<1x16xi32>,
      %get3A_163 = arith.index_cast %add3A_140 : i32 to index
      %get3A_164 = arith.constant 16 : index
      %get3A_165 = tpu.vector_load %arg7[%get3A_163, %get3A_164] {strides = array<i32>} : memref<125x80xi32, #tpu.memory_space<vmem>>, vector<1x16xi32>,
      %get3A_166 = vector.shape_cast %get3A_165 : vector<1x16xi32> to vector<16xi32>
      %shift_right_logical3A_167 = arith.constant 14 : i32
      %shift_right_logical3A_168 = vector.broadcast %shift_right_logical3A_167 : i32 to vector<16xi32>
      %shift_right_logical3A_169 = arith.shrui %get3A_166, %shift_right_logical3A_168 : vector<16xi32>
      %swap3A_170 = arith.constant 1 : i32
      %swap3A_171 = arith.index_cast %swap3A_170 : i32 to index
      %swap3A_172 = arith.constant 16 : index
      %swap3A_173 = tpu.vector_load %arg8[%swap3A_171, %swap3A_172] {strides = array<i32>} : memref<2x80xi32, #tpu.memory_space<vmem>>, vector<1x16xi32>,
      %swap3A_174 = vector.shape_cast %swap3A_173 : vector<1x16xi32> to vector<16xi32>
      %swap3A_175 = vector.shape_cast %shift_right_logical3A_169 : vector<16xi32> to vector<1x16xi32>
      tpu.vector_store %arg8[%swap3A_171, %swap3A_172], %swap3A_175 {strides = array<i32>} : memref<2x80xi32, #tpu.memory_space<vmem>>, vector<1x16xi32>,
      %and3A_176 = arith.constant 16383 : i32
      %and3A_177 = vector.broadcast %and3A_176 : i32 to vector<16xi32>
      %and3A_178 = arith.andi %get3A_166, %and3A_177 : vector<16xi32>
      %swap3A_179 = arith.constant 1 : i32
      %swap3A_180 = arith.index_cast %swap3A_179 : i32 to index
      %swap3A_181 = arith.constant 16 : index
      %swap3A_182 = tpu.vector_load %arg9[%swap3A_180, %swap3A_181] {strides = array<i32>} : memref<2x80xi32, #tpu.memory_space<vmem>>, vector<1x16xi32>,
      %swap3A_183 = vector.shape_cast %swap3A_182 : vector<1x16xi32> to vector<16xi32>
      %swap3A_184 = vector.shape_cast %and3A_178 : vector<16xi32> to vector<1x16xi32>
      tpu.vector_store %arg9[%swap3A_180, %swap3A_181], %swap3A_184 {strides = array<i32>} : memref<2x80xi32, #tpu.memory_space<vmem>>, vector<1x16xi32>,
      %get3A_185 = arith.index_cast %add3A_140 : i32 to index
      %get3A_186 = arith.constant 32 : index
      %get3A_187 = tpu.vector_load %arg7[%get3A_185, %get3A_186] {strides = array<i32>} : memref<125x80xi32, #tpu.memory_space<vmem>>, vector<1x16xi32>,
      %get3A_188 = vector.shape_cast %get3A_187 : vector<1x16xi32> to vector<16xi32>
      %shift_right_logical3A_189 = arith.constant 14 : i32
      %shift_right_logical3A_190 = vector.broadcast %shift_right_logical3A_189 : i32 to vector<16xi32>
      %shift_right_logical3A_191 = arith.shrui %get3A_188, %shift_right_logical3A_190 : vector<16xi32>
      %swap3A_192 = arith.constant 1 : i32
      %swap3A_193 = arith.index_cast %swap3A_192 : i32 to index
      %swap3A_194 = arith.constant 32 : index
      %swap3A_195 = tpu.vector_load %arg8[%swap3A_193, %swap3A_194] {strides = array<i32>} : memref<2x80xi32, #tpu.memory_space<vmem>>, vector<1x16xi32>,
      %swap3A_196 = vector.shape_cast %swap3A_195 : vector<1x16xi32> to vector<16xi32>
      %swap3A_197 = vector.shape_cast %shift_right_logical3A_191 : vector<16xi32> to vector<1x16xi32>
      tpu.vector_store %arg8[%swap3A_193, %swap3A_194], %swap3A_197 {strides = array<i32>} : memref<2x80xi32, #tpu.memory_space<vmem>>, vector<1x16xi32>,
      %and3A_198 = arith.constant 16383 : i32
      %and3A_199 = vector.broadcast %and3A_198 : i32 to vector<16xi32>
      %and3A_200 = arith.andi %get3A_188, %and3A_199 : vector<16xi32>
      %swap3A_201 = arith.constant 1 : i32
      %swap3A_202 = arith.index_cast %swap3A_201 : i32 to index
      %swap3A_203 = arith.constant 32 : index
      %swap3A_204 = tpu.vector_load %arg9[%swap3A_202, %swap3A_203] {strides = array<i32>} : memref<2x80xi32, #tpu.memory_space<vmem>>, vector<1x16xi32>,
      %swap3A_205 = vector.shape_cast %swap3A_204 : vector<1x16xi32> to vector<16xi32>
      %swap3A_206 = vector.shape_cast %and3A_200 : vector<16xi32> to vector<1x16xi32>
      tpu.vector_store %arg9[%swap3A_202, %swap3A_203], %swap3A_206 {strides = array<i32>} : memref<2x80xi32, #tpu.memory_space<vmem>>, vector<1x16xi32>,
      %get3A_207 = arith.index_cast %add3A_140 : i32 to index
      %get3A_208 = arith.constant 48 : index
      %get3A_209 = tpu.vector_load %arg7[%get3A_207, %get3A_208] {strides = array<i32>} : memref<125x80xi32, #tpu.memory_space<vmem>>, vector<1x16xi32>,
      %get3A_210 = vector.shape_cast %get3A_209 : vector<1x16xi32> to vector<16xi32>
      %shift_right_logical3A_211 = arith.constant 14 : i32
      %shift_right_logical3A_212 = vector.broadcast %shift_right_logical3A_211 : i32 to vector<16xi32>
      %shift_right_logical3A_213 = arith.shrui %get3A_210, %shift_right_logical3A_212 : vector<16xi32>
      %swap3A_214 = arith.constant 1 : i32
      %swap3A_215 = arith.index_cast %swap3A_214 : i32 to index
      %swap3A_216 = arith.constant 48 : index
      %swap3A_217 = tpu.vector_load %arg8[%swap3A_215, %swap3A_216] {strides = array<i32>} : memref<2x80xi32, #tpu.memory_space<vmem>>, vector<1x16xi32>,
      %swap3A_218 = vector.shape_cast %swap3A_217 : vector<1x16xi32> to vector<16xi32>
      %swap3A_219 = vector.shape_cast %shift_right_logical3A_213 : vector<16xi32> to vector<1x16xi32>
      tpu.vector_store %arg8[%swap3A_215, %swap3A_216], %swap3A_219 {strides = array<i32>} : memref<2x80xi32, #tpu.memory_space<vmem>>, vector<1x16xi32>,
      %and3A_220 = arith.constant 16383 : i32
      %and3A_221 = vector.broadcast %and3A_220 : i32 to vector<16xi32>
      %and3A_222 = arith.andi %get3A_210, %and3A_221 : vector<16xi32>
      %swap3A_223 = arith.constant 1 : i32
      %swap3A_224 = arith.index_cast %swap3A_223 : i32 to index
      %swap3A_225 = arith.constant 48 : index
      %swap3A_226 = tpu.vector_load %arg9[%swap3A_224, %swap3A_225] {strides = array<i32>} : memref<2x80xi32, #tpu.memory_space<vmem>>, vector<1x16xi32>,
      %swap3A_227 = vector.shape_cast %swap3A_226 : vector<1x16xi32> to vector<16xi32>
      %swap3A_228 = vector.shape_cast %and3A_222 : vector<16xi32> to vector<1x16xi32>
      tpu.vector_store %arg9[%swap3A_224, %swap3A_225], %swap3A_228 {strides = array<i32>} : memref<2x80xi32, #tpu.memory_space<vmem>>, vector<1x16xi32>,
      %get3A_229 = arith.index_cast %add3A_140 : i32 to index
      %get3A_230 = arith.constant 64 : index
      %get3A_231 = tpu.vector_load %arg7[%get3A_229, %get3A_230] {strides = array<i32>} : memref<125x80xi32, #tpu.memory_space<vmem>>, vector<1x16xi32>,
      %get3A_232 = vector.shape_cast %get3A_231 : vector<1x16xi32> to vector<16xi32>
      %shift_right_logical3A_233 = arith.constant 14 : i32
      %shift_right_logical3A_234 = vector.broadcast %shift_right_logical3A_233 : i32 to vector<16xi32>
      %shift_right_logical3A_235 = arith.shrui %get3A_232, %shift_right_logical3A_234 : vector<16xi32>
      %swap3A_236 = arith.constant 1 : i32
      %swap3A_237 = arith.index_cast %swap3A_236 : i32 to index
      %swap3A_238 = arith.constant 64 : index
      %swap3A_239 = tpu.vector_load %arg8[%swap3A_237, %swap3A_238] {strides = array<i32>} : memref<2x80xi32, #tpu.memory_space<vmem>>, vector<1x16xi32>,
      %swap3A_240 = vector.shape_cast %swap3A_239 : vector<1x16xi32> to vector<16xi32>
      %swap3A_241 = vector.shape_cast %shift_right_logical3A_235 : vector<16xi32> to vector<1x16xi32>
      tpu.vector_store %arg8[%swap3A_237, %swap3A_238], %swap3A_241 {strides = array<i32>} : memref<2x80xi32, #tpu.memory_space<vmem>>, vector<1x16xi32>,
      %and3A_242 = arith.constant 16383 : i32
      %and3A_243 = vector.broadcast %and3A_242 : i32 to vector<16xi32>
      %and3A_244 = arith.andi %get3A_232, %and3A_243 : vector<16xi32>
      %swap3A_245 = arith.constant 1 : i32
      %swap3A_246 = arith.index_cast %swap3A_245 : i32 to index
      %swap3A_247 = arith.constant 64 : index
      %swap3A_248 = tpu.vector_load %arg9[%swap3A_246, %swap3A_247] {strides = array<i32>} : memref<2x80xi32, #tpu.memory_space<vmem>>, vector<1x16xi32>,
      %swap3A_249 = vector.shape_cast %swap3A_248 : vector<1x16xi32> to vector<16xi32>
      %swap3A_250 = vector.shape_cast %and3A_244 : vector<16xi32> to vector<1x16xi32>
      tpu.vector_store %arg9[%swap3A_246, %swap3A_247], %swap3A_250 {strides = array<i32>} : memref<2x80xi32, #tpu.memory_space<vmem>>, vector<1x16xi32>,
      %dma_start3A_251 = arith.constant 1 : i32
      %dma_start3A_252 = arith.constant 0 : i32
      %dma_start3A_253 = tpu.memref_slice %arg8[%dma_start3A_251, %dma_start3A_252] : memref<2x80xi32, #tpu.memory_space<vmem>> -> memref<1x80xi32, #tpu.memory_space<vmem>>
      %dma_start3A_254 = tpu.memref_squeeze %dma_start3A_253 : memref<1x80xi32, #tpu.memory_space<vmem>> -> memref<80xi32, #tpu.memory_space<vmem>>
      %dma_start3A_255 = arith.constant 0 : i32
      %dma_start3A_256 = arith.constant 0 : i32
      %dma_start3A_257 = tpu.memref_slice %arg2[%dma_start3A_255, %dma_start3A_256] : memref<10000x128xf32, #tpu.memory_space<hbm>> -> memref<10000x128xf32, #tpu.memory_space<hbm>>
      tpu.enqueue_indirect_dma source(%dma_start3A_257 : memref<10000x128xf32, #tpu.memory_space<hbm>>) target(%arg11 : memref<80x128xf32, #tpu.memory_space<vmem>>) offsets(%dma_start3A_254 : memref<80xi32, #tpu.memory_space<vmem>>) semaphore(%arg13 : memref<!tpu.dma_semaphore, #tpu.memory_space<semaphore_mem>>)
      %dma_wait3A_258 = arith.constant 0 : i32
      %dma_wait3A_259 = arith.constant 0 : i32
      %dma_wait3A_260 = tpu.memref_slice %arg8[%dma_wait3A_258, %dma_wait3A_259] : memref<2x80xi32, #tpu.memory_space<vmem>> -> memref<1x80xi32, #tpu.memory_space<vmem>>
      %dma_wait3A_261 = tpu.memref_squeeze %dma_wait3A_260 : memref<1x80xi32, #tpu.memory_space<vmem>> -> memref<80xi32, #tpu.memory_space<vmem>>
      %dma_wait3A_262 = arith.constant 0 : i32
      %dma_wait3A_263 = arith.constant 0 : i32
      %dma_wait3A_264 = tpu.memref_slice %arg2[%dma_wait3A_262, %dma_wait3A_263] : memref<10000x128xf32, #tpu.memory_space<hbm>> -> memref<10000x128xf32, #tpu.memory_space<hbm>>
      tpu.wait_indirect_dma semaphore(%arg12 : memref<!tpu.dma_semaphore, #tpu.memory_space<semaphore_mem>>) src(%dma_wait3A_264 : memref<10000x128xf32, #tpu.memory_space<hbm>>) dst(%arg10 : memref<80x128xf32, #tpu.memory_space<vmem>>)
      %run_scoped3A_265 = arith.constant 0 : i32
      "tpu.region"() ({
        %run_scoped3A_393 = tpu.sem_alloc : memref<!tpu.dma_semaphore, #tpu.memory_space<semaphore_mem>>
        %dma_start3A_394 = arith.constant 0 : i32
        %dma_start3A_395 = tpu.memref_slice %arg9[%run_scoped3A_265, %dma_start3A_394] : memref<2x80xi32, #tpu.memory_space<vmem>> -> memref<1x80xi32, #tpu.memory_space<vmem>>
        %dma_start3A_396 = tpu.memref_squeeze %dma_start3A_395 : memref<1x80xi32, #tpu.memory_space<vmem>> -> memref<80xi32, #tpu.memory_space<vmem>>
        %dma_start3A_397 = arith.constant 0 : i32
        %dma_start3A_398 = arith.constant 0 : i32
        %dma_start3A_399 = tpu.memref_slice %arg6[%dma_start3A_397, %dma_start3A_398] : memref<10112x128xf32, #tpu.memory_space<vmem_shared>> -> memref<10112x128xf32, #tpu.memory_space<vmem_shared>>
        tpu.enqueue_indirect_dma source(%arg10 : memref<80x128xf32, #tpu.memory_space<vmem>>) target(%dma_start3A_399 : memref<10112x128xf32, #tpu.memory_space<vmem_shared>>) offsets(%dma_start3A_396 : memref<80xi32, #tpu.memory_space<vmem>>) semaphore(%run_scoped3A_393 : memref<!tpu.dma_semaphore, #tpu.memory_space<semaphore_mem>>) {add = true}
        %dma_wait3A_400 = arith.constant 0 : i32
        %dma_wait3A_401 = tpu.memref_slice %arg9[%run_scoped3A_265, %dma_wait3A_400] : memref<2x80xi32, #tpu.memory_space<vmem>> -> memref<1x80xi32, #tpu.memory_space<vmem>>
        %dma_wait3A_402 = tpu.memref_squeeze %dma_wait3A_401 : memref<1x80xi32, #tpu.memory_space<vmem>> -> memref<80xi32, #tpu.memory_space<vmem>>
        %dma_wait3A_403 = arith.constant 0 : i32
        %dma_wait3A_404 = arith.constant 0 : i32
        %dma_wait3A_405 = tpu.memref_slice %arg6[%dma_wait3A_403, %dma_wait3A_404] : memref<10112x128xf32, #tpu.memory_space<vmem_shared>> -> memref<10112x128xf32, #tpu.memory_space<vmem_shared>>
        tpu.wait_indirect_dma semaphore(%run_scoped3A_393 : memref<!tpu.dma_semaphore, #tpu.memory_space<semaphore_mem>>) src(%arg10 : memref<80x128xf32, #tpu.memory_space<vmem>>) dst(%dma_wait3A_405 : memref<10112x128xf32, #tpu.memory_space<vmem_shared>>)
        tpu.yield
      }) : () -> ()
      %add3A_266 = arith.constant 1 : i32
      %add3A_267 = arith.addi %add3A_140, %add3A_266 : i32
      %get3A_268 = arith.index_cast %add3A_267 : i32 to index
      %get3A_269 = arith.constant 0 : index
      %get3A_270 = tpu.vector_load %arg7[%get3A_268, %get3A_269] {strides = array<i32>} : memref<125x80xi32, #tpu.memory_space<vmem>>, vector<1x16xi32>,
      %get3A_271 = vector.shape_cast %get3A_270 : vector<1x16xi32> to vector<16xi32>
      %shift_right_logical3A_272 = arith.constant 14 : i32
      %shift_right_logical3A_273 = vector.broadcast %shift_right_logical3A_272 : i32 to vector<16xi32>
      %shift_right_logical3A_274 = arith.shrui %get3A_271, %shift_right_logical3A_273 : vector<16xi32>
      %swap3A_275 = arith.constant 0 : i32
      %swap3A_276 = arith.index_cast %swap3A_275 : i32 to index
      %swap3A_277 = arith.constant 0 : index
      %swap3A_278 = tpu.vector_load %arg8[%swap3A_276, %swap3A_277] {strides = array<i32>} : memref<2x80xi32, #tpu.memory_space<vmem>>, vector<1x16xi32>,
      %swap3A_279 = vector.shape_cast %swap3A_278 : vector<1x16xi32> to vector<16xi32>
      %swap3A_280 = vector.shape_cast %shift_right_logical3A_274 : vector<16xi32> to vector<1x16xi32>
      tpu.vector_store %arg8[%swap3A_276, %swap3A_277], %swap3A_280 {strides = array<i32>} : memref<2x80xi32, #tpu.memory_space<vmem>>, vector<1x16xi32>,
      %and3A_281 = arith.constant 16383 : i32
      %and3A_282 = vector.broadcast %and3A_281 : i32 to vector<16xi32>
      %and3A_283 = arith.andi %get3A_271, %and3A_282 : vector<16xi32>
      %swap3A_284 = arith.constant 0 : i32
      %swap3A_285 = arith.index_cast %swap3A_284 : i32 to index
      %swap3A_286 = arith.constant 0 : index
      %swap3A_287 = tpu.vector_load %arg9[%swap3A_285, %swap3A_286] {strides = array<i32>} : memref<2x80xi32, #tpu.memory_space<vmem>>, vector<1x16xi32>,
      %swap3A_288 = vector.shape_cast %swap3A_287 : vector<1x16xi32> to vector<16xi32>
      %swap3A_289 = vector.shape_cast %and3A_283 : vector<16xi32> to vector<1x16xi32>
      tpu.vector_store %arg9[%swap3A_285, %swap3A_286], %swap3A_289 {strides = array<i32>} : memref<2x80xi32, #tpu.memory_space<vmem>>, vector<1x16xi32>,
      %get3A_290 = arith.index_cast %add3A_267 : i32 to index
      %get3A_291 = arith.constant 16 : index
      %get3A_292 = tpu.vector_load %arg7[%get3A_290, %get3A_291] {strides = array<i32>} : memref<125x80xi32, #tpu.memory_space<vmem>>, vector<1x16xi32>,
      %get3A_293 = vector.shape_cast %get3A_292 : vector<1x16xi32> to vector<16xi32>
      %shift_right_logical3A_294 = arith.constant 14 : i32
      %shift_right_logical3A_295 = vector.broadcast %shift_right_logical3A_294 : i32 to vector<16xi32>
      %shift_right_logical3A_296 = arith.shrui %get3A_293, %shift_right_logical3A_295 : vector<16xi32>
      %swap3A_297 = arith.constant 0 : i32
      %swap3A_298 = arith.index_cast %swap3A_297 : i32 to index
      %swap3A_299 = arith.constant 16 : index
      %swap3A_300 = tpu.vector_load %arg8[%swap3A_298, %swap3A_299] {strides = array<i32>} : memref<2x80xi32, #tpu.memory_space<vmem>>, vector<1x16xi32>,
      %swap3A_301 = vector.shape_cast %swap3A_300 : vector<1x16xi32> to vector<16xi32>
      %swap3A_302 = vector.shape_cast %shift_right_logical3A_296 : vector<16xi32> to vector<1x16xi32>
      tpu.vector_store %arg8[%swap3A_298, %swap3A_299], %swap3A_302 {strides = array<i32>} : memref<2x80xi32, #tpu.memory_space<vmem>>, vector<1x16xi32>,
      %and3A_303 = arith.constant 16383 : i32
      %and3A_304 = vector.broadcast %and3A_303 : i32 to vector<16xi32>
      %and3A_305 = arith.andi %get3A_293, %and3A_304 : vector<16xi32>
      %swap3A_306 = arith.constant 0 : i32
      %swap3A_307 = arith.index_cast %swap3A_306 : i32 to index
      %swap3A_308 = arith.constant 16 : index
      %swap3A_309 = tpu.vector_load %arg9[%swap3A_307, %swap3A_308] {strides = array<i32>} : memref<2x80xi32, #tpu.memory_space<vmem>>, vector<1x16xi32>,
      %swap3A_310 = vector.shape_cast %swap3A_309 : vector<1x16xi32> to vector<16xi32>
      %swap3A_311 = vector.shape_cast %and3A_305 : vector<16xi32> to vector<1x16xi32>
      tpu.vector_store %arg9[%swap3A_307, %swap3A_308], %swap3A_311 {strides = array<i32>} : memref<2x80xi32, #tpu.memory_space<vmem>>, vector<1x16xi32>,
      %get3A_312 = arith.index_cast %add3A_267 : i32 to index
      %get3A_313 = arith.constant 32 : index
      %get3A_314 = tpu.vector_load %arg7[%get3A_312, %get3A_313] {strides = array<i32>} : memref<125x80xi32, #tpu.memory_space<vmem>>, vector<1x16xi32>,
      %get3A_315 = vector.shape_cast %get3A_314 : vector<1x16xi32> to vector<16xi32>
      %shift_right_logical3A_316 = arith.constant 14 : i32
      %shift_right_logical3A_317 = vector.broadcast %shift_right_logical3A_316 : i32 to vector<16xi32>
      %shift_right_logical3A_318 = arith.shrui %get3A_315, %shift_right_logical3A_317 : vector<16xi32>
      %swap3A_319 = arith.constant 0 : i32
      %swap3A_320 = arith.index_cast %swap3A_319 : i32 to index
      %swap3A_321 = arith.constant 32 : index
      %swap3A_322 = tpu.vector_load %arg8[%swap3A_320, %swap3A_321] {strides = array<i32>} : memref<2x80xi32, #tpu.memory_space<vmem>>, vector<1x16xi32>,
      %swap3A_323 = vector.shape_cast %swap3A_322 : vector<1x16xi32> to vector<16xi32>
      %swap3A_324 = vector.shape_cast %shift_right_logical3A_318 : vector<16xi32> to vector<1x16xi32>
      tpu.vector_store %arg8[%swap3A_320, %swap3A_321], %swap3A_324 {strides = array<i32>} : memref<2x80xi32, #tpu.memory_space<vmem>>, vector<1x16xi32>,
      %and3A_325 = arith.constant 16383 : i32
      %and3A_326 = vector.broadcast %and3A_325 : i32 to vector<16xi32>
      %and3A_327 = arith.andi %get3A_315, %and3A_326 : vector<16xi32>
      %swap3A_328 = arith.constant 0 : i32
      %swap3A_329 = arith.index_cast %swap3A_328 : i32 to index
      %swap3A_330 = arith.constant 32 : index
      %swap3A_331 = tpu.vector_load %arg9[%swap3A_329, %swap3A_330] {strides = array<i32>} : memref<2x80xi32, #tpu.memory_space<vmem>>, vector<1x16xi32>,
      %swap3A_332 = vector.shape_cast %swap3A_331 : vector<1x16xi32> to vector<16xi32>
      %swap3A_333 = vector.shape_cast %and3A_327 : vector<16xi32> to vector<1x16xi32>
      tpu.vector_store %arg9[%swap3A_329, %swap3A_330], %swap3A_333 {strides = array<i32>} : memref<2x80xi32, #tpu.memory_space<vmem>>, vector<1x16xi32>,
      %get3A_334 = arith.index_cast %add3A_267 : i32 to index
      %get3A_335 = arith.constant 48 : index
      %get3A_336 = tpu.vector_load %arg7[%get3A_334, %get3A_335] {strides = array<i32>} : memref<125x80xi32, #tpu.memory_space<vmem>>, vector<1x16xi32>,
      %get3A_337 = vector.shape_cast %get3A_336 : vector<1x16xi32> to vector<16xi32>
      %shift_right_logical3A_338 = arith.constant 14 : i32
      %shift_right_logical3A_339 = vector.broadcast %shift_right_logical3A_338 : i32 to vector<16xi32>
      %shift_right_logical3A_340 = arith.shrui %get3A_337, %shift_right_logical3A_339 : vector<16xi32>
      %swap3A_341 = arith.constant 0 : i32
      %swap3A_342 = arith.index_cast %swap3A_341 : i32 to index
      %swap3A_343 = arith.constant 48 : index
      %swap3A_344 = tpu.vector_load %arg8[%swap3A_342, %swap3A_343] {strides = array<i32>} : memref<2x80xi32, #tpu.memory_space<vmem>>, vector<1x16xi32>,
      %swap3A_345 = vector.shape_cast %swap3A_344 : vector<1x16xi32> to vector<16xi32>
      %swap3A_346 = vector.shape_cast %shift_right_logical3A_340 : vector<16xi32> to vector<1x16xi32>
      tpu.vector_store %arg8[%swap3A_342, %swap3A_343], %swap3A_346 {strides = array<i32>} : memref<2x80xi32, #tpu.memory_space<vmem>>, vector<1x16xi32>,
      %and3A_347 = arith.constant 16383 : i32
      %and3A_348 = vector.broadcast %and3A_347 : i32 to vector<16xi32>
      %and3A_349 = arith.andi %get3A_337, %and3A_348 : vector<16xi32>
      %swap3A_350 = arith.constant 0 : i32
      %swap3A_351 = arith.index_cast %swap3A_350 : i32 to index
      %swap3A_352 = arith.constant 48 : index
      %swap3A_353 = tpu.vector_load %arg9[%swap3A_351, %swap3A_352] {strides = array<i32>} : memref<2x80xi32, #tpu.memory_space<vmem>>, vector<1x16xi32>,
      %swap3A_354 = vector.shape_cast %swap3A_353 : vector<1x16xi32> to vector<16xi32>
      %swap3A_355 = vector.shape_cast %and3A_349 : vector<16xi32> to vector<1x16xi32>
      tpu.vector_store %arg9[%swap3A_351, %swap3A_352], %swap3A_355 {strides = array<i32>} : memref<2x80xi32, #tpu.memory_space<vmem>>, vector<1x16xi32>,
      %get3A_356 = arith.index_cast %add3A_267 : i32 to index
      %get3A_357 = arith.constant 64 : index
      %get3A_358 = tpu.vector_load %arg7[%get3A_356, %get3A_357] {strides = array<i32>} : memref<125x80xi32, #tpu.memory_space<vmem>>, vector<1x16xi32>,
      %get3A_359 = vector.shape_cast %get3A_358 : vector<1x16xi32> to vector<16xi32>
      %shift_right_logical3A_360 = arith.constant 14 : i32
      %shift_right_logical3A_361 = vector.broadcast %shift_right_logical3A_360 : i32 to vector<16xi32>
      %shift_right_logical3A_362 = arith.shrui %get3A_359, %shift_right_logical3A_361 : vector<16xi32>
      %swap3A_363 = arith.constant 0 : i32
      %swap3A_364 = arith.index_cast %swap3A_363 : i32 to index
      %swap3A_365 = arith.constant 64 : index
      %swap3A_366 = tpu.vector_load %arg8[%swap3A_364, %swap3A_365] {strides = array<i32>} : memref<2x80xi32, #tpu.memory_space<vmem>>, vector<1x16xi32>,
      %swap3A_367 = vector.shape_cast %swap3A_366 : vector<1x16xi32> to vector<16xi32>
      %swap3A_368 = vector.shape_cast %shift_right_logical3A_362 : vector<16xi32> to vector<1x16xi32>
      tpu.vector_store %arg8[%swap3A_364, %swap3A_365], %swap3A_368 {strides = array<i32>} : memref<2x80xi32, #tpu.memory_space<vmem>>, vector<1x16xi32>,
      %and3A_369 = arith.constant 16383 : i32
      %and3A_370 = vector.broadcast %and3A_369 : i32 to vector<16xi32>
      %and3A_371 = arith.andi %get3A_359, %and3A_370 : vector<16xi32>
      %swap3A_372 = arith.constant 0 : i32
      %swap3A_373 = arith.index_cast %swap3A_372 : i32 to index
      %swap3A_374 = arith.constant 64 : index
      %swap3A_375 = tpu.vector_load %arg9[%swap3A_373, %swap3A_374] {strides = array<i32>} : memref<2x80xi32, #tpu.memory_space<vmem>>, vector<1x16xi32>,
      %swap3A_376 = vector.shape_cast %swap3A_375 : vector<1x16xi32> to vector<16xi32>
      %swap3A_377 = vector.shape_cast %and3A_371 : vector<16xi32> to vector<1x16xi32>
      tpu.vector_store %arg9[%swap3A_373, %swap3A_374], %swap3A_377 {strides = array<i32>} : memref<2x80xi32, #tpu.memory_space<vmem>>, vector<1x16xi32>,
      %dma_start3A_378 = arith.constant 0 : i32
      %dma_start3A_379 = arith.constant 0 : i32
      %dma_start3A_380 = tpu.memref_slice %arg8[%dma_start3A_378, %dma_start3A_379] : memref<2x80xi32, #tpu.memory_space<vmem>> -> memref<1x80xi32, #tpu.memory_space<vmem>>
      %dma_start3A_381 = tpu.memref_squeeze %dma_start3A_380 : memref<1x80xi32, #tpu.memory_space<vmem>> -> memref<80xi32, #tpu.memory_space<vmem>>
      %dma_start3A_382 = arith.constant 0 : i32
      %dma_start3A_383 = arith.constant 0 : i32
      %dma_start3A_384 = tpu.memref_slice %arg2[%dma_start3A_382, %dma_start3A_383] : memref<10000x128xf32, #tpu.memory_space<hbm>> -> memref<10000x128xf32, #tpu.memory_space<hbm>>
      tpu.enqueue_indirect_dma source(%dma_start3A_384 : memref<10000x128xf32, #tpu.memory_space<hbm>>) target(%arg10 : memref<80x128xf32, #tpu.memory_space<vmem>>) offsets(%dma_start3A_381 : memref<80xi32, #tpu.memory_space<vmem>>) semaphore(%arg12 : memref<!tpu.dma_semaphore, #tpu.memory_space<semaphore_mem>>)
      %dma_wait3A_385 = arith.constant 1 : i32
      %dma_wait3A_386 = arith.constant 0 : i32
      %dma_wait3A_387 = tpu.memref_slice %arg8[%dma_wait3A_385, %dma_wait3A_386] : memref<2x80xi32, #tpu.memory_space<vmem>> -> memref<1x80xi32, #tpu.memory_space<vmem>>
      %dma_wait3A_388 = tpu.memref_squeeze %dma_wait3A_387 : memref<1x80xi32, #tpu.memory_space<vmem>> -> memref<80xi32, #tpu.memory_space<vmem>>
      %dma_wait3A_389 = arith.constant 0 : i32
      %dma_wait3A_390 = arith.constant 0 : i32
      %dma_wait3A_391 = tpu.memref_slice %arg2[%dma_wait3A_389, %dma_wait3A_390] : memref<10000x128xf32, #tpu.memory_space<hbm>> -> memref<10000x128xf32, #tpu.memory_space<hbm>>
      tpu.wait_indirect_dma semaphore(%arg13 : memref<!tpu.dma_semaphore, #tpu.memory_space<semaphore_mem>>) src(%dma_wait3A_391 : memref<10000x128xf32, #tpu.memory_space<hbm>>) dst(%arg11 : memref<80x128xf32, #tpu.memory_space<vmem>>)
      %run_scoped3A_392 = arith.constant 1 : i32
      "tpu.region"() ({
        %run_scoped3A_393 = tpu.sem_alloc : memref<!tpu.dma_semaphore, #tpu.memory_space<semaphore_mem>>
        %dma_start3A_394 = arith.constant 0 : i32
        %dma_start3A_395 = tpu.memref_slice %arg9[%run_scoped3A_392, %dma_start3A_394] : memref<2x80xi32, #tpu.memory_space<vmem>> -> memref<1x80xi32, #tpu.memory_space<vmem>>
        %dma_start3A_396 = tpu.memref_squeeze %dma_start3A_395 : memref<1x80xi32, #tpu.memory_space<vmem>> -> memref<80xi32, #tpu.memory_space<vmem>>
        %dma_start3A_397 = arith.constant 0 : i32
        %dma_start3A_398 = arith.constant 0 : i32
        %dma_start3A_399 = tpu.memref_slice %arg6[%dma_start3A_397, %dma_start3A_398] : memref<10112x128xf32, #tpu.memory_space<vmem_shared>> -> memref<10112x128xf32, #tpu.memory_space<vmem_shared>>
        tpu.enqueue_indirect_dma source(%arg11 : memref<80x128xf32, #tpu.memory_space<vmem>>) target(%dma_start3A_399 : memref<10112x128xf32, #tpu.memory_space<vmem_shared>>) offsets(%dma_start3A_396 : memref<80xi32, #tpu.memory_space<vmem>>) semaphore(%run_scoped3A_393 : memref<!tpu.dma_semaphore, #tpu.memory_space<semaphore_mem>>) {add = true}
        %dma_wait3A_400 = arith.constant 0 : i32
        %dma_wait3A_401 = tpu.memref_slice %arg9[%run_scoped3A_392, %dma_wait3A_400] : memref<2x80xi32, #tpu.memory_space<vmem>> -> memref<1x80xi32, #tpu.memory_space<vmem>>
        %dma_wait3A_402 = tpu.memref_squeeze %dma_wait3A_401 : memref<1x80xi32, #tpu.memory_space<vmem>> -> memref<80xi32, #tpu.memory_space<vmem>>
        %dma_wait3A_403 = arith.constant 0 : i32
        %dma_wait3A_404 = arith.constant 0 : i32
        %dma_wait3A_405 = tpu.memref_slice %arg6[%dma_wait3A_403, %dma_wait3A_404] : memref<10112x128xf32, #tpu.memory_space<vmem_shared>> -> memref<10112x128xf32, #tpu.memory_space<vmem_shared>>
        tpu.wait_indirect_dma semaphore(%run_scoped3A_393 : memref<!tpu.dma_semaphore, #tpu.memory_space<semaphore_mem>>) src(%arg11 : memref<80x128xf32, #tpu.memory_space<vmem>>) dst(%dma_wait3A_405 : memref<10112x128xf32, #tpu.memory_space<vmem_shared>>)
        tpu.yield
      }) : () -> ()
    }
    %scan3A_124 = arith.constant 62 : i32
    %dma_wait3A = arith.constant 0 : i32
    %dma_wait3A_125 = arith.constant 0 : i32
    %dma_wait3A_126 = tpu.memref_slice %arg8[%dma_wait3A, %dma_wait3A_125] : memref<2x80xi32, #tpu.memory_space<vmem>> -> memref<1x80xi32, #tpu.memory_space<vmem>>
    %dma_wait3A_127 = tpu.memref_squeeze %dma_wait3A_126 : memref<1x80xi32, #tpu.memory_space<vmem>> -> memref<80xi32, #tpu.memory_space<vmem>>
    %dma_wait3A_128 = arith.constant 0 : i32
    %dma_wait3A_129 = arith.constant 0 : i32
    %dma_wait3A_130 = tpu.memref_slice %arg2[%dma_wait3A_128, %dma_wait3A_129] : memref<10000x128xf32, #tpu.memory_space<hbm>> -> memref<10000x128xf32, #tpu.memory_space<hbm>>
    tpu.wait_indirect_dma semaphore(%arg12 : memref<!tpu.dma_semaphore, #tpu.memory_space<semaphore_mem>>) src(%dma_wait3A_130 : memref<10000x128xf32, #tpu.memory_space<hbm>>) dst(%arg10 : memref<80x128xf32, #tpu.memory_space<vmem>>)
    %run_scoped3A = arith.constant 0 : i32
    "tpu.region"() ({
      %run_scoped3A_136 = tpu.sem_alloc : memref<!tpu.dma_semaphore, #tpu.memory_space<semaphore_mem>>
      %dma_start3A_137 = arith.constant 0 : i32
      %dma_start3A_138 = tpu.memref_slice %arg9[%run_scoped3A, %dma_start3A_137] : memref<2x80xi32, #tpu.memory_space<vmem>> -> memref<1x80xi32, #tpu.memory_space<vmem>>
      %dma_start3A_139 = tpu.memref_squeeze %dma_start3A_138 : memref<1x80xi32, #tpu.memory_space<vmem>> -> memref<80xi32, #tpu.memory_space<vmem>>
      %dma_start3A_140 = arith.constant 0 : i32
      %dma_start3A_141 = arith.constant 0 : i32
      %dma_start3A_142 = tpu.memref_slice %arg6[%dma_start3A_140, %dma_start3A_141] : memref<10112x128xf32, #tpu.memory_space<vmem_shared>> -> memref<10112x128xf32, #tpu.memory_space<vmem_shared>>
      tpu.enqueue_indirect_dma source(%arg10 : memref<80x128xf32, #tpu.memory_space<vmem>>) target(%dma_start3A_142 : memref<10112x128xf32, #tpu.memory_space<vmem_shared>>) offsets(%dma_start3A_139 : memref<80xi32, #tpu.memory_space<vmem>>) semaphore(%run_scoped3A_136 : memref<!tpu.dma_semaphore, #tpu.memory_space<semaphore_mem>>) {add = true}
      %dma_wait3A_143 = arith.constant 0 : i32
      %dma_wait3A_144 = tpu.memref_slice %arg9[%run_scoped3A, %dma_wait3A_143] : memref<2x80xi32, #tpu.memory_space<vmem>> -> memref<1x80xi32, #tpu.memory_space<vmem>>
      %dma_wait3A_145 = tpu.memref_squeeze %dma_wait3A_144 : memref<1x80xi32, #tpu.memory_space<vmem>> -> memref<80xi32, #tpu.memory_space<vmem>>
      %dma_wait3A_146 = arith.constant 0 : i32
      %dma_wait3A_147 = arith.constant 0 : i32
      %dma_wait3A_148 = tpu.memref_slice %arg6[%dma_wait3A_146, %dma_wait3A_147] : memref<10112x128xf32, #tpu.memory_space<vmem_shared>> -> memref<10112x128xf32, #tpu.memory_space<vmem_shared>>
      tpu.wait_indirect_dma semaphore(%run_scoped3A_136 : memref<!tpu.dma_semaphore, #tpu.memory_space<semaphore_mem>>) src(%arg10 : memref<80x128xf32, #tpu.memory_space<vmem>>) dst(%dma_wait3A_148 : memref<10112x128xf32, #tpu.memory_space<vmem_shared>>)
      tpu.yield
    }) : () -> ()
    %barrier3A_131 = arith.constant 0 : index
    tpu.barrier barrier_id(%barrier3A_131)
    %mul3A_132 = arith.constant 632 : i32
    %mul3A_133 = arith.muli %arg1, %mul3A_132 : i32
    %mul3A_134 = arith.constant 632 : i32
    %mul3A_135 = arith.muli %arg1, %mul3A_134 : i32
    "tpu.region"() ({
      %run_scoped3A_136 = tpu.sem_alloc : memref<!tpu.dma_semaphore, #tpu.memory_space<semaphore_mem>>
      %dma_start3A_137 = arith.constant 0 : i32
      %dma_start3A_138 = arith.constant 0 : i32
      %dma_start3A_139 = tpu.memref_slice %arg5[%arg0, %dma_start3A_137, %dma_start3A_138] : memref<2x10112x128xf32, #tpu.memory_space<hbm>> -> memref<1x10112x128xf32, #tpu.memory_space<hbm>>
      %dma_start3A_140 = tpu.memref_squeeze %dma_start3A_139 : memref<1x10112x128xf32, #tpu.memory_space<hbm>> -> memref<10112x128xf32, #tpu.memory_space<hbm>>
      %dma_start3A_141 = arith.constant 0 : i32
      %dma_start3A_142 = tpu.memref_slice %dma_start3A_140[%mul3A_135, %dma_start3A_141] : memref<10112x128xf32, #tpu.memory_space<hbm>> -> memref<632x128xf32, #tpu.memory_space<hbm>>
      %dma_start3A_143 = arith.constant 0 : i32
      %dma_start3A_144 = tpu.memref_slice %arg6[%mul3A_133, %dma_start3A_143] : memref<10112x128xf32, #tpu.memory_space<vmem_shared>> -> memref<632x128xf32, #tpu.memory_space<vmem_shared>>
      tpu.enqueue_dma source(%dma_start3A_144 : memref<632x128xf32, #tpu.memory_space<vmem_shared>>) target(%dma_start3A_142 : memref<632x128xf32, #tpu.memory_space<hbm>>) target_semaphore(%run_scoped3A_136 : memref<!tpu.dma_semaphore, #tpu.memory_space<semaphore_mem>>)
      %dma_wait3A_145 = arith.constant 0 : i32
      %dma_wait3A_146 = arith.constant 0 : i32
      %dma_wait3A_147 = tpu.memref_slice %arg5[%arg0, %dma_wait3A_145, %dma_wait3A_146] : memref<2x10112x128xf32, #tpu.memory_space<hbm>> -> memref<1x10112x128xf32, #tpu.memory_space<hbm>>
      %dma_wait3A_148 = tpu.memref_squeeze %dma_wait3A_147 : memref<1x10112x128xf32, #tpu.memory_space<hbm>> -> memref<10112x128xf32, #tpu.memory_space<hbm>>
      %dma_wait3A_149 = arith.constant 0 : i32
      %dma_wait3A_150 = tpu.memref_slice %dma_wait3A_148[%mul3A_135, %dma_wait3A_149] : memref<10112x128xf32, #tpu.memory_space<hbm>> -> memref<632x128xf32, #tpu.memory_space<hbm>>
      %dma_wait3A_151 = arith.constant 0 : i32
      %dma_wait3A_152 = tpu.memref_slice %arg6[%mul3A_133, %dma_wait3A_151] : memref<10112x128xf32, #tpu.memory_space<vmem_shared>> -> memref<632x128xf32, #tpu.memory_space<vmem_shared>>
      tpu.wait_dma2 semaphore(%run_scoped3A_136 : memref<!tpu.dma_semaphore, #tpu.memory_space<semaphore_mem>>) src(%dma_wait3A_152 : memref<632x128xf32, #tpu.memory_space<vmem_shared>>) dst(%dma_wait3A_150 : memref<632x128xf32, #tpu.memory_space<hbm>>)
      tpu.yield
    }) : () -> ()
    return
  }
}

module attributes {stable_mosaic.version = 14 : i64} {
  func.func @_tc_in_body(%arg0: i32, %arg1: memref<1000x128xf32, #tpu.memory_space<vmem>>, %arg2: memref<128x128xf32, #tpu.memory_space<vmem>>, %arg3: memref<1000x1xf32, #tpu.memory_space<vmem>>, %arg4: memref<1000x128xf32, #tpu.memory_space<vmem>>) attributes {dimension_semantics = [#tpu.dimension_semantics<arbitrary>], iteration_bounds = array<i64: 10>, scalar_prefetch = 0 : i64, scratch_operands = 0 : i64, tpu.core_type = #tpu.core_type<tc>, window_params = [{transform_indices = @transform_0, window_bounds = array<i64: 1000, 128>}, {pipeline_mode = #tpu.pipeline_mode<synchronous>, transform_indices = @transform_1, window_bounds = array<i64: 128, 128>}, {transform_indices = @transform_2, window_bounds = array<i64: 1000, 1>}, {transform_indices = @transform_3, window_bounds = array<i64: 1000, 128>}]} {
    %get3A = arith.constant 0 : index
    %get3A_0 = arith.constant 0 : index
    %get3A_1 = vector.load %arg3[%get3A, %get3A_0] : memref<1000x1xf32, #tpu.memory_space<vmem>>, vector<1000x1xf32>
    %get3A_2 = arith.constant 0 : index
    %get3A_3 = arith.constant 0 : index
    %get3A_4 = vector.load %arg1[%get3A_2, %get3A_3] : memref<1000x128xf32, #tpu.memory_space<vmem>>, vector<1000x128xf32>
    %mul3A = vector.broadcast %get3A_1 : vector<1000x1xf32> to vector<1000x128xf32>
    %mul3A_5 = arith.mulf %mul3A, %get3A_4 : vector<1000x128xf32>
    %get3A_6 = arith.constant 0 : index
    %get3A_7 = arith.constant 0 : index
    %get3A_8 = vector.load %arg2[%get3A_6, %get3A_7] : memref<128x128xf32, #tpu.memory_space<vmem>>, vector<128x128xf32>
    %dot_general3A = arith.constant dense<0.000000e+00> : vector<1000x128xf32>
    %dot_general3A_9 = tpu.matmul %mul3A_5, %get3A_8, %dot_general3A {dimension_numbers = #tpu.dot_dimension_numbers<[1], [0], [0], [1], [0, 0, 1, 1], [], []>, transpose_lhs_hint = false} : vector<1000x128xf32>, vector<128x128xf32>, vector<1000x128xf32> -> vector<1000x128xf32>
    %swap3A = arith.constant 0 : index
    %swap3A_10 = arith.constant 0 : index
    %swap3A_11 = vector.load %arg4[%swap3A, %swap3A_10] : memref<1000x128xf32, #tpu.memory_space<vmem>>, vector<1000x128xf32>
    tpu.vector_store %arg4[%swap3A, %swap3A_10], %dot_general3A_9 {strides = array<i32>} : memref<1000x128xf32, #tpu.memory_space<vmem>>, vector<1000x128xf32>,
    return
  }
  func.func @transform_0(%arg0: i32) -> (i32, i32) {
    %c0_i32 = arith.constant 0 : i32
    %c0_i32_0 = arith.constant 0 : i32
    return %arg0, %c0_i32 : i32, i32
  }
  func.func @transform_1(%arg0: i32) -> (i32, i32) {
    %c0_i32 = arith.constant 0 : i32
    %c0_i32_0 = arith.constant 0 : i32
    %c0_i32_1 = arith.constant 0 : i32
    return %c0_i32, %c0_i32_0 : i32, i32
  }
  func.func @transform_2(%arg0: i32) -> (i32, i32) {
    %c0_i32 = arith.constant 0 : i32
    %c0_i32_0 = arith.constant 0 : i32
    return %arg0, %c0_i32 : i32, i32
  }
  func.func @transform_3(%arg0: i32) -> (i32, i32) {
    %c0_i32 = arith.constant 0 : i32
    %c0_i32_0 = arith.constant 0 : i32
    return %arg0, %c0_i32 : i32, i32
  }
}

module attributes {stable_mosaic.version = 14 : i64} {
  func.func @_tc_mid_body(%arg0: i32, %arg1: memref<2x1000x128xf32, #tpu.memory_space<vmem>>, %arg2: memref<1000x128xf32, #tpu.memory_space<vmem>>, %arg3: memref<1000x1xf32, #tpu.memory_space<vmem>>, %arg4: memref<1x128xf32, #tpu.memory_space<vmem>>, %arg5: memref<1x128xf32, #tpu.memory_space<vmem>>, %arg6: memref<1x128xf32, #tpu.memory_space<vmem>>, %arg7: memref<128x128xf32, #tpu.memory_space<vmem>>, %arg8: memref<1000x128xf32, #tpu.memory_space<vmem>>) attributes {dimension_semantics = [#tpu.dimension_semantics<arbitrary>], iteration_bounds = array<i64: 10>, scalar_prefetch = 0 : i64, scratch_operands = 0 : i64, tpu.core_type = #tpu.core_type<tc>, window_params = [{transform_indices = @transform_0, window_bounds = array<i64: 2, 1000, 128>}, {transform_indices = @transform_1, window_bounds = array<i64: 1000, 128>}, {transform_indices = @transform_2, window_bounds = array<i64: 1000, 1>}, {pipeline_mode = #tpu.pipeline_mode<synchronous>, transform_indices = @transform_3, window_bounds = array<i64: 1, 128>}, {pipeline_mode = #tpu.pipeline_mode<synchronous>, transform_indices = @transform_4, window_bounds = array<i64: 1, 128>}, {pipeline_mode = #tpu.pipeline_mode<synchronous>, transform_indices = @transform_5, window_bounds = array<i64: 1, 128>}, {pipeline_mode = #tpu.pipeline_mode<synchronous>, transform_indices = @transform_6, window_bounds = array<i64: 128, 128>}, {transform_indices = @transform_7, window_bounds = array<i64: 1000, 128>}]} {
    %get3A = arith.constant 0 : index
    %get3A_0 = arith.constant 0 : index
    %get3A_1 = vector.load %arg3[%get3A, %get3A_0] : memref<1000x1xf32, #tpu.memory_space<vmem>>, vector<1000x1xf32>
    %get3A_2 = arith.constant 0 : index
    %get3A_3 = arith.constant 0 : index
    %get3A_4 = arith.constant 0 : index
    %get3A_5 = vector.load %arg1[%get3A_2, %get3A_3, %get3A_4] : memref<2x1000x128xf32, #tpu.memory_space<vmem>>, vector<1x1000x128xf32>
    %get3A_6 = vector.shape_cast %get3A_5 : vector<1x1000x128xf32> to vector<1000x128xf32>
    %get3A_7 = arith.constant 1 : index
    %get3A_8 = arith.constant 0 : index
    %get3A_9 = arith.constant 0 : index
    %get3A_10 = vector.load %arg1[%get3A_7, %get3A_8, %get3A_9] : memref<2x1000x128xf32, #tpu.memory_space<vmem>>, vector<1x1000x128xf32>
    %get3A_11 = vector.shape_cast %get3A_10 : vector<1x1000x128xf32> to vector<1000x128xf32>
    %add3A = arith.addf %get3A_6, %get3A_11 : vector<1000x128xf32>
    %get3A_12 = arith.constant 0 : index
    %get3A_13 = arith.constant 0 : index
    %get3A_14 = vector.load %arg2[%get3A_12, %get3A_13] : memref<1000x128xf32, #tpu.memory_space<vmem>>, vector<1000x128xf32>
    %add3A_15 = arith.addf %add3A, %get3A_14 : vector<1000x128xf32>
    %mul3A = vector.broadcast %get3A_1 : vector<1000x1xf32> to vector<1000x128xf32>
    %mul3A_16 = arith.mulf %mul3A, %add3A_15 : vector<1000x128xf32>
    %get3A_17 = arith.constant 0 : index
    %get3A_18 = arith.constant 0 : index
    %get3A_19 = vector.load %arg4[%get3A_17, %get3A_18] : memref<1x128xf32, #tpu.memory_space<vmem>>, vector<1x128xf32>
    %add3A_20 = vector.broadcast %get3A_19 : vector<1x128xf32> to vector<1000x128xf32>
    %add3A_21 = arith.addf %mul3A_16, %add3A_20 : vector<1000x128xf32>
    %get3A_22 = arith.constant 0 : index
    %get3A_23 = arith.constant 0 : index
    %get3A_24 = vector.load %arg5[%get3A_22, %get3A_23] : memref<1x128xf32, #tpu.memory_space<vmem>>, vector<1x128xf32>
    %mul3A_25 = vector.broadcast %get3A_24 : vector<1x128xf32> to vector<1000x128xf32>
    %mul3A_26 = arith.mulf %add3A_21, %mul3A_25 : vector<1000x128xf32>
    %get3A_27 = arith.constant 0 : index
    %get3A_28 = arith.constant 0 : index
    %get3A_29 = vector.load %arg6[%get3A_27, %get3A_28] : memref<1x128xf32, #tpu.memory_space<vmem>>, vector<1x128xf32>
    %add3A_30 = vector.broadcast %get3A_29 : vector<1x128xf32> to vector<1000x128xf32>
    %add3A_31 = arith.addf %mul3A_26, %add3A_30 : vector<1000x128xf32>
    %max3A = arith.constant 0.000000e+00 : f32
    %max3A_32 = vector.broadcast %max3A : f32 to vector<1000x128xf32>
    %max3A_33 = arith.maximumf %add3A_31, %max3A_32 : vector<1000x128xf32>
    %mul3A_34 = vector.broadcast %get3A_1 : vector<1000x1xf32> to vector<1000x128xf32>
    %mul3A_35 = arith.mulf %mul3A_34, %max3A_33 : vector<1000x128xf32>
    %get3A_36 = arith.constant 0 : index
    %get3A_37 = arith.constant 0 : index
    %get3A_38 = vector.load %arg7[%get3A_36, %get3A_37] : memref<128x128xf32, #tpu.memory_space<vmem>>, vector<128x128xf32>
    %dot_general3A = arith.constant dense<0.000000e+00> : vector<1000x128xf32>
    %dot_general3A_39 = tpu.matmul %mul3A_35, %get3A_38, %dot_general3A {dimension_numbers = #tpu.dot_dimension_numbers<[1], [0], [0], [1], [0, 0, 1, 1], [], []>, transpose_lhs_hint = false} : vector<1000x128xf32>, vector<128x128xf32>, vector<1000x128xf32> -> vector<1000x128xf32>
    %swap3A = arith.constant 0 : index
    %swap3A_40 = arith.constant 0 : index
    %swap3A_41 = vector.load %arg8[%swap3A, %swap3A_40] : memref<1000x128xf32, #tpu.memory_space<vmem>>, vector<1000x128xf32>
    tpu.vector_store %arg8[%swap3A, %swap3A_40], %dot_general3A_39 {strides = array<i32>} : memref<1000x128xf32, #tpu.memory_space<vmem>>, vector<1000x128xf32>,
    return
  }
  func.func @transform_0(%arg0: i32) -> (i32, i32, i32) {
    %c0_i32 = arith.constant 0 : i32
    %c0_i32_0 = arith.constant 0 : i32
    %c0_i32_1 = arith.constant 0 : i32
    return %c0_i32, %arg0, %c0_i32_0 : i32, i32, i32
  }
  func.func @transform_1(%arg0: i32) -> (i32, i32) {
    %c0_i32 = arith.constant 0 : i32
    %c0_i32_0 = arith.constant 0 : i32
    return %arg0, %c0_i32 : i32, i32
  }
  func.func @transform_2(%arg0: i32) -> (i32, i32) {
    %c0_i32 = arith.constant 0 : i32
    %c0_i32_0 = arith.constant 0 : i32
    return %arg0, %c0_i32 : i32, i32
  }
  func.func @transform_3(%arg0: i32) -> (i32, i32) {
    %c0_i32 = arith.constant 0 : i32
    %c0_i32_0 = arith.constant 0 : i32
    %c0_i32_1 = arith.constant 0 : i32
    return %c0_i32, %c0_i32_0 : i32, i32
  }
  func.func @transform_4(%arg0: i32) -> (i32, i32) {
    %c0_i32 = arith.constant 0 : i32
    %c0_i32_0 = arith.constant 0 : i32
    %c0_i32_1 = arith.constant 0 : i32
    return %c0_i32, %c0_i32_0 : i32, i32
  }
  func.func @transform_5(%arg0: i32) -> (i32, i32) {
    %c0_i32 = arith.constant 0 : i32
    %c0_i32_0 = arith.constant 0 : i32
    %c0_i32_1 = arith.constant 0 : i32
    return %c0_i32, %c0_i32_0 : i32, i32
  }
  func.func @transform_6(%arg0: i32) -> (i32, i32) {
    %c0_i32 = arith.constant 0 : i32
    %c0_i32_0 = arith.constant 0 : i32
    %c0_i32_1 = arith.constant 0 : i32
    return %c0_i32, %c0_i32_0 : i32, i32
  }
  func.func @transform_7(%arg0: i32) -> (i32, i32) {
    %c0_i32 = arith.constant 0 : i32
    %c0_i32_0 = arith.constant 0 : i32
    return %arg0, %c0_i32 : i32, i32
  }
}

module attributes {stable_mosaic.version = 14 : i64} {
  func.func @_tc_out_body(%arg0: i32, %arg1: memref<2x1000x128xf32, #tpu.memory_space<vmem>>, %arg2: memref<1000x128xf32, #tpu.memory_space<vmem>>, %arg3: memref<1000x1xf32, #tpu.memory_space<vmem>>, %arg4: memref<1x128xf32, #tpu.memory_space<vmem>>, %arg5: memref<1x128xf32, #tpu.memory_space<vmem>>, %arg6: memref<1x128xf32, #tpu.memory_space<vmem>>, %arg7: memref<128x128xf32, #tpu.memory_space<vmem>>, %arg8: memref<1x128xf32, #tpu.memory_space<vmem>>, %arg9: memref<1000x128xf32, #tpu.memory_space<vmem>>) attributes {dimension_semantics = [#tpu.dimension_semantics<arbitrary>], iteration_bounds = array<i64: 10>, scalar_prefetch = 0 : i64, scratch_operands = 0 : i64, tpu.core_type = #tpu.core_type<tc>, window_params = [{transform_indices = @transform_0, window_bounds = array<i64: 2, 1000, 128>}, {transform_indices = @transform_1, window_bounds = array<i64: 1000, 128>}, {transform_indices = @transform_2, window_bounds = array<i64: 1000, 1>}, {pipeline_mode = #tpu.pipeline_mode<synchronous>, transform_indices = @transform_3, window_bounds = array<i64: 1, 128>}, {pipeline_mode = #tpu.pipeline_mode<synchronous>, transform_indices = @transform_4, window_bounds = array<i64: 1, 128>}, {pipeline_mode = #tpu.pipeline_mode<synchronous>, transform_indices = @transform_5, window_bounds = array<i64: 1, 128>}, {pipeline_mode = #tpu.pipeline_mode<synchronous>, transform_indices = @transform_6, window_bounds = array<i64: 128, 128>}, {pipeline_mode = #tpu.pipeline_mode<synchronous>, transform_indices = @transform_7, window_bounds = array<i64: 1, 128>}, {transform_indices = @transform_8, window_bounds = array<i64: 1000, 128>}]} {
    %get3A = arith.constant 0 : index
    %get3A_0 = arith.constant 0 : index
    %get3A_1 = arith.constant 0 : index
    %get3A_2 = vector.load %arg1[%get3A, %get3A_0, %get3A_1] : memref<2x1000x128xf32, #tpu.memory_space<vmem>>, vector<1x1000x128xf32>
    %get3A_3 = vector.shape_cast %get3A_2 : vector<1x1000x128xf32> to vector<1000x128xf32>
    %get3A_4 = arith.constant 1 : index
    %get3A_5 = arith.constant 0 : index
    %get3A_6 = arith.constant 0 : index
    %get3A_7 = vector.load %arg1[%get3A_4, %get3A_5, %get3A_6] : memref<2x1000x128xf32, #tpu.memory_space<vmem>>, vector<1x1000x128xf32>
    %get3A_8 = vector.shape_cast %get3A_7 : vector<1x1000x128xf32> to vector<1000x128xf32>
    %add3A = arith.addf %get3A_3, %get3A_8 : vector<1000x128xf32>
    %get3A_9 = arith.constant 0 : index
    %get3A_10 = arith.constant 0 : index
    %get3A_11 = vector.load %arg2[%get3A_9, %get3A_10] : memref<1000x128xf32, #tpu.memory_space<vmem>>, vector<1000x128xf32>
    %add3A_12 = arith.addf %add3A, %get3A_11 : vector<1000x128xf32>
    %get3A_13 = arith.constant 0 : index
    %get3A_14 = arith.constant 0 : index
    %get3A_15 = vector.load %arg3[%get3A_13, %get3A_14] : memref<1000x1xf32, #tpu.memory_space<vmem>>, vector<1000x1xf32>
    %mul3A = vector.broadcast %get3A_15 : vector<1000x1xf32> to vector<1000x128xf32>
    %mul3A_16 = arith.mulf %mul3A, %add3A_12 : vector<1000x128xf32>
    %get3A_17 = arith.constant 0 : index
    %get3A_18 = arith.constant 0 : index
    %get3A_19 = vector.load %arg4[%get3A_17, %get3A_18] : memref<1x128xf32, #tpu.memory_space<vmem>>, vector<1x128xf32>
    %add3A_20 = vector.broadcast %get3A_19 : vector<1x128xf32> to vector<1000x128xf32>
    %add3A_21 = arith.addf %mul3A_16, %add3A_20 : vector<1000x128xf32>
    %get3A_22 = arith.constant 0 : index
    %get3A_23 = arith.constant 0 : index
    %get3A_24 = vector.load %arg5[%get3A_22, %get3A_23] : memref<1x128xf32, #tpu.memory_space<vmem>>, vector<1x128xf32>
    %mul3A_25 = vector.broadcast %get3A_24 : vector<1x128xf32> to vector<1000x128xf32>
    %mul3A_26 = arith.mulf %add3A_21, %mul3A_25 : vector<1000x128xf32>
    %get3A_27 = arith.constant 0 : index
    %get3A_28 = arith.constant 0 : index
    %get3A_29 = vector.load %arg6[%get3A_27, %get3A_28] : memref<1x128xf32, #tpu.memory_space<vmem>>, vector<1x128xf32>
    %add3A_30 = vector.broadcast %get3A_29 : vector<1x128xf32> to vector<1000x128xf32>
    %add3A_31 = arith.addf %mul3A_26, %add3A_30 : vector<1000x128xf32>
    %max3A = arith.constant 0.000000e+00 : f32
    %max3A_32 = vector.broadcast %max3A : f32 to vector<1000x128xf32>
    %max3A_33 = arith.maximumf %add3A_31, %max3A_32 : vector<1000x128xf32>
    %get3A_34 = arith.constant 0 : index
    %get3A_35 = arith.constant 0 : index
    %get3A_36 = vector.load %arg7[%get3A_34, %get3A_35] : memref<128x128xf32, #tpu.memory_space<vmem>>, vector<128x128xf32>
    %dot_general3A = arith.constant dense<0.000000e+00> : vector<1000x128xf32>
    %dot_general3A_37 = tpu.matmul %max3A_33, %get3A_36, %dot_general3A {dimension_numbers = #tpu.dot_dimension_numbers<[1], [0], [0], [1], [0, 0, 1, 1], [], []>, transpose_lhs_hint = false} : vector<1000x128xf32>, vector<128x128xf32>, vector<1000x128xf32> -> vector<1000x128xf32>
    %get3A_38 = arith.constant 0 : index
    %get3A_39 = arith.constant 0 : index
    %get3A_40 = vector.load %arg8[%get3A_38, %get3A_39] : memref<1x128xf32, #tpu.memory_space<vmem>>, vector<1x128xf32>
    %add3A_41 = vector.broadcast %get3A_40 : vector<1x128xf32> to vector<1000x128xf32>
    %add3A_42 = arith.addf %dot_general3A_37, %add3A_41 : vector<1000x128xf32>
    %swap3A = arith.constant 0 : index
    %swap3A_43 = arith.constant 0 : index
    %swap3A_44 = vector.load %arg9[%swap3A, %swap3A_43] : memref<1000x128xf32, #tpu.memory_space<vmem>>, vector<1000x128xf32>
    tpu.vector_store %arg9[%swap3A, %swap3A_43], %add3A_42 {strides = array<i32>} : memref<1000x128xf32, #tpu.memory_space<vmem>>, vector<1000x128xf32>,
    return
  }
  func.func @transform_0(%arg0: i32) -> (i32, i32, i32) {
    %c0_i32 = arith.constant 0 : i32
    %c0_i32_0 = arith.constant 0 : i32
    %c0_i32_1 = arith.constant 0 : i32
    return %c0_i32, %arg0, %c0_i32_0 : i32, i32, i32
  }
  func.func @transform_1(%arg0: i32) -> (i32, i32) {
    %c0_i32 = arith.constant 0 : i32
    %c0_i32_0 = arith.constant 0 : i32
    return %arg0, %c0_i32 : i32, i32
  }
  func.func @transform_2(%arg0: i32) -> (i32, i32) {
    %c0_i32 = arith.constant 0 : i32
    %c0_i32_0 = arith.constant 0 : i32
    return %arg0, %c0_i32 : i32, i32
  }
  func.func @transform_3(%arg0: i32) -> (i32, i32) {
    %c0_i32 = arith.constant 0 : i32
    %c0_i32_0 = arith.constant 0 : i32
    %c0_i32_1 = arith.constant 0 : i32
    return %c0_i32, %c0_i32_0 : i32, i32
  }
  func.func @transform_4(%arg0: i32) -> (i32, i32) {
    %c0_i32 = arith.constant 0 : i32
    %c0_i32_0 = arith.constant 0 : i32
    %c0_i32_1 = arith.constant 0 : i32
    return %c0_i32, %c0_i32_0 : i32, i32
  }
  func.func @transform_5(%arg0: i32) -> (i32, i32) {
    %c0_i32 = arith.constant 0 : i32
    %c0_i32_0 = arith.constant 0 : i32
    %c0_i32_1 = arith.constant 0 : i32
    return %c0_i32, %c0_i32_0 : i32, i32
  }
  func.func @transform_6(%arg0: i32) -> (i32, i32) {
    %c0_i32 = arith.constant 0 : i32
    %c0_i32_0 = arith.constant 0 : i32
    %c0_i32_1 = arith.constant 0 : i32
    return %c0_i32, %c0_i32_0 : i32, i32
  }
  func.func @transform_7(%arg0: i32) -> (i32, i32) {
    %c0_i32 = arith.constant 0 : i32
    %c0_i32_0 = arith.constant 0 : i32
    %c0_i32_1 = arith.constant 0 : i32
    return %c0_i32, %c0_i32_0 : i32, i32
  }
  func.func @transform_8(%arg0: i32) -> (i32, i32) {
    %c0_i32 = arith.constant 0 : i32
    %c0_i32_0 = arith.constant 0 : i32
    return %arg0, %c0_i32 : i32, i32
  }
}

</mosaic_0001>

<sc_bundles>
// kernel: kernel.10.cloned.1.call-start
scs
__scs_entry_jumppad:
0x0: {  	(pc) =	sbr.rel $0x88, $3  }
0x1: {  	(tag) =	ssettag $0x0;
	lr =	simm.s32 $0x1  }
0x2: {  	[smem:$0x3F91] =	sst lr;
	_ =	strace $0xD0000000  }
0x3: {  	_ = 	snop  }
0x4: {  	_ = 	snop  }
0x5: {  	_ = 	snop  }
0x6: {  	_ = 	snop  }
0x7: {  	_ = 	snop  }
__scs_overlays_trampoline_lowered:
0x8: {  	[smem:$0x3FA0] =	sst s0  }
0x9: {  	[smem:$0x3FA1] =	sst s1  }
0xa: {  	[smem:$0x3FA2] =	sst s2  }
0xb: {  	[smem:$0x3FA3] =	sst s3  }
0xc: {  	[smem:$0x3FA4] =	sst s4  }
0xd: {  	[smem:$0x3FA5] =	sst s5  }
0xe: {  	[smem:$0x3FA6] =	sst s6  }
0xf: {  	[smem:$0x3FA7] =	sst s7  }
0x10: {  	[smem:$0x3FA8] =	sst s8  }
0x11: {  	[smem:$0x3FA9] =	sst s9;
	s0 =	simm.s32 @!p0 $0x0  }
0x12: {  	s1 =	sld [smem:$0x3F8F];
	s0 =	simm.s32 @p0 $0x1  }
0x13: {  	[smem:$0x3FAA] =	sst s0;
	s0 =	simm.s32 @!p1 $0x0  }
0x14: {  	s2 =	sld [smem:$0x3F8E];
	s0 =	simm.s32 @p1 $0x1  }
0x15: {  	[smem:$0x3FAB] =	sst s0;
	s0 =	simm.s32 @!p2 $0x0  }
0x16: {  	s3 =	sld [smem:$0x3FDB];
	s0 =	simm.s32 @p2 $0x1  }
0x17: {  	s4 =	simm.s32 $0x1BF5;
	[smem:$0x3FAD] =	sst s0  }
0x18: {  	s0 =	sld [smem:$0x3F90];
	_ =	swait.ge [sflag:s4], $0x0  }
0x19: {  	s7 =	sld [smem:$0x3F91]  }
0x1a: {  	s8 =	sadd.s32 $0xFFFFE003, lr  }
0x1b: {  	s9 =	sadd.s32 $0xFFFFFEF7, lr;
	s5 =	simm.s32 $0xFFFFFFFF;
	p2 =	slt.u32 s8, $0xFFFFF086  }
0x1c: {  	p1 =	slt.u32 s9, $0xF7A;
	s5 =	simm.s32 @!p2 $0x0  }
0x1d: {  	s5 =	simm.s32 @p1 $0x1;
	p0 =	seq.s32 s7, s2  }
0x1e: {  	s7 =	smul.u32 @!p0 $0xF7A, s2;
	p2 =	seq.s32 @!p0 s5, $0x0  }
0x1f: {  	s9 =	smul.u32 $0xF7A, s1;
	s8 =	simm.s32 @!p0 $0x1BF5;
	p2 =	por !p2, p0  }
0x20: {  	[sflag:s8] =	ssyncset.s32 @!p0 $0xFFFFF086;
	s6 =	sadd.s32 @!p0 s3, s7;
	s7 =	simm.s32 @!p0 $0x108  }
0x21: {  	s3 =	sadd.s32 s3, s9;
	s6 =	sadd.s32 @!p0 $0x88, s6;
	s7 =	simm.s32 @p2 $0x1082  }
0x22: {  	[simem:s7], [sflag:s8] =	dma.local @!p0 [hbm:s6], $0xF7A  }
0x23: {  	s9 =	sor.u32 $0xD0000000, s2;
	s6 =	simm.s32 $0x108;
	_ =	swait.ge @!p0 [sflag:s8], $0x0  }
0x24: {  	s3 =	sadd.s32 $0x88, s3;
	s6 =	simm.s32 @!p1 $0x1082;
	[sflag:s4] =	ssyncset.s32 $0xFFFFF086  }
0x25: {  	[simem:s6], [sflag:s4] =	dma.local [hbm:s3], $0xF7A  }
0x26: {  	[smem:$0x3F91] =	sst s1;
	(tag) =	ssettag s2;
	_ =	strace s9  }
0x27: {  	s1 =	sld [smem:$0x3FA1]  }
0x28: {  	s2 =	sld [smem:$0x3FA2]  }
0x29: {  	s4 =	sld [smem:$0x3FA4]  }
0x2a: {  	p0 =	seq.s32 s5, $0x0;
	s5 =	sld [smem:$0x3FA5]  }
0x2b: {  	s6 =	sld [smem:$0x3FA6]  }
0x2c: {  	s7 =	sld [smem:$0x3FA7]  }
0x2d: {  	s3 =	simm.s32 $0x108;
	s8 =	sld [smem:$0x3FA8]  }
0x2e: {  	s3 =	simm.s32 @!p0 $0x1082;
	s9 =	sld [smem:$0x3FA9]  }
0x2f: {  	lr =	sadd.s32 s0, s3;
	s0 =	sld [smem:$0x3FA0]  }
0x30: {  	s3 =	sld [smem:$0x3FA3]  }
0x31: {  	[smem:$0x3FAC] =	sst s10  }
0x32: {  	s10 =	sld [smem:$0x3FAA];
	_ =	sdelay $0x3  }
0x33: {  	p0 =	seq.s32 s10, $0x1;
	s10 =	sld [smem:$0x3FAC];
	_ =	sdelay $0x3  }
0x34: {  	[smem:$0x3FAC] =	sst s10  }
0x35: {  	s10 =	sld [smem:$0x3FAB];
	_ =	sdelay $0x3  }
0x36: {  	p1 =	seq.s32 s10, $0x1;
	s10 =	sld [smem:$0x3FAC];
	_ =	sdelay $0x3  }
0x37: {  	[smem:$0x3FAC] =	sst s10  }
0x38: {  	s10 =	sld [smem:$0x3FAD]  }
0x39: {  	_ = 	snop;
	(pc) =	sbr.ind lr, $3  }
0x3a: {  	_ = 	snop  }
0x3b: {  	_ = 	snop  }
0x3c: {  	p2 =	seq.s32 s10, $0x1;
	s10 =	sld [smem:$0x3FAC]  }
0x3d: {  	_ =	shalt  }
0x3e: {  	_ =	shalt  }
0x3f: {  	_ =	shalt  }
0x40: {  	_ =	shalt  }
0x41: {  	_ =	shalt  }
0x42: {  	_ =	shalt  }
0x43: {  	_ =	shalt  }
0x44: {  	_ =	shalt  }
0x45: {  	_ =	shalt  }
0x46: {  	_ =	shalt  }
0x47: {  	_ =	shalt  }
0x48: {  	_ =	shalt  }
0x49: {  	_ =	shalt  }
0x4a: {  	_ =	shalt  }
0x4b: {  	_ =	shalt  }
0x4c: {  	_ =	shalt  }
0x4d: {  	_ =	shalt  }
0x4e: {  	_ =	shalt  }
0x4f: {  	_ =	shalt  }
0x50: {  	_ =	shalt  }
0x51: {  	_ =	shalt  }
0x52: {  	_ =	shalt  }
0x53: {  	_ =	shalt  }
0x54: {  	_ =	shalt  }
0x55: {  	_ =	shalt  }
0x56: {  	_ =	shalt  }
0x57: {  	_ =	shalt  }
0x58: {  	_ =	shalt  }
0x59: {  	_ =	shalt  }
0x5a: {  	_ =	shalt  }
0x5b: {  	_ =	shalt  }
0x5c: {  	_ =	shalt  }
0x5d: {  	_ =	shalt  }
0x5e: {  	_ =	shalt  }
0x5f: {  	_ =	shalt  }
0x60: {  	_ =	shalt  }
0x61: {  	_ =	shalt  }
0x62: {  	_ =	shalt  }
0x63: {  	_ =	shalt  }
0x64: {  	_ =	shalt  }
0x65: {  	_ =	shalt  }
0x66: {  	_ =	shalt  }
0x67: {  	_ =	shalt  }
0x68: {  	_ =	shalt  }
0x69: {  	_ =	shalt  }
0x6a: {  	_ =	shalt  }
0x6b: {  	_ =	shalt  }
0x6c: {  	_ =	shalt  }
0x6d: {  	_ =	shalt  }
0x6e: {  	_ =	shalt  }
0x6f: {  	_ =	shalt  }
0x70: {  	_ =	shalt  }
0x71: {  	_ =	shalt  }
0x72: {  	_ =	shalt  }
0x73: {  	_ =	shalt  }
0x74: {  	_ =	shalt  }
0x75: {  	_ =	shalt  }
0x76: {  	_ =	shalt  }
0x77: {  	_ =	shalt  }
0x78: {  	_ =	shalt  }
0x79: {  	_ =	shalt  }
0x7a: {  	_ =	shalt  }
0x7b: {  	_ =	shalt  }
0x7c: {  	_ =	shalt  }
0x7d: {  	_ =	shalt  }
0x7e: {  	_ =	shalt  }
0x7f: {  	_ =	shalt  }
0x80: {  	_ =	shalt  }
0x81: {  	_ =	shalt  }
0x82: {  	_ =	shalt  }
0x83: {  	_ =	shalt  }
0x84: {  	_ =	shalt  }
0x85: {  	_ =	shalt  }
0x86: {  	_ =	shalt  }
0x87: {  	_ =	shalt  }
.Lfunc_end0:
.L_simem_size_0:
called_computation_lowered:
.L_overlay_start_0:
0x88: {  	s2 =	sld [smem:$0x3FD9]  }
0x89: {  	s3 =	sld [smem:$0x3FFE];
	_ =	sdelay $0x1  }
0x8a: {  	s1 =	srdreg.scid  }
0x8b: {  	s0 =	sand.u32 $0x1, s1  }
0x8c: {  	s17 =	sshll.u32 s0, $0xA;
	s2 =	sadd.s32 s3, s2  }
0x8d: {  	s2 =	sadd.s32 s2, s17  }
0x8e: {  	[smem:$0x3FB8] =	sst s2  }
0x8f: {  	_ = 	snop  }
0x90: {  	s2 =	sld [smem:$0x3FD0];
	(tm) =	ssettm $0x1  }
0x91: {  	s18 =	sld [smem:$0x3FFB];
	_ =	sdelay $0x3  }
0x92: {  	_ =	strace s18  }
0x93: {  	s3 =	sld [smem:$0x3FFC];
	_ =	sdelay $0x3  }
0x94: {  	_ =	strace s3  }
0x95: {  	s3 =	sld [smem:$0x3FFD];
	_ =	sdelay $0x3  }
0x96: {  	_ =	strace s3  }
0x97: {  	_ =	strace $0x8FFFFFFF  }
0x98: {  	s19 =	sld [smem:$0x3FDB];
	_ =	sdelay $0x1  }
0x99: {  	s4 =	simm.s32 $_scs_section_size  }
0x9a: {  	s5 =	simm.s32 $_size__tile_overlayer_lowered;
	s6 =	simm.s32 $_tile_overlayer_lowered  }
0x9b: {  	s22 =	simm.s32 $0x1BFF;
	s21 =	sshll.u32 s6, $0x1;
	s3 =	sadd.s32 s4, s19  }
0x9c: {  	s7 =	simm.s32 $0x0;
	s20 =	sshll.u32 s5, $0x1;
	s5 =	sadd.s32 s21, s3  }
0x9d: {  	[timem:s7], [sflag:s22] =	dma.local [hbm:s5], s20  }
0x9e: {  	_ =	swait.ge [sflag:s22], s20  }
0x9f: {  	s4 =	ssub.s32 $0x0, s20;
	[sflag:s22] =	ssyncset.done $0x0  }
0xa0: {  	[sflag:s22] =	ssyncadd.s32 s4;
	_ =	sdelay $0x1  }
0xa1: {  	s23 =	simm.s32 $0x1B8B  }
0xa2: {  	_ =	swait.ge [sflag:s23], $0x1  }
0xa3: {  	[sflag:s23] =	ssyncset.done $0x0  }
0xa4: {  	s25 =	simm.s32 $0x1B8E;
	s24 =	sld [smem:$0x3FFE];
	[sflag:s23] =	ssyncadd.s32 $0xFFFFFFFF  }
0xa5: {  	s26 =	simm.s32 $execute0_lowered;
	[smem:$0x3FD2] =	sst s25  }
0xa6: {  	s5 =	sshll.u32 s26, $0x1;
	_ =	strace $0x80000046;
	[dreg:$0x1] =	wrdreg $0xFFFFFFFF  }
0xa7: {  	s28 =	simm.s32 $_size_execute0_lowered;
	s3 =	sadd.s32 s3, s5;
	[dreg:$0x0] =	wrdreg $0x0  }
0xa8: {  	s5 =	sshll.u32 s28, $0x1;
	[dreg:$0x2] =	wrdreg s3  }
0xa9: {  	[dreg:$0x3] =	wrdreg s5  }
0xaa: {  	[dreg:$0x4] =	wrdreg $0xC0  }
0xab: {  	_ =	task [dreg:s7], $0x5FFFF  }
0xac: {  	[dreg:$0x1] =	wrdreg $0xFFFFFFFF  }
0xad: {  	[dreg:$0x0] =	wrdreg $0x60  }
0xae: {  	[dreg:$0x2] =	wrdreg s2  }
0xaf: {  	[dreg:$0x3] =	wrdreg s24  }
0xb0: {  	[dreg:$0x4] =	wrdreg $0x0  }
0xb1: {  	[dreg:$0x5] =	wrdreg $0x9  }
0xb2: {  	_ =	task.clear_ibuf [dreg:s7], $0x6FFFF;
	_ =	strace $0x90000046  }
0xb3: {  	s29 =	simm.s32 $0x9;
	_ =	strace $0x80000048  }
0xb4: {  	_ =	swait.ge [sflag:s29], $0x1  }
0xb5: {  	[sflag:s29] =	ssyncadd.s32 $0xFFFFFFFF  }
0xb6: {  	_ =	strace $0x90000048  }
0xb7: {  	_ =	sfence  }
0xb8: {  	s30 =	sld [smem:$0x0];
	_ =	sdelay $0x2  }
0xb9: {  	s31 =	sshll.u32 s1, $0xD;
	s1 =	sshrl.u32 s1, $0x2  }
0xba: {  	s3 =	sand.u32 $0x4000, s31;
	s1 =	sadd.s32 s1, s30  }
0xbb: {  	s0 =	sor.u32 s3, s0;
	s1 =	sshll.u32 s1, $0x11  }
0xbc: {  	s0 =	sor.u32 s1, s0  }
0xbd: {  	s0 =	sadd.s32 $0x8F2B, s0  }
0xbe: {  	[sflag:s0] =	ssyncadd.remote.s32 $0x1  }
0xbf: {  	_ =	sfence.sel $0xFFFF  }
0xc0: {  	[dreg:$0x0] =	wrdreg $0xFFFFFFFF;
	(pc) =	sbr.abs _section_cstart, $3  }
0xc1: {  	[dreg:$0x1] =	wrdreg $0xFFFFFFFF  }
0xc2: {  	_ =	task.clear_ibuf [dreg:s7], $0x2FFFF;
	_ =	strace $0x9FFFFFFF  }
0xc3: {  	(tm) =	ssettm $0x7FFFFFFF  }
tec
execute0_lowered:
.L_overlay_start_1:
0x0: {  	(tag) =	ssettag $0x1  }
0x1: {  	s6 =	rddreg [dreg:$0x0]  }
0x2: {  	s7 =	rddreg [dreg:$0x1]  }
0x3: {  	s1 =	rddreg [dreg:$0x2]  }
0x4: {  	s0 =	rddreg [dreg:$0x3];
	s3 =	simm.s32 $0x0;
	s5 =	srdreg.scid  }
0x5: {  	s2 =	stileid.u32;
	s12 =	simm.s32 $0x280;
	s13 =	simm.s32 $0x40  }
0x6: {  	s17 =	simm.s32 $0x10;
	s18 =	simm.s32 $0x0;
	[smem:$0x7FF] =	sst s3  }
0x7: {  	s4 =	sadd.s32 $0x4000, s7;
	s8 =	sand.u32 $0x1, s5;
	s10 =	smul.u32 $0xA00, s2  }
0x8: {  	s9 =	sshll.u32 s2, $0x1;
	s5 =	sadd.s32 $0x4200, s7;
	s16 =	smul.u32 $0xA0, s2  }
0x9: {  	s31 =	sshll.u32 s2, $0x6;
	_ =	strace $0x80000047;
	s9 =	sor.u32 s8, s9  }
0xa: {  	s11 =	sshll.u32 s8, $0x4;
	s8 =	ssub.s32 $0x2, s8;
	s9 =	smul.u32 $0xA00, s9  }
0xb: {  	s7 =	sadd.s32 s11, s7;
	s29 =	sshrl.u32 s8, $0x1;
	s10 =	sshrl.u32 s10, $0x2  }
0xc: {  	s8 =	ssub.s32 s8, s29;
	s30 =	sadd.s32 s10, s1;
	s15 =	sadd.s32 $0x4400, s7  }
0xd: {  	s10 =	sor.u32 $0x1C01, s31;
	s6 =	sadd.s32 s6, s9;
	s7 =	smax.u32 s8, $0x1  }
0xe: {  	s8 =	simm.s32 $0x2A80;
	s9 =	simm.s32 $0x1;
	s11 =	sshrl.u32 s30, $0x3  }
0xf: {  	s15 =	sadd.s32 s16, s15;
	s16 =	simm.s32 $0x20;
	s14 =	sadd.s32 $0x500, s6  }
.LBB2_1:
0x10: {  	[tilespmem:s8], [sflag:$0x1] =	stream.linear.gather [hbm4b:s5+s3], $0x80, $0x38;
	[tilespmem:$0x2B00] =	vst v63  }
0x11: {  	_ =	swait.ge [sflag:s9], $0x80  }
0x12: {  	[sflag:s9] =	ssyncset.done $0x0  }
0x13: {  	[sflag:s9] =	ssyncadd.s32 $0xFFFFFF80  }
0x14: {  	[spmem:s11], [sflag:s10] =	dma.local [hbm:s4], $0x50  }
0x15: {  	_ =	swait.ge [sflag:s9], $0x50  }
0x16: {  	[sflag:s9] =	ssyncset.done $0x0  }
0x17: {  	[sflag:s9] =	ssyncadd.s32 $0xFFFFFFB0  }
0x18: {  	[bflag:$0x0] =	sbarrier.arrive $0xFFFF  }
0x19: {  	[tilespmem:s12], [sflag:$0x1] =	stream.linear.gather [hbm4b:s6+s3], $0x2800, $0x38;
	[tilespmem:$0x2B00] =	vst v63  }
0x1a: {  	_ =	swait.ge [sflag:s9], $0x2800  }
0x1b: {  	[sflag:s9] =	ssyncset.done $0x0  }
0x1c: {  	s19 =	simm.s32 $0x280;
	[sflag:s9] =	ssyncadd.s32 $0xFFFFD800  }
0x1d: {  	[spmem:s1] =	stream.indirect.scatter.add.f32 [tilespmem:s8], [sflag:$0x1], $0x1, s19, s13, $0xb8;
	[tilespmem:$0x2B00] =	vst v63  }
0x1e: {  	s19 =	simm.s32 $0x200;
	_ =	swait.ge [sflag:s9], $0x40  }
.LBB2_2:
0x1f: {  	s20 =	sshra.s32 s19, $0x2;
	[sflag:s9] =	ssyncset.done $0x0;
	p0 =	sne.s32 s19, $0x9E00  }
.Ltmp0:
0x20: {  	s20 =	sadd.s32 $0x280, s20;
	[sflag:s9] =	ssyncadd.s32 $0xFFFFFFC0;
	(pc) =	sbr.rel @p0 .LBB2_2-.Ltmp0, $3  }
0x21: {  	[spmem:s1] =	stream.indirect.scatter.add.f32 [tilespmem:s8], [sflag:$0x1], $0x1, s20, s13, $0xb8;
	[tilespmem:$0x2B00] =	vst v63  }
0x22: {  	s19 =	sadd.s32 $0x200, s19;
	_ =	sdelay $0x1  }
0x23: {  	_ =	swait.ge [sflag:s9], $0x40  }
0x24: {  	[sflag:s9] =	ssyncset.done $0x0  }
0x25: {  	s19 =	simm.s32 $0x0;
	[sflag:s9] =	ssyncadd.s32 $0xFFFFFFC0  }
0x26: {  	[tilespmem:s12], [sflag:$0x1] =	stream.linear.gather [hbm4b:s14+s19], $0x2800, $0x38;
	[tilespmem:$0x2B00] =	vst v63  }
0x27: {  	_ =	swait.ge [sflag:s9], $0x2800  }
0x28: {  	[sflag:s9] =	ssyncset.done $0x0  }
0x29: {  	s31 =	simm.s32 $0x280;
	[sflag:s9] =	ssyncadd.s32 $0xFFFFD800  }
0x2a: {  	[spmem:s1] =	stream.indirect.scatter.add.f32 [tilespmem:s8], [sflag:$0x1], $0x1, s31, s13, $0xb8;
	[tilespmem:$0x2B00] =	vst v63  }
0x2b: {  	s19 =	simm.s32 $0x200;
	_ =	swait.ge [sflag:s9], $0x40  }
.LBB2_4:
0x2c: {  	s20 =	sshra.s32 s19, $0x2;
	[sflag:s9] =	ssyncset.done $0x0;
	p0 =	sne.s32 s19, $0x9E00  }
.Ltmp1:
0x2d: {  	s20 =	sadd.s32 $0x280, s20;
	[sflag:s9] =	ssyncadd.s32 $0xFFFFFFC0;
	(pc) =	sbr.rel @p0 .LBB2_4-.Ltmp1, $3  }
0x2e: {  	[spmem:s1] =	stream.indirect.scatter.add.f32 [tilespmem:s8], [sflag:$0x1], $0x1, s20, s13, $0xb8;
	[tilespmem:$0x2B00] =	vst v63  }
0x2f: {  	s19 =	sadd.s32 $0x200, s19;
	_ =	sdelay $0x1  }
0x30: {  	_ =	swait.ge [sflag:s9], $0x40  }
0x31: {  	[sflag:s9] =	ssyncset.done $0x0;
	s18 =	sadd.s32 $0x1, s18  }
0x32: {  	[sflag:s9] =	ssyncadd.s32 $0xFFFFFFC0;
	p0 =	sne.s32 s18, s7  }
.Ltmp2:
0x33: {  	[bflag:$0x0] =	sbarrier.arrive $0xFFFF;
	(pc) =	sbr.rel @p0 .LBB2_1-.Ltmp2, $4  }
0x34: {  	[hbm:s15@s16], [sflag:s10] =	dma.strided [spmem:s11@s17], $0x50, s9, $0x10   }
0x35: {  	_ =	swait.ge [sflag:s9], $0x50  }
0x36: {  	[sflag:s9] =	ssyncset.done $0x0  }
0x37: {  	[sflag:s9] =	ssyncadd.s32 $0xFFFFFFB0  }
0x38: {  	_ =	sfence.sel $0x180000  }
0x39: {  	[bflag:$0x0] =	sbarrier.arrive $0xFFFF  }
0x3a: {  	p0 =	sne.s32 s2, $0x0;
	_ =	strace $0x90000047  }
0x3b: {  	s0 =	sadd.s32 @!p0 $0x100000, s0;
	[bflag:$0x2] =	sbarrier.arrive $0xFFFF  }
0x3c: {  	[sflag:s0] =	ssyncadd.tile.s32 @!p0 $0x1;
	_ =	shalt  }
.Lfunc_end2:
_tile_overlayer_lowered:
.L_overlay_start_2:
0x3d: {  	(tag) =	ssettag $0x2  }
0x3e: {  	s0 =	rddreg [dreg:$0x0];
	s2 =	stileid.u32  }
0x3f: {  	s1 =	rddreg [dreg:$0x1];
	p0 =	sne.s32 s2, $0x0  }
0x40: {  	s3 =	rddreg [dreg:$0x2];
	[bflag:$0x3] =	sbarrier.arrive $0xFFFF;
	s2 =	simm.s32 @!p0 $0x1C01  }
0x41: {  	[timem:s3], [sflag:s2] =	dma.local @!p0 [hbm:s0], s1  }
0x42: {  	s0 =	simm.s32 @!p0 $0x1  }
0x43: {  	_ =	swait.ge @!p0 [sflag:s0], s1  }
0x44: {  	s1 =	ssub.s32 @!p0 $0x0, s1;
	[sflag:s0] =	ssyncset.done @!p0 $0x0  }
0x45: {  	[sflag:s0] =	ssyncadd.s32 @!p0 s1  }
0x46: {  	[bflag:$0x3] =	sbarrier.arrive $0xFFFF  }
0x47: {  	_ =	shalt  }

// kernel: kernel.13.cloned.1.call-start
scs
__scs_entry_jumppad:
0x0: {  	(pc) =	sbr.rel $0x88, $3  }
0x1: {  	(tag) =	ssettag $0x0;
	lr =	simm.s32 $0x1  }
0x2: {  	[smem:$0x3F91] =	sst lr;
	_ =	strace $0xD0000000  }
0x3: {  	_ = 	snop  }
0x4: {  	_ = 	snop  }
0x5: {  	_ = 	snop  }
0x6: {  	_ = 	snop  }
0x7: {  	_ = 	snop  }
__scs_overlays_trampoline_lowered:
0x8: {  	[smem:$0x3FA0] =	sst s0  }
0x9: {  	[smem:$0x3FA1] =	sst s1  }
0xa: {  	[smem:$0x3FA2] =	sst s2  }
0xb: {  	[smem:$0x3FA3] =	sst s3  }
0xc: {  	[smem:$0x3FA4] =	sst s4  }
0xd: {  	[smem:$0x3FA5] =	sst s5  }
0xe: {  	[smem:$0x3FA6] =	sst s6  }
0xf: {  	[smem:$0x3FA7] =	sst s7  }
0x10: {  	[smem:$0x3FA8] =	sst s8  }
0x11: {  	[smem:$0x3FA9] =	sst s9;
	s0 =	simm.s32 @!p0 $0x0  }
0x12: {  	s1 =	sld [smem:$0x3F8F];
	s0 =	simm.s32 @p0 $0x1  }
0x13: {  	[smem:$0x3FAA] =	sst s0;
	s0 =	simm.s32 @!p1 $0x0  }
0x14: {  	s2 =	sld [smem:$0x3F8E];
	s0 =	simm.s32 @p1 $0x1  }
0x15: {  	[smem:$0x3FAB] =	sst s0;
	s0 =	simm.s32 @!p2 $0x0  }
0x16: {  	s3 =	sld [smem:$0x3FDB];
	s0 =	simm.s32 @p2 $0x1  }
0x17: {  	s4 =	simm.s32 $0x1BF5;
	[smem:$0x3FAD] =	sst s0  }
0x18: {  	s0 =	sld [smem:$0x3F90];
	_ =	swait.ge [sflag:s4], $0x0  }
0x19: {  	s7 =	sld [smem:$0x3F91]  }
0x1a: {  	s8 =	sadd.s32 $0xFFFFE003, lr  }
0x1b: {  	s9 =	sadd.s32 $0xFFFFFEF7, lr;
	s5 =	simm.s32 $0xFFFFFFFF;
	p2 =	slt.u32 s8, $0xFFFFF086  }
0x1c: {  	p1 =	slt.u32 s9, $0xF7A;
	s5 =	simm.s32 @!p2 $0x0  }
0x1d: {  	s5 =	simm.s32 @p1 $0x1;
	p0 =	seq.s32 s7, s2  }
0x1e: {  	s7 =	smul.u32 @!p0 $0xF7A, s2;
	p2 =	seq.s32 @!p0 s5, $0x0  }
0x1f: {  	s9 =	smul.u32 $0xF7A, s1;
	s8 =	simm.s32 @!p0 $0x1BF5;
	p2 =	por !p2, p0  }
0x20: {  	[sflag:s8] =	ssyncset.s32 @!p0 $0xFFFFF086;
	s6 =	sadd.s32 @!p0 s3, s7;
	s7 =	simm.s32 @!p0 $0x108  }
0x21: {  	s3 =	sadd.s32 s3, s9;
	s6 =	sadd.s32 @!p0 $0x88, s6;
	s7 =	simm.s32 @p2 $0x1082  }
0x22: {  	[simem:s7], [sflag:s8] =	dma.local @!p0 [hbm:s6], $0xF7A  }
0x23: {  	s9 =	sor.u32 $0xD0000000, s2;
	s6 =	simm.s32 $0x108;
	_ =	swait.ge @!p0 [sflag:s8], $0x0  }
0x24: {  	s3 =	sadd.s32 $0x88, s3;
	s6 =	simm.s32 @!p1 $0x1082;
	[sflag:s4] =	ssyncset.s32 $0xFFFFF086  }
0x25: {  	[simem:s6], [sflag:s4] =	dma.local [hbm:s3], $0xF7A  }
0x26: {  	[smem:$0x3F91] =	sst s1;
	(tag) =	ssettag s2;
	_ =	strace s9  }
0x27: {  	s1 =	sld [smem:$0x3FA1]  }
0x28: {  	s2 =	sld [smem:$0x3FA2]  }
0x29: {  	s4 =	sld [smem:$0x3FA4]  }
0x2a: {  	p0 =	seq.s32 s5, $0x0;
	s5 =	sld [smem:$0x3FA5]  }
0x2b: {  	s6 =	sld [smem:$0x3FA6]  }
0x2c: {  	s7 =	sld [smem:$0x3FA7]  }
0x2d: {  	s3 =	simm.s32 $0x108;
	s8 =	sld [smem:$0x3FA8]  }
0x2e: {  	s3 =	simm.s32 @!p0 $0x1082;
	s9 =	sld [smem:$0x3FA9]  }
0x2f: {  	lr =	sadd.s32 s0, s3;
	s0 =	sld [smem:$0x3FA0]  }
0x30: {  	s3 =	sld [smem:$0x3FA3]  }
0x31: {  	[smem:$0x3FAC] =	sst s10  }
0x32: {  	s10 =	sld [smem:$0x3FAA];
	_ =	sdelay $0x3  }
0x33: {  	p0 =	seq.s32 s10, $0x1;
	s10 =	sld [smem:$0x3FAC];
	_ =	sdelay $0x3  }
0x34: {  	[smem:$0x3FAC] =	sst s10  }
0x35: {  	s10 =	sld [smem:$0x3FAB];
	_ =	sdelay $0x3  }
0x36: {  	p1 =	seq.s32 s10, $0x1;
	s10 =	sld [smem:$0x3FAC];
	_ =	sdelay $0x3  }
0x37: {  	[smem:$0x3FAC] =	sst s10  }
0x38: {  	s10 =	sld [smem:$0x3FAD]  }
0x39: {  	_ = 	snop;
	(pc) =	sbr.ind lr, $3  }
0x3a: {  	_ = 	snop  }
0x3b: {  	_ = 	snop  }
0x3c: {  	p2 =	seq.s32 s10, $0x1;
	s10 =	sld [smem:$0x3FAC]  }
0x3d: {  	_ =	shalt  }
0x3e: {  	_ =	shalt  }
0x3f: {  	_ =	shalt  }
0x40: {  	_ =	shalt  }
0x41: {  	_ =	shalt  }
0x42: {  	_ =	shalt  }
0x43: {  	_ =	shalt  }
0x44: {  	_ =	shalt  }
0x45: {  	_ =	shalt  }
0x46: {  	_ =	shalt  }
0x47: {  	_ =	shalt  }
0x48: {  	_ =	shalt  }
0x49: {  	_ =	shalt  }
0x4a: {  	_ =	shalt  }
0x4b: {  	_ =	shalt  }
0x4c: {  	_ =	shalt  }
0x4d: {  	_ =	shalt  }
0x4e: {  	_ =	shalt  }
0x4f: {  	_ =	shalt  }
0x50: {  	_ =	shalt  }
0x51: {  	_ =	shalt  }
0x52: {  	_ =	shalt  }
0x53: {  	_ =	shalt  }
0x54: {  	_ =	shalt  }
0x55: {  	_ =	shalt  }
0x56: {  	_ =	shalt  }
0x57: {  	_ =	shalt  }
0x58: {  	_ =	shalt  }
0x59: {  	_ =	shalt  }
0x5a: {  	_ =	shalt  }
0x5b: {  	_ =	shalt  }
0x5c: {  	_ =	shalt  }
0x5d: {  	_ =	shalt  }
0x5e: {  	_ =	shalt  }
0x5f: {  	_ =	shalt  }
0x60: {  	_ =	shalt  }
0x61: {  	_ =	shalt  }
0x62: {  	_ =	shalt  }
0x63: {  	_ =	shalt  }
0x64: {  	_ =	shalt  }
0x65: {  	_ =	shalt  }
0x66: {  	_ =	shalt  }
0x67: {  	_ =	shalt  }
0x68: {  	_ =	shalt  }
0x69: {  	_ =	shalt  }
0x6a: {  	_ =	shalt  }
0x6b: {  	_ =	shalt  }
0x6c: {  	_ =	shalt  }
0x6d: {  	_ =	shalt  }
0x6e: {  	_ =	shalt  }
0x6f: {  	_ =	shalt  }
0x70: {  	_ =	shalt  }
0x71: {  	_ =	shalt  }
0x72: {  	_ =	shalt  }
0x73: {  	_ =	shalt  }
0x74: {  	_ =	shalt  }
0x75: {  	_ =	shalt  }
0x76: {  	_ =	shalt  }
0x77: {  	_ =	shalt  }
0x78: {  	_ =	shalt  }
0x79: {  	_ =	shalt  }
0x7a: {  	_ =	shalt  }
0x7b: {  	_ =	shalt  }
0x7c: {  	_ =	shalt  }
0x7d: {  	_ =	shalt  }
0x7e: {  	_ =	shalt  }
0x7f: {  	_ =	shalt  }
0x80: {  	_ =	shalt  }
0x81: {  	_ =	shalt  }
0x82: {  	_ =	shalt  }
0x83: {  	_ =	shalt  }
0x84: {  	_ =	shalt  }
0x85: {  	_ =	shalt  }
0x86: {  	_ =	shalt  }
0x87: {  	_ =	shalt  }
.Lfunc_end0:
.L_simem_size_0:
called_computation.1_lowered:
.L_overlay_start_0:
0x88: {  	s2 =	sld [smem:$0x3FD9]  }
0x89: {  	s3 =	sld [smem:$0x3FFE];
	_ =	sdelay $0x1  }
0x8a: {  	s1 =	srdreg.scid  }
0x8b: {  	s0 =	sand.u32 $0x1, s1  }
0x8c: {  	s17 =	sshll.u32 s0, $0xA;
	s2 =	sadd.s32 s3, s2  }
0x8d: {  	s2 =	sadd.s32 s2, s17  }
0x8e: {  	[smem:$0x3FB8] =	sst s2  }
0x8f: {  	_ = 	snop  }
0x90: {  	s2 =	sld [smem:$0x3FD0];
	(tm) =	ssettm $0x1  }
0x91: {  	s18 =	sld [smem:$0x3FFB];
	_ =	sdelay $0x3  }
0x92: {  	_ =	strace s18  }
0x93: {  	s3 =	sld [smem:$0x3FFC];
	_ =	sdelay $0x3  }
0x94: {  	_ =	strace s3  }
0x95: {  	s3 =	sld [smem:$0x3FFD];
	_ =	sdelay $0x3  }
0x96: {  	_ =	strace s3  }
0x97: {  	_ =	strace $0x8FFFFFFF  }
0x98: {  	s19 =	sld [smem:$0x3FDB];
	_ =	sdelay $0x1  }
0x99: {  	s4 =	simm.s32 $_scs_section_size  }
0x9a: {  	s5 =	simm.s32 $_size__tile_overlayer_lowered;
	s6 =	simm.s32 $_tile_overlayer_lowered  }
0x9b: {  	s22 =	simm.s32 $0x1BFF;
	s21 =	sshll.u32 s6, $0x1;
	s3 =	sadd.s32 s4, s19  }
0x9c: {  	s7 =	simm.s32 $0x0;
	s20 =	sshll.u32 s5, $0x1;
	s5 =	sadd.s32 s21, s3  }
0x9d: {  	[timem:s7], [sflag:s22] =	dma.local [hbm:s5], s20  }
0x9e: {  	_ =	swait.ge [sflag:s22], s20  }
0x9f: {  	s4 =	ssub.s32 $0x0, s20;
	[sflag:s22] =	ssyncset.done $0x0  }
0xa0: {  	[sflag:s22] =	ssyncadd.s32 s4;
	_ =	sdelay $0x1  }
0xa1: {  	s23 =	simm.s32 $0x1B8B  }
0xa2: {  	_ =	swait.ge [sflag:s23], $0x1  }
0xa3: {  	[sflag:s23] =	ssyncset.done $0x0  }
0xa4: {  	s25 =	simm.s32 $0x1B8E;
	s24 =	sld [smem:$0x3FFE];
	[sflag:s23] =	ssyncadd.s32 $0xFFFFFFFF  }
0xa5: {  	s26 =	simm.s32 $execute0_lowered;
	[smem:$0x3FD2] =	sst s25  }
0xa6: {  	s5 =	sshll.u32 s26, $0x1;
	_ =	strace $0x80000049;
	[dreg:$0x1] =	wrdreg $0xFFFFFFFF  }
0xa7: {  	s28 =	simm.s32 $_size_execute0_lowered;
	s3 =	sadd.s32 s3, s5;
	[dreg:$0x0] =	wrdreg $0x0  }
0xa8: {  	s5 =	sshll.u32 s28, $0x1;
	[dreg:$0x2] =	wrdreg s3  }
0xa9: {  	[dreg:$0x3] =	wrdreg s5  }
0xaa: {  	[dreg:$0x4] =	wrdreg $0xC0  }
0xab: {  	_ =	task [dreg:s7], $0x5FFFF  }
0xac: {  	[dreg:$0x1] =	wrdreg $0xFFFFFFFF  }
0xad: {  	[dreg:$0x0] =	wrdreg $0x60  }
0xae: {  	[dreg:$0x2] =	wrdreg s2  }
0xaf: {  	[dreg:$0x3] =	wrdreg s24  }
0xb0: {  	[dreg:$0x4] =	wrdreg $0x0  }
0xb1: {  	[dreg:$0x5] =	wrdreg $0x9  }
0xb2: {  	_ =	task.clear_ibuf [dreg:s7], $0x6FFFF;
	_ =	strace $0x90000049  }
0xb3: {  	s29 =	simm.s32 $0x9;
	_ =	strace $0x8000004B  }
0xb4: {  	_ =	swait.ge [sflag:s29], $0x1  }
0xb5: {  	[sflag:s29] =	ssyncadd.s32 $0xFFFFFFFF  }
0xb6: {  	_ =	strace $0x9000004B  }
0xb7: {  	_ =	sfence  }
0xb8: {  	s30 =	sld [smem:$0x0];
	_ =	sdelay $0x2  }
0xb9: {  	s31 =	sshll.u32 s1, $0xD;
	s1 =	sshrl.u32 s1, $0x2  }
0xba: {  	s3 =	sand.u32 $0x4000, s31;
	s1 =	sadd.s32 s1, s30  }
0xbb: {  	s0 =	sor.u32 s3, s0;
	s1 =	sshll.u32 s1, $0x11  }
0xbc: {  	s0 =	sor.u32 s1, s0  }
0xbd: {  	s0 =	sadd.s32 $0x8F2B, s0  }
0xbe: {  	[sflag:s0] =	ssyncadd.remote.s32 $0x1  }
0xbf: {  	_ =	sfence.sel $0xFFFF  }
0xc0: {  	[dreg:$0x0] =	wrdreg $0xFFFFFFFF;
	(pc) =	sbr.abs _section_cstart, $3  }
0xc1: {  	[dreg:$0x1] =	wrdreg $0xFFFFFFFF  }
0xc2: {  	_ =	task.clear_ibuf [dreg:s7], $0x2FFFF;
	_ =	strace $0x9FFFFFFF  }
0xc3: {  	(tm) =	ssettm $0x7FFFFFFF  }
tec
execute0_lowered:
.L_overlay_start_1:
0x0: {  	(tag) =	ssettag $0x1  }
0x1: {  	s1 =	rddreg [dreg:$0x0]  }
0x2: {  	s6 =	rddreg [dreg:$0x1]  }
0x3: {  	s2 =	rddreg [dreg:$0x2]  }
0x4: {  	s0 =	rddreg [dreg:$0x3]  }
0x5: {  	s3 =	simm.s32 $0x0;
	s4 =	srdreg.scid;
	s12 =	simm.s32 $0x50  }
0x6: {  	s13 =	simm.s32 $0x17C00;
	s14 =	simm.s32 $0x17E00;
	s15 =	simm.s32 $0x17C80  }
0x7: {  	s16 =	simm.s32 $0x1A600;
	s17 =	simm.s32 $0x1;
	s18 =	simm.s32 $0x17D00  }
0x8: {  	s19 =	simm.s32 $0x2;
	s20 =	simm.s32 $0x17D80;
	[smem:$0x7FF] =	sst s3  }
0x9: {  	s7 =	sand.u32 $0x1, s4;
	s5 =	sadd.s32 $0x14E00, s6;
	_ =	strace $0x8000004A  }
0xa: {  	s4 =	sshll.u32 s7, $0xB;
	s9 =	smul.u32 $0x27800, s7;
	s7 =	ssub.s32 $0x2, s7  }
0xb: {  	s8 =	sadd.s32 s4, s6;
	s4 =	stileid.u32;
	s26 =	sshrl.u32 s7, $0x1  }
0xc: {  	s10 =	smul.u32 $0x4F000, s4;
	s9 =	sadd.s32 s9, s6;
	s11 =	sshll.u32 s4, $0xC  }
0xd: {  	s7 =	ssub.s32 s7, s26;
	s22 =	smul.u32 $0x2780, s4;
	s31 =	sshll.u32 s4, $0x6  }
0xe: {  	s28 =	sadd.s32 s11, s8;
	s21 =	sadd.s32 $0x17600, s9;
	s7 =	smax.u32 s7, $0x1  }
0xf: {  	s8 =	simm.s32 $0x13C00;
	s9 =	simm.s32 $0x3;
	s29 =	sshrl.u32 s10, $0x2  }
0x10: {  	s6 =	sadd.s32 $0x4E00, s28;
	s10 =	sor.u32 $0x1C03, s31;
	s30 =	sadd.s32 s29, s2  }
0x11: {  	s21 =	sadd.s32 s22, s21;
	s22 =	simm.s32 $0x0;
	s11 =	sshrl.u32 s30, $0x3  }
.LBB2_1:
0x12: {  	[tilespmem:s8], [sflag:$0x3] =	stream.linear.gather [hbm4b:s6+s3], $0x3E80, $0x38;
	[tilespmem:$0x1CE00] =	vst v63  }
0x13: {  	_ =	swait.ge [sflag:s9], $0x3E80  }
0x14: {  	[sflag:s9] =	ssyncset.done $0x0  }
0x15: {  	[sflag:s9] =	ssyncadd.s32 $0xFFFFC180  }
0x16: {  	[spmem:s11], [sflag:s10] =	dma.local [hbm:s5], $0x2780  }
0x17: {  	_ =	swait.ge [sflag:s9], $0x2780  }
0x18: {  	[sflag:s9] =	ssyncset.done $0x0  }
0x19: {  	[sflag:s9] =	ssyncadd.s32 $0xFFFFD880  }
0x1a: {  	[bflag:$0x0] =	sbarrier.arrive $0xFFFF  }
0x1b: {  	v0 =	vld [tilespmem:$0x13C00];
	_ =	sdelay $0x1  }
0x1c: {  	v1 =	vld [tilespmem:$0x13C10];
	_ =	sdelay $0x1  }
0x1d: {  	v2 =	vld [tilespmem:$0x13C20]  }
0x1e: {  	v3 =	vshrl.u32 v0, $0xE  }
0x1f: {  	v0 =	vand.u32 $0x3FFF, v0;
	[tilespmem:$0x17C00] =	vst v3;
	v3 =	vld [tilespmem:$0x13C30]  }
0x20: {  	[tilespmem:$0x17D00] =	vst v0;
	v0 =	vshrl.u32 v1, $0xE  }
0x21: {  	[tilespmem:$0x17C10] =	vst v0;
	v0 =	vand.u32 $0x3FFF, v1;
	v1 =	vld [tilespmem:$0x13C40]  }
0x22: {  	[tilespmem:$0x17D10] =	vst v0;
	v0 =	vshrl.u32 v2, $0xE  }
0x23: {  	[tilespmem:$0x17C20] =	vst v0;
	v0 =	vand.u32 $0x3FFF, v2  }
0x24: {  	[tilespmem:$0x17D20] =	vst v0;
	v0 =	vshrl.u32 v3, $0xE  }
0x25: {  	[tilespmem:$0x17C30] =	vst v0;
	v0 =	vand.u32 $0x3FFF, v3  }
0x26: {  	[tilespmem:$0x17D30] =	vst v0;
	v0 =	vshrl.u32 v1, $0xE  }
0x27: {  	[tilespmem:$0x17C40] =	vst v0;
	v0 =	vand.u32 $0x3FFF, v1  }
0x28: {  	s24 =	simm.s32 $0x0;
	[tilespmem:$0x17D40] =	vst v0  }
0x29: {  	[tilespmem:s14], [sflag:$0x1] =	stream.indirect.gather [hbm4b:s1+s12], $0x80, s13, s12, $0xb8;
	[tilespmem:$0x1CE00] =	vst v63  }
0x2a: {  	v0 =	vld [tilespmem:s24+$0x13C80];
	_ =	sdelay $0x4  }
0x2b: {  	v1 =	vshrl.u32 v0, $0xE  }
0x2c: {  	v0 =	vand.u32 $0x3FFF, v0;
	[tilespmem:$0x17C80] =	vst v1  }
0x2d: {  	[tilespmem:$0x17D80] =	vst v0  }
0x2e: {  	v0 =	vld [tilespmem:s24+$0x13C90];
	_ =	sdelay $0x4  }
0x2f: {  	v1 =	vshrl.u32 v0, $0xE  }
0x30: {  	v0 =	vand.u32 $0x3FFF, v0;
	[tilespmem:$0x17C90] =	vst v1  }
0x31: {  	[tilespmem:$0x17D90] =	vst v0  }
0x32: {  	v0 =	vld [tilespmem:s24+$0x13CA0];
	_ =	sdelay $0x4  }
0x33: {  	v1 =	vshrl.u32 v0, $0xE  }
0x34: {  	v0 =	vand.u32 $0x3FFF, v0;
	[tilespmem:$0x17CA0] =	vst v1  }
0x35: {  	[tilespmem:$0x17DA0] =	vst v0  }
0x36: {  	v0 =	vld [tilespmem:s24+$0x13CB0];
	_ =	sdelay $0x4  }
0x37: {  	v1 =	vshrl.u32 v0, $0xE  }
0x38: {  	v0 =	vand.u32 $0x3FFF, v0;
	[tilespmem:$0x17CB0] =	vst v1  }
0x39: {  	[tilespmem:$0x17DB0] =	vst v0  }
0x3a: {  	v0 =	vld [tilespmem:s24+$0x13CC0];
	_ =	sdelay $0x4  }
0x3b: {  	v1 =	vshrl.u32 v0, $0xE  }
0x3c: {  	v0 =	vand.u32 $0x3FFF, v0;
	[tilespmem:$0x17CC0] =	vst v1  }
0x3d: {  	[tilespmem:$0x17DC0] =	vst v0  }
0x3e: {  	[tilespmem:s16], [sflag:$0x2] =	stream.indirect.gather [hbm4b:s1+s12], $0x80, s15, s12, $0xb8;
	[tilespmem:$0x1CE00] =	vst v63  }
0x3f: {  	_ =	swait.ge [sflag:s17], $0x2800  }
0x40: {  	[sflag:s17] =	ssyncset.done $0x0  }
0x41: {  	[sflag:s17] =	ssyncadd.s32 $0xFFFFD800  }
0x42: {  	[spmem:s2] =	stream.indirect.scatter.add.f32 [tilespmem:s14], [sflag:$0x3], $0x80, s18, s12, $0xb8;
	[tilespmem:$0x1CE00] =	vst v63  }
0x43: {  	_ =	swait.ge [sflag:s9], $0x2800  }
0x44: {  	[sflag:s9] =	ssyncset.done $0x0  }
0x45: {  	[sflag:s9] =	ssyncadd.s32 $0xFFFFD800  }
0x46: {  	v0 =	vld [tilespmem:s24+$0x13D00];
	_ =	sdelay $0x4  }
0x47: {  	v1 =	vshrl.u32 v0, $0xE  }
0x48: {  	v0 =	vand.u32 $0x3FFF, v0;
	[tilespmem:$0x17C00] =	vst v1  }
0x49: {  	[tilespmem:$0x17D00] =	vst v0  }
0x4a: {  	v0 =	vld [tilespmem:s24+$0x13D10];
	_ =	sdelay $0x4  }
0x4b: {  	v1 =	vshrl.u32 v0, $0xE  }
0x4c: {  	v0 =	vand.u32 $0x3FFF, v0;
	[tilespmem:$0x17C10] =	vst v1  }
0x4d: {  	[tilespmem:$0x17D10] =	vst v0  }
0x4e: {  	v0 =	vld [tilespmem:s24+$0x13D20];
	_ =	sdelay $0x4  }
0x4f: {  	v1 =	vshrl.u32 v0, $0xE  }
0x50: {  	v0 =	vand.u32 $0x3FFF, v0;
	[tilespmem:$0x17C20] =	vst v1  }
0x51: {  	[tilespmem:$0x17D20] =	vst v0  }
0x52: {  	v0 =	vld [tilespmem:s24+$0x13D30];
	_ =	sdelay $0x4  }
0x53: {  	v1 =	vshrl.u32 v0, $0xE  }
0x54: {  	v0 =	vand.u32 $0x3FFF, v0;
	[tilespmem:$0x17C30] =	vst v1  }
0x55: {  	[tilespmem:$0x17D30] =	vst v0  }
0x56: {  	s23 =	simm.s32 $0x400;
	v0 =	vld [tilespmem:s24+$0x13D40]  }
.LBB2_2:
0x57: {  	_ =	sdelay $0x3  }
0x58: {  	p0 =	sne.s32 s23, $0xF400;
	s24 =	smov.u32 s23;
	s23 =	sadd.s32 $0x400, s23;
	v1 =	vshrl.u32 v0, $0xE;
	v0 =	vand.u32 $0x3FFF, v0  }
0x59: {  	[tilespmem:$0x17C40] =	vst v1  }
0x5a: {  	[tilespmem:$0x17D40] =	vst v0  }
0x5b: {  	[tilespmem:s14], [sflag:$0x1] =	stream.indirect.gather [hbm4b:s1+s12], $0x80, s13, s12, $0xb8;
	[tilespmem:$0x1CE00] =	vst v63  }
0x5c: {  	_ =	swait.ge [sflag:s19], $0x2800  }
0x5d: {  	[sflag:s19] =	ssyncset.done $0x0  }
0x5e: {  	[sflag:s19] =	ssyncadd.s32 $0xFFFFD800  }
0x5f: {  	[spmem:s2] =	stream.indirect.scatter.add.f32 [tilespmem:s16], [sflag:$0x3], $0x80, s20, s12, $0xb8;
	[tilespmem:$0x1CE00] =	vst v63  }
0x60: {  	_ =	swait.ge [sflag:s9], $0x2800  }
0x61: {  	[sflag:s9] =	ssyncset.done $0x0  }
0x62: {  	s24 =	sshra.s32 s24, $0x2;
	[sflag:s9] =	ssyncadd.s32 $0xFFFFD800  }
0x63: {  	v0 =	vld [tilespmem:s24+$0x13C80];
	_ =	sdelay $0x4  }
0x64: {  	v1 =	vshrl.u32 v0, $0xE;
	v0 =	vand.u32 $0x3FFF, v0  }
0x65: {  	[tilespmem:$0x17C80] =	vst v1  }
0x66: {  	[tilespmem:$0x17D80] =	vst v0  }
0x67: {  	v0 =	vld [tilespmem:s24+$0x13C90];
	_ =	sdelay $0x4  }
0x68: {  	v1 =	vshrl.u32 v0, $0xE;
	v0 =	vand.u32 $0x3FFF, v0  }
0x69: {  	[tilespmem:$0x17C90] =	vst v1  }
0x6a: {  	[tilespmem:$0x17D90] =	vst v0  }
0x6b: {  	v0 =	vld [tilespmem:s24+$0x13CA0];
	_ =	sdelay $0x4  }
0x6c: {  	v1 =	vshrl.u32 v0, $0xE;
	v0 =	vand.u32 $0x3FFF, v0  }
0x6d: {  	[tilespmem:$0x17CA0] =	vst v1  }
0x6e: {  	[tilespmem:$0x17DA0] =	vst v0  }
0x6f: {  	v0 =	vld [tilespmem:s24+$0x13CB0];
	_ =	sdelay $0x4  }
0x70: {  	v1 =	vshrl.u32 v0, $0xE;
	v0 =	vand.u32 $0x3FFF, v0  }
0x71: {  	[tilespmem:$0x17CB0] =	vst v1  }
0x72: {  	[tilespmem:$0x17DB0] =	vst v0  }
0x73: {  	v0 =	vld [tilespmem:s24+$0x13CC0];
	_ =	sdelay $0x4  }
0x74: {  	v1 =	vshrl.u32 v0, $0xE;
	v0 =	vand.u32 $0x3FFF, v0  }
0x75: {  	[tilespmem:$0x17CC0] =	vst v1  }
0x76: {  	[tilespmem:$0x17DC0] =	vst v0  }
0x77: {  	[tilespmem:s16], [sflag:$0x2] =	stream.indirect.gather [hbm4b:s1+s12], $0x80, s15, s12, $0xb8;
	[tilespmem:$0x1CE00] =	vst v63  }
0x78: {  	_ =	swait.ge [sflag:s17], $0x2800  }
0x79: {  	[sflag:s17] =	ssyncset.done $0x0  }
0x7a: {  	[sflag:s17] =	ssyncadd.s32 $0xFFFFD800  }
0x7b: {  	[spmem:s2] =	stream.indirect.scatter.add.f32 [tilespmem:s14], [sflag:$0x3], $0x80, s18, s12, $0xb8;
	[tilespmem:$0x1CE00] =	vst v63  }
0x7c: {  	_ =	swait.ge [sflag:s9], $0x2800  }
0x7d: {  	[sflag:s9] =	ssyncset.done $0x0  }
0x7e: {  	[sflag:s9] =	ssyncadd.s32 $0xFFFFD800  }
0x7f: {  	v0 =	vld [tilespmem:s24+$0x13D00];
	_ =	sdelay $0x4  }
0x80: {  	v1 =	vshrl.u32 v0, $0xE;
	v0 =	vand.u32 $0x3FFF, v0  }
0x81: {  	[tilespmem:$0x17C00] =	vst v1  }
0x82: {  	[tilespmem:$0x17D00] =	vst v0  }
0x83: {  	v0 =	vld [tilespmem:s24+$0x13D10];
	_ =	sdelay $0x4  }
0x84: {  	v1 =	vshrl.u32 v0, $0xE;
	v0 =	vand.u32 $0x3FFF, v0  }
0x85: {  	[tilespmem:$0x17C10] =	vst v1  }
0x86: {  	[tilespmem:$0x17D10] =	vst v0  }
0x87: {  	v0 =	vld [tilespmem:s24+$0x13D20];
	_ =	sdelay $0x4  }
0x88: {  	v1 =	vshrl.u32 v0, $0xE;
	v0 =	vand.u32 $0x3FFF, v0  }
0x89: {  	[tilespmem:$0x17C20] =	vst v1  }
0x8a: {  	[tilespmem:$0x17D20] =	vst v0  }
0x8b: {  	v0 =	vld [tilespmem:s24+$0x13D30];
	_ =	sdelay $0x3  }
.Ltmp0:
0x8c: {  	(pc) =	sbr.rel @p0 .LBB2_2-.Ltmp0, $4  }
0x8d: {  	v1 =	vshrl.u32 v0, $0xE;
	v0 =	vand.u32 $0x3FFF, v0  }
0x8e: {  	[tilespmem:$0x17C30] =	vst v1  }
0x8f: {  	[tilespmem:$0x17D30] =	vst v0  }
0x90: {  	v0 =	vld [tilespmem:s24+$0x13D40]  }
0x91: {  	_ =	sdelay $0x3  }
0x92: {  	v1 =	vshrl.u32 v0, $0xE  }
0x93: {  	v63 =	vand.u32 $0x3FFF, v0;
	[tilespmem:$0x17C40] =	vst v1  }
0x94: {  	[tilespmem:$0x17D40] =	vst v63  }
0x95: {  	[tilespmem:s14], [sflag:$0x1] =	stream.indirect.gather [hbm4b:s1+s12], $0x80, s13, s12, $0xb8;
	[tilespmem:$0x1CE00] =	vst v63  }
0x96: {  	_ =	swait.ge [sflag:s19], $0x2800  }
0x97: {  	[sflag:s19] =	ssyncset.done $0x0  }
0x98: {  	[sflag:s19] =	ssyncadd.s32 $0xFFFFD800  }
0x99: {  	[spmem:s2] =	stream.indirect.scatter.add.f32 [tilespmem:s16], [sflag:$0x3], $0x80, s20, s12, $0xb8;
	[tilespmem:$0x1CE00] =	vst v63  }
0x9a: {  	_ =	swait.ge [sflag:s9], $0x2800  }
0x9b: {  	[sflag:s9] =	ssyncset.done $0x0  }
0x9c: {  	[sflag:s9] =	ssyncadd.s32 $0xFFFFD800  }
0x9d: {  	_ =	swait.ge [sflag:s17], $0x2800  }
0x9e: {  	[sflag:s17] =	ssyncset.done $0x0  }
0x9f: {  	[sflag:s17] =	ssyncadd.s32 $0xFFFFD800  }
0xa0: {  	[spmem:s2] =	stream.indirect.scatter.add.f32 [tilespmem:s14], [sflag:$0x3], $0x80, s18, s12, $0xb8;
	[tilespmem:$0x1CE00] =	vst v63  }
0xa1: {  	_ =	swait.ge [sflag:s9], $0x2800  }
0xa2: {  	s22 =	sadd.s32 $0x1, s22;
	[sflag:s9] =	ssyncset.done $0x0  }
0xa3: {  	p0 =	sne.s32 s22, s7;
	[sflag:s9] =	ssyncadd.s32 $0xFFFFD800  }
.Ltmp1:
0xa4: {  	[bflag:$0x0] =	sbarrier.arrive $0xFFFF;
	(pc) =	sbr.rel @p0 .LBB2_1-.Ltmp1, $4  }
0xa5: {  	[hbm:s21], [sflag:s10] =	dma.local [spmem:s11], $0x2780  }
0xa6: {  	_ =	swait.ge [sflag:s9], $0x2780  }
0xa7: {  	[sflag:s9] =	ssyncset.done $0x0  }
0xa8: {  	[sflag:s9] =	ssyncadd.s32 $0xFFFFD880  }
0xa9: {  	_ =	sfence.sel $0x180000  }
0xaa: {  	[bflag:$0x0] =	sbarrier.arrive $0xFFFF  }
0xab: {  	p0 =	sne.s32 s4, $0x0;
	_ =	strace $0x9000004A  }
0xac: {  	s0 =	sadd.s32 @!p0 $0x100000, s0;
	[bflag:$0x2] =	sbarrier.arrive $0xFFFF  }
0xad: {  	[sflag:s0] =	ssyncadd.tile.s32 @!p0 $0x1;
	_ =	shalt  }
.Lfunc_end2:
_tile_overlayer_lowered:
.L_overlay_start_2:
0xae: {  	(tag) =	ssettag $0x2  }
0xaf: {  	s0 =	rddreg [dreg:$0x0];
	s2 =	stileid.u32  }
0xb0: {  	s1 =	rddreg [dreg:$0x1];
	p0 =	sne.s32 s2, $0x0  }
0xb1: {  	s3 =	rddreg [dreg:$0x2];
	[bflag:$0x3] =	sbarrier.arrive $0xFFFF;
	s2 =	simm.s32 @!p0 $0x1C03  }
0xb2: {  	[timem:s3], [sflag:s2] =	dma.local @!p0 [hbm:s0], s1  }
0xb3: {  	s0 =	simm.s32 @!p0 $0x3  }
0xb4: {  	_ =	swait.ge @!p0 [sflag:s0], s1  }
0xb5: {  	s1 =	ssub.s32 @!p0 $0x0, s1;
	[sflag:s0] =	ssyncset.done @!p0 $0x0  }
0xb6: {  	[sflag:s0] =	ssyncadd.s32 @!p0 s1  }
0xb7: {  	[bflag:$0x3] =	sbarrier.arrive $0xFFFF  }
0xb8: {  	_ =	shalt  }

// kernel: kernel.16.cloned.1.call-start
scs
__scs_entry_jumppad:
0x0: {  	(pc) =	sbr.rel $0x88, $3  }
0x1: {  	(tag) =	ssettag $0x0;
	lr =	simm.s32 $0x1  }
0x2: {  	[smem:$0x3F91] =	sst lr;
	_ =	strace $0xD0000000  }
0x3: {  	_ = 	snop  }
0x4: {  	_ = 	snop  }
0x5: {  	_ = 	snop  }
0x6: {  	_ = 	snop  }
0x7: {  	_ = 	snop  }
__scs_overlays_trampoline_lowered:
0x8: {  	[smem:$0x3FA0] =	sst s0  }
0x9: {  	[smem:$0x3FA1] =	sst s1  }
0xa: {  	[smem:$0x3FA2] =	sst s2  }
0xb: {  	[smem:$0x3FA3] =	sst s3  }
0xc: {  	[smem:$0x3FA4] =	sst s4  }
0xd: {  	[smem:$0x3FA5] =	sst s5  }
0xe: {  	[smem:$0x3FA6] =	sst s6  }
0xf: {  	[smem:$0x3FA7] =	sst s7  }
0x10: {  	[smem:$0x3FA8] =	sst s8  }
0x11: {  	[smem:$0x3FA9] =	sst s9;
	s0 =	simm.s32 @!p0 $0x0  }
0x12: {  	s1 =	sld [smem:$0x3F8F];
	s0 =	simm.s32 @p0 $0x1  }
0x13: {  	[smem:$0x3FAA] =	sst s0;
	s0 =	simm.s32 @!p1 $0x0  }
0x14: {  	s2 =	sld [smem:$0x3F8E];
	s0 =	simm.s32 @p1 $0x1  }
0x15: {  	[smem:$0x3FAB] =	sst s0;
	s0 =	simm.s32 @!p2 $0x0  }
0x16: {  	s3 =	sld [smem:$0x3FDB];
	s0 =	simm.s32 @p2 $0x1  }
0x17: {  	s4 =	simm.s32 $0x1BF5;
	[smem:$0x3FAD] =	sst s0  }
0x18: {  	s0 =	sld [smem:$0x3F90];
	_ =	swait.ge [sflag:s4], $0x0  }
0x19: {  	s7 =	sld [smem:$0x3F91]  }
0x1a: {  	s8 =	sadd.s32 $0xFFFFE003, lr  }
0x1b: {  	s9 =	sadd.s32 $0xFFFFFEF7, lr;
	s5 =	simm.s32 $0xFFFFFFFF;
	p2 =	slt.u32 s8, $0xFFFFF086  }
0x1c: {  	p1 =	slt.u32 s9, $0xF7A;
	s5 =	simm.s32 @!p2 $0x0  }
0x1d: {  	s5 =	simm.s32 @p1 $0x1;
	p0 =	seq.s32 s7, s2  }
0x1e: {  	s7 =	smul.u32 @!p0 $0xF7A, s2;
	p2 =	seq.s32 @!p0 s5, $0x0  }
0x1f: {  	s9 =	smul.u32 $0xF7A, s1;
	s8 =	simm.s32 @!p0 $0x1BF5;
	p2 =	por !p2, p0  }
0x20: {  	[sflag:s8] =	ssyncset.s32 @!p0 $0xFFFFF086;
	s6 =	sadd.s32 @!p0 s3, s7;
	s7 =	simm.s32 @!p0 $0x108  }
0x21: {  	s3 =	sadd.s32 s3, s9;
	s6 =	sadd.s32 @!p0 $0x88, s6;
	s7 =	simm.s32 @p2 $0x1082  }
0x22: {  	[simem:s7], [sflag:s8] =	dma.local @!p0 [hbm:s6], $0xF7A  }
0x23: {  	s9 =	sor.u32 $0xD0000000, s2;
	s6 =	simm.s32 $0x108;
	_ =	swait.ge @!p0 [sflag:s8], $0x0  }
0x24: {  	s3 =	sadd.s32 $0x88, s3;
	s6 =	simm.s32 @!p1 $0x1082;
	[sflag:s4] =	ssyncset.s32 $0xFFFFF086  }
0x25: {  	[simem:s6], [sflag:s4] =	dma.local [hbm:s3], $0xF7A  }
0x26: {  	[smem:$0x3F91] =	sst s1;
	(tag) =	ssettag s2;
	_ =	strace s9  }
0x27: {  	s1 =	sld [smem:$0x3FA1]  }
0x28: {  	s2 =	sld [smem:$0x3FA2]  }
0x29: {  	s4 =	sld [smem:$0x3FA4]  }
0x2a: {  	p0 =	seq.s32 s5, $0x0;
	s5 =	sld [smem:$0x3FA5]  }
0x2b: {  	s6 =	sld [smem:$0x3FA6]  }
0x2c: {  	s7 =	sld [smem:$0x3FA7]  }
0x2d: {  	s3 =	simm.s32 $0x108;
	s8 =	sld [smem:$0x3FA8]  }
0x2e: {  	s3 =	simm.s32 @!p0 $0x1082;
	s9 =	sld [smem:$0x3FA9]  }
0x2f: {  	lr =	sadd.s32 s0, s3;
	s0 =	sld [smem:$0x3FA0]  }
0x30: {  	s3 =	sld [smem:$0x3FA3]  }
0x31: {  	[smem:$0x3FAC] =	sst s10  }
0x32: {  	s10 =	sld [smem:$0x3FAA];
	_ =	sdelay $0x3  }
0x33: {  	p0 =	seq.s32 s10, $0x1;
	s10 =	sld [smem:$0x3FAC];
	_ =	sdelay $0x3  }
0x34: {  	[smem:$0x3FAC] =	sst s10  }
0x35: {  	s10 =	sld [smem:$0x3FAB];
	_ =	sdelay $0x3  }
0x36: {  	p1 =	seq.s32 s10, $0x1;
	s10 =	sld [smem:$0x3FAC];
	_ =	sdelay $0x3  }
0x37: {  	[smem:$0x3FAC] =	sst s10  }
0x38: {  	s10 =	sld [smem:$0x3FAD]  }
0x39: {  	_ = 	snop;
	(pc) =	sbr.ind lr, $3  }
0x3a: {  	_ = 	snop  }
0x3b: {  	_ = 	snop  }
0x3c: {  	p2 =	seq.s32 s10, $0x1;
	s10 =	sld [smem:$0x3FAC]  }
0x3d: {  	_ =	shalt  }
0x3e: {  	_ =	shalt  }
0x3f: {  	_ =	shalt  }
0x40: {  	_ =	shalt  }
0x41: {  	_ =	shalt  }
0x42: {  	_ =	shalt  }
0x43: {  	_ =	shalt  }
0x44: {  	_ =	shalt  }
0x45: {  	_ =	shalt  }
0x46: {  	_ =	shalt  }
0x47: {  	_ =	shalt  }
0x48: {  	_ =	shalt  }
0x49: {  	_ =	shalt  }
0x4a: {  	_ =	shalt  }
0x4b: {  	_ =	shalt  }
0x4c: {  	_ =	shalt  }
0x4d: {  	_ =	shalt  }
0x4e: {  	_ =	shalt  }
0x4f: {  	_ =	shalt  }
0x50: {  	_ =	shalt  }
0x51: {  	_ =	shalt  }
0x52: {  	_ =	shalt  }
0x53: {  	_ =	shalt  }
0x54: {  	_ =	shalt  }
0x55: {  	_ =	shalt  }
0x56: {  	_ =	shalt  }
0x57: {  	_ =	shalt  }
0x58: {  	_ =	shalt  }
0x59: {  	_ =	shalt  }
0x5a: {  	_ =	shalt  }
0x5b: {  	_ =	shalt  }
0x5c: {  	_ =	shalt  }
0x5d: {  	_ =	shalt  }
0x5e: {  	_ =	shalt  }
0x5f: {  	_ =	shalt  }
0x60: {  	_ =	shalt  }
0x61: {  	_ =	shalt  }
0x62: {  	_ =	shalt  }
0x63: {  	_ =	shalt  }
0x64: {  	_ =	shalt  }
0x65: {  	_ =	shalt  }
0x66: {  	_ =	shalt  }
0x67: {  	_ =	shalt  }
0x68: {  	_ =	shalt  }
0x69: {  	_ =	shalt  }
0x6a: {  	_ =	shalt  }
0x6b: {  	_ =	shalt  }
0x6c: {  	_ =	shalt  }
0x6d: {  	_ =	shalt  }
0x6e: {  	_ =	shalt  }
0x6f: {  	_ =	shalt  }
0x70: {  	_ =	shalt  }
0x71: {  	_ =	shalt  }
0x72: {  	_ =	shalt  }
0x73: {  	_ =	shalt  }
0x74: {  	_ =	shalt  }
0x75: {  	_ =	shalt  }
0x76: {  	_ =	shalt  }
0x77: {  	_ =	shalt  }
0x78: {  	_ =	shalt  }
0x79: {  	_ =	shalt  }
0x7a: {  	_ =	shalt  }
0x7b: {  	_ =	shalt  }
0x7c: {  	_ =	shalt  }
0x7d: {  	_ =	shalt  }
0x7e: {  	_ =	shalt  }
0x7f: {  	_ =	shalt  }
0x80: {  	_ =	shalt  }
0x81: {  	_ =	shalt  }
0x82: {  	_ =	shalt  }
0x83: {  	_ =	shalt  }
0x84: {  	_ =	shalt  }
0x85: {  	_ =	shalt  }
0x86: {  	_ =	shalt  }
0x87: {  	_ =	shalt  }
.Lfunc_end0:
.L_simem_size_0:
called_computation.2_lowered:
.L_overlay_start_0:
0x88: {  	s2 =	sld [smem:$0x3FD9]  }
0x89: {  	s3 =	sld [smem:$0x3FFE];
	_ =	sdelay $0x1  }
0x8a: {  	s1 =	srdreg.scid  }
0x8b: {  	s0 =	sand.u32 $0x1, s1  }
0x8c: {  	s17 =	sshll.u32 s0, $0xA;
	s2 =	sadd.s32 s3, s2  }
0x8d: {  	s2 =	sadd.s32 s2, s17  }
0x8e: {  	[smem:$0x3FB8] =	sst s2  }
0x8f: {  	_ = 	snop  }
0x90: {  	s2 =	sld [smem:$0x3FD0];
	(tm) =	ssettm $0x1  }
0x91: {  	s18 =	sld [smem:$0x3FFB];
	_ =	sdelay $0x3  }
0x92: {  	_ =	strace s18  }
0x93: {  	s3 =	sld [smem:$0x3FFC];
	_ =	sdelay $0x3  }
0x94: {  	_ =	strace s3  }
0x95: {  	s3 =	sld [smem:$0x3FFD];
	_ =	sdelay $0x3  }
0x96: {  	_ =	strace s3  }
0x97: {  	_ =	strace $0x8FFFFFFF  }
0x98: {  	s19 =	sld [smem:$0x3FDB];
	_ =	sdelay $0x1  }
0x99: {  	s4 =	simm.s32 $_scs_section_size  }
0x9a: {  	s5 =	simm.s32 $_size__tile_overlayer_lowered;
	s6 =	simm.s32 $_tile_overlayer_lowered  }
0x9b: {  	s22 =	simm.s32 $0x1BFF;
	s21 =	sshll.u32 s6, $0x1;
	s3 =	sadd.s32 s4, s19  }
0x9c: {  	s7 =	simm.s32 $0x0;
	s20 =	sshll.u32 s5, $0x1;
	s5 =	sadd.s32 s21, s3  }
0x9d: {  	[timem:s7], [sflag:s22] =	dma.local [hbm:s5], s20  }
0x9e: {  	_ =	swait.ge [sflag:s22], s20  }
0x9f: {  	s4 =	ssub.s32 $0x0, s20;
	[sflag:s22] =	ssyncset.done $0x0  }
0xa0: {  	[sflag:s22] =	ssyncadd.s32 s4;
	_ =	sdelay $0x1  }
0xa1: {  	s23 =	simm.s32 $0x1B8B  }
0xa2: {  	_ =	swait.ge [sflag:s23], $0x1  }
0xa3: {  	[sflag:s23] =	ssyncset.done $0x0  }
0xa4: {  	s25 =	simm.s32 $0x1B8E;
	s24 =	sld [smem:$0x3FFE];
	[sflag:s23] =	ssyncadd.s32 $0xFFFFFFFF  }
0xa5: {  	s26 =	simm.s32 $execute0_lowered;
	[smem:$0x3FD2] =	sst s25  }
0xa6: {  	s5 =	sshll.u32 s26, $0x1;
	_ =	strace $0x8000004C;
	[dreg:$0x1] =	wrdreg $0xFFFFFFFF  }
0xa7: {  	s28 =	simm.s32 $_size_execute0_lowered;
	s3 =	sadd.s32 s3, s5;
	[dreg:$0x0] =	wrdreg $0x0  }
0xa8: {  	s5 =	sshll.u32 s28, $0x1;
	[dreg:$0x2] =	wrdreg s3  }
0xa9: {  	[dreg:$0x3] =	wrdreg s5  }
0xaa: {  	[dreg:$0x4] =	wrdreg $0xC0  }
0xab: {  	_ =	task [dreg:s7], $0x5FFFF  }
0xac: {  	[dreg:$0x1] =	wrdreg $0xFFFFFFFF  }
0xad: {  	[dreg:$0x0] =	wrdreg $0x60  }
0xae: {  	[dreg:$0x2] =	wrdreg s2  }
0xaf: {  	[dreg:$0x3] =	wrdreg s24  }
0xb0: {  	[dreg:$0x4] =	wrdreg $0x0  }
0xb1: {  	[dreg:$0x5] =	wrdreg $0x9  }
0xb2: {  	_ =	task.clear_ibuf [dreg:s7], $0x6FFFF;
	_ =	strace $0x9000004C  }
0xb3: {  	s29 =	simm.s32 $0x9;
	_ =	strace $0x8000004E  }
0xb4: {  	_ =	swait.ge [sflag:s29], $0x1  }
0xb5: {  	[sflag:s29] =	ssyncadd.s32 $0xFFFFFFFF  }
0xb6: {  	_ =	strace $0x9000004E  }
0xb7: {  	_ =	sfence  }
0xb8: {  	s30 =	sld [smem:$0x0];
	_ =	sdelay $0x2  }
0xb9: {  	s31 =	sshll.u32 s1, $0xD;
	s1 =	sshrl.u32 s1, $0x2  }
0xba: {  	s3 =	sand.u32 $0x4000, s31;
	s1 =	sadd.s32 s1, s30  }
0xbb: {  	s0 =	sor.u32 s3, s0;
	s1 =	sshll.u32 s1, $0x11  }
0xbc: {  	s0 =	sor.u32 s1, s0  }
0xbd: {  	s0 =	sadd.s32 $0x8F2B, s0  }
0xbe: {  	[sflag:s0] =	ssyncadd.remote.s32 $0x1  }
0xbf: {  	_ =	sfence.sel $0xFFFF  }
0xc0: {  	[dreg:$0x0] =	wrdreg $0xFFFFFFFF;
	(pc) =	sbr.abs _section_cstart, $3  }
0xc1: {  	[dreg:$0x1] =	wrdreg $0xFFFFFFFF  }
0xc2: {  	_ =	task.clear_ibuf [dreg:s7], $0x2FFFF;
	_ =	strace $0x9FFFFFFF  }
0xc3: {  	(tm) =	ssettm $0x7FFFFFFF  }
tec
execute0_lowered:
.L_overlay_start_1:
0x0: {  	(tag) =	ssettag $0x1  }
0x1: {  	s1 =	rddreg [dreg:$0x0]  }
0x2: {  	s6 =	rddreg [dreg:$0x1]  }
0x3: {  	s2 =	rddreg [dreg:$0x2]  }
0x4: {  	s0 =	rddreg [dreg:$0x3]  }
0x5: {  	s3 =	simm.s32 $0x0;
	s4 =	srdreg.scid;
	s12 =	simm.s32 $0x50  }
0x6: {  	s13 =	simm.s32 $0x17C00;
	s14 =	simm.s32 $0x17E00;
	s15 =	simm.s32 $0x17C80  }
0x7: {  	s16 =	simm.s32 $0x1A600;
	s17 =	simm.s32 $0x1;
	s18 =	simm.s32 $0x17D00  }
0x8: {  	s19 =	simm.s32 $0x2;
	s20 =	simm.s32 $0x17D80;
	[smem:$0x7FF] =	sst s3  }
0x9: {  	s7 =	sand.u32 $0x1, s4;
	s5 =	sadd.s32 $0x14E00, s6;
	_ =	strace $0x8000004D  }
0xa: {  	s4 =	sshll.u32 s7, $0xB;
	s9 =	smul.u32 $0x27800, s7;
	s7 =	ssub.s32 $0x2, s7  }
0xb: {  	s8 =	sadd.s32 s4, s6;
	s4 =	stileid.u32;
	s26 =	sshrl.u32 s7, $0x1  }
0xc: {  	s10 =	smul.u32 $0x4F000, s4;
	s9 =	sadd.s32 s9, s6;
	s11 =	sshll.u32 s4, $0xC  }
0xd: {  	s7 =	ssub.s32 s7, s26;
	s22 =	smul.u32 $0x2780, s4;
	s31 =	sshll.u32 s4, $0x6  }
0xe: {  	s28 =	sadd.s32 s11, s8;
	s21 =	sadd.s32 $0x17600, s9;
	s7 =	smax.u32 s7, $0x1  }
0xf: {  	s8 =	simm.s32 $0x13C00;
	s9 =	simm.s32 $0x3;
	s29 =	sshrl.u32 s10, $0x2  }
0x10: {  	s6 =	sadd.s32 $0x4E00, s28;
	s10 =	sor.u32 $0x1C03, s31;
	s30 =	sadd.s32 s29, s2  }
0x11: {  	s21 =	sadd.s32 s22, s21;
	s22 =	simm.s32 $0x0;
	s11 =	sshrl.u32 s30, $0x3  }
.LBB2_1:
0x12: {  	[tilespmem:s8], [sflag:$0x3] =	stream.linear.gather [hbm4b:s6+s3], $0x3E80, $0x38;
	[tilespmem:$0x1CE00] =	vst v63  }
0x13: {  	_ =	swait.ge [sflag:s9], $0x3E80  }
0x14: {  	[sflag:s9] =	ssyncset.done $0x0  }
0x15: {  	[sflag:s9] =	ssyncadd.s32 $0xFFFFC180  }
0x16: {  	[spmem:s11], [sflag:s10] =	dma.local [hbm:s5], $0x2780  }
0x17: {  	_ =	swait.ge [sflag:s9], $0x2780  }
0x18: {  	[sflag:s9] =	ssyncset.done $0x0  }
0x19: {  	[sflag:s9] =	ssyncadd.s32 $0xFFFFD880  }
0x1a: {  	[bflag:$0x0] =	sbarrier.arrive $0xFFFF  }
0x1b: {  	v0 =	vld [tilespmem:$0x13C00];
	_ =	sdelay $0x1  }
0x1c: {  	v1 =	vld [tilespmem:$0x13C10];
	_ =	sdelay $0x1  }
0x1d: {  	v2 =	vld [tilespmem:$0x13C20]  }
0x1e: {  	v3 =	vshrl.u32 v0, $0xE  }
0x1f: {  	v0 =	vand.u32 $0x3FFF, v0;
	[tilespmem:$0x17C00] =	vst v3;
	v3 =	vld [tilespmem:$0x13C30]  }
0x20: {  	[tilespmem:$0x17D00] =	vst v0;
	v0 =	vshrl.u32 v1, $0xE  }
0x21: {  	[tilespmem:$0x17C10] =	vst v0;
	v0 =	vand.u32 $0x3FFF, v1;
	v1 =	vld [tilespmem:$0x13C40]  }
0x22: {  	[tilespmem:$0x17D10] =	vst v0;
	v0 =	vshrl.u32 v2, $0xE  }
0x23: {  	[tilespmem:$0x17C20] =	vst v0;
	v0 =	vand.u32 $0x3FFF, v2  }
0x24: {  	[tilespmem:$0x17D20] =	vst v0;
	v0 =	vshrl.u32 v3, $0xE  }
0x25: {  	[tilespmem:$0x17C30] =	vst v0;
	v0 =	vand.u32 $0x3FFF, v3  }
0x26: {  	[tilespmem:$0x17D30] =	vst v0;
	v0 =	vshrl.u32 v1, $0xE  }
0x27: {  	[tilespmem:$0x17C40] =	vst v0;
	v0 =	vand.u32 $0x3FFF, v1  }
0x28: {  	s24 =	simm.s32 $0x0;
	[tilespmem:$0x17D40] =	vst v0  }
0x29: {  	[tilespmem:s14], [sflag:$0x1] =	stream.indirect.gather [hbm4b:s1+s12], $0x80, s13, s12, $0xb8;
	[tilespmem:$0x1CE00] =	vst v63  }
0x2a: {  	v0 =	vld [tilespmem:s24+$0x13C80];
	_ =	sdelay $0x4  }
0x2b: {  	v1 =	vshrl.u32 v0, $0xE  }
0x2c: {  	v0 =	vand.u32 $0x3FFF, v0;
	[tilespmem:$0x17C80] =	vst v1  }
0x2d: {  	[tilespmem:$0x17D80] =	vst v0  }
0x2e: {  	v0 =	vld [tilespmem:s24+$0x13C90];
	_ =	sdelay $0x4  }
0x2f: {  	v1 =	vshrl.u32 v0, $0xE  }
0x30: {  	v0 =	vand.u32 $0x3FFF, v0;
	[tilespmem:$0x17C90] =	vst v1  }
0x31: {  	[tilespmem:$0x17D90] =	vst v0  }
0x32: {  	v0 =	vld [tilespmem:s24+$0x13CA0];
	_ =	sdelay $0x4  }
0x33: {  	v1 =	vshrl.u32 v0, $0xE  }
0x34: {  	v0 =	vand.u32 $0x3FFF, v0;
	[tilespmem:$0x17CA0] =	vst v1  }
0x35: {  	[tilespmem:$0x17DA0] =	vst v0  }
0x36: {  	v0 =	vld [tilespmem:s24+$0x13CB0];
	_ =	sdelay $0x4  }
0x37: {  	v1 =	vshrl.u32 v0, $0xE  }
0x38: {  	v0 =	vand.u32 $0x3FFF, v0;
	[tilespmem:$0x17CB0] =	vst v1  }
0x39: {  	[tilespmem:$0x17DB0] =	vst v0  }
0x3a: {  	v0 =	vld [tilespmem:s24+$0x13CC0];
	_ =	sdelay $0x4  }
0x3b: {  	v1 =	vshrl.u32 v0, $0xE  }
0x3c: {  	v0 =	vand.u32 $0x3FFF, v0;
	[tilespmem:$0x17CC0] =	vst v1  }
0x3d: {  	[tilespmem:$0x17DC0] =	vst v0  }
0x3e: {  	[tilespmem:s16], [sflag:$0x2] =	stream.indirect.gather [hbm4b:s1+s12], $0x80, s15, s12, $0xb8;
	[tilespmem:$0x1CE00] =	vst v63  }
0x3f: {  	_ =	swait.ge [sflag:s17], $0x2800  }
0x40: {  	[sflag:s17] =	ssyncset.done $0x0  }
0x41: {  	[sflag:s17] =	ssyncadd.s32 $0xFFFFD800  }
0x42: {  	[spmem:s2] =	stream.indirect.scatter.add.f32 [tilespmem:s14], [sflag:$0x3], $0x80, s18, s12, $0xb8;
	[tilespmem:$0x1CE00] =	vst v63  }
0x43: {  	_ =	swait.ge [sflag:s9], $0x2800  }
0x44: {  	[sflag:s9] =	ssyncset.done $0x0  }
0x45: {  	[sflag:s9] =	ssyncadd.s32 $0xFFFFD800  }
0x46: {  	v0 =	vld [tilespmem:s24+$0x13D00];
	_ =	sdelay $0x4  }
0x47: {  	v1 =	vshrl.u32 v0, $0xE  }
0x48: {  	v0 =	vand.u32 $0x3FFF, v0;
	[tilespmem:$0x17C00] =	vst v1  }
0x49: {  	[tilespmem:$0x17D00] =	vst v0  }
0x4a: {  	v0 =	vld [tilespmem:s24+$0x13D10];
	_ =	sdelay $0x4  }
0x4b: {  	v1 =	vshrl.u32 v0, $0xE  }
0x4c: {  	v0 =	vand.u32 $0x3FFF, v0;
	[tilespmem:$0x17C10] =	vst v1  }
0x4d: {  	[tilespmem:$0x17D10] =	vst v0  }
0x4e: {  	v0 =	vld [tilespmem:s24+$0x13D20];
	_ =	sdelay $0x4  }
0x4f: {  	v1 =	vshrl.u32 v0, $0xE  }
0x50: {  	v0 =	vand.u32 $0x3FFF, v0;
	[tilespmem:$0x17C20] =	vst v1  }
0x51: {  	[tilespmem:$0x17D20] =	vst v0  }
0x52: {  	v0 =	vld [tilespmem:s24+$0x13D30];
	_ =	sdelay $0x4  }
0x53: {  	v1 =	vshrl.u32 v0, $0xE  }
0x54: {  	v0 =	vand.u32 $0x3FFF, v0;
	[tilespmem:$0x17C30] =	vst v1  }
0x55: {  	[tilespmem:$0x17D30] =	vst v0  }
0x56: {  	s23 =	simm.s32 $0x400;
	v0 =	vld [tilespmem:s24+$0x13D40]  }
.LBB2_2:
0x57: {  	_ =	sdelay $0x3  }
0x58: {  	p0 =	sne.s32 s23, $0xF400;
	s24 =	smov.u32 s23;
	s23 =	sadd.s32 $0x400, s23;
	v1 =	vshrl.u32 v0, $0xE;
	v0 =	vand.u32 $0x3FFF, v0  }
0x59: {  	[tilespmem:$0x17C40] =	vst v1  }
0x5a: {  	[tilespmem:$0x17D40] =	vst v0  }
0x5b: {  	[tilespmem:s14], [sflag:$0x1] =	stream.indirect.gather [hbm4b:s1+s12], $0x80, s13, s12, $0xb8;
	[tilespmem:$0x1CE00] =	vst v63  }
0x5c: {  	_ =	swait.ge [sflag:s19], $0x2800  }
0x5d: {  	[sflag:s19] =	ssyncset.done $0x0  }
0x5e: {  	[sflag:s19] =	ssyncadd.s32 $0xFFFFD800  }
0x5f: {  	[spmem:s2] =	stream.indirect.scatter.add.f32 [tilespmem:s16], [sflag:$0x3], $0x80, s20, s12, $0xb8;
	[tilespmem:$0x1CE00] =	vst v63  }
0x60: {  	_ =	swait.ge [sflag:s9], $0x2800  }
0x61: {  	[sflag:s9] =	ssyncset.done $0x0  }
0x62: {  	s24 =	sshra.s32 s24, $0x2;
	[sflag:s9] =	ssyncadd.s32 $0xFFFFD800  }
0x63: {  	v0 =	vld [tilespmem:s24+$0x13C80];
	_ =	sdelay $0x4  }
0x64: {  	v1 =	vshrl.u32 v0, $0xE;
	v0 =	vand.u32 $0x3FFF, v0  }
0x65: {  	[tilespmem:$0x17C80] =	vst v1  }
0x66: {  	[tilespmem:$0x17D80] =	vst v0  }
0x67: {  	v0 =	vld [tilespmem:s24+$0x13C90];
	_ =	sdelay $0x4  }
0x68: {  	v1 =	vshrl.u32 v0, $0xE;
	v0 =	vand.u32 $0x3FFF, v0  }
0x69: {  	[tilespmem:$0x17C90] =	vst v1  }
0x6a: {  	[tilespmem:$0x17D90] =	vst v0  }
0x6b: {  	v0 =	vld [tilespmem:s24+$0x13CA0];
	_ =	sdelay $0x4  }
0x6c: {  	v1 =	vshrl.u32 v0, $0xE;
	v0 =	vand.u32 $0x3FFF, v0  }
0x6d: {  	[tilespmem:$0x17CA0] =	vst v1  }
0x6e: {  	[tilespmem:$0x17DA0] =	vst v0  }
0x6f: {  	v0 =	vld [tilespmem:s24+$0x13CB0];
	_ =	sdelay $0x4  }
0x70: {  	v1 =	vshrl.u32 v0, $0xE;
	v0 =	vand.u32 $0x3FFF, v0  }
0x71: {  	[tilespmem:$0x17CB0] =	vst v1  }
0x72: {  	[tilespmem:$0x17DB0] =	vst v0  }
0x73: {  	v0 =	vld [tilespmem:s24+$0x13CC0];
	_ =	sdelay $0x4  }
0x74: {  	v1 =	vshrl.u32 v0, $0xE;
	v0 =	vand.u32 $0x3FFF, v0  }
0x75: {  	[tilespmem:$0x17CC0] =	vst v1  }
0x76: {  	[tilespmem:$0x17DC0] =	vst v0  }
0x77: {  	[tilespmem:s16], [sflag:$0x2] =	stream.indirect.gather [hbm4b:s1+s12], $0x80, s15, s12, $0xb8;
	[tilespmem:$0x1CE00] =	vst v63  }
0x78: {  	_ =	swait.ge [sflag:s17], $0x2800  }
0x79: {  	[sflag:s17] =	ssyncset.done $0x0  }
0x7a: {  	[sflag:s17] =	ssyncadd.s32 $0xFFFFD800  }
0x7b: {  	[spmem:s2] =	stream.indirect.scatter.add.f32 [tilespmem:s14], [sflag:$0x3], $0x80, s18, s12, $0xb8;
	[tilespmem:$0x1CE00] =	vst v63  }
0x7c: {  	_ =	swait.ge [sflag:s9], $0x2800  }
0x7d: {  	[sflag:s9] =	ssyncset.done $0x0  }
0x7e: {  	[sflag:s9] =	ssyncadd.s32 $0xFFFFD800  }
0x7f: {  	v0 =	vld [tilespmem:s24+$0x13D00];
	_ =	sdelay $0x4  }
0x80: {  	v1 =	vshrl.u32 v0, $0xE;
	v0 =	vand.u32 $0x3FFF, v0  }
0x81: {  	[tilespmem:$0x17C00] =	vst v1  }
0x82: {  	[tilespmem:$0x17D00] =	vst v0  }
0x83: {  	v0 =	vld [tilespmem:s24+$0x13D10];
	_ =	sdelay $0x4  }
0x84: {  	v1 =	vshrl.u32 v0, $0xE;
	v0 =	vand.u32 $0x3FFF, v0  }
0x85: {  	[tilespmem:$0x17C10] =	vst v1  }
0x86: {  	[tilespmem:$0x17D10] =	vst v0  }
0x87: {  	v0 =	vld [tilespmem:s24+$0x13D20];
	_ =	sdelay $0x4  }
0x88: {  	v1 =	vshrl.u32 v0, $0xE;
	v0 =	vand.u32 $0x3FFF, v0  }
0x89: {  	[tilespmem:$0x17C20] =	vst v1  }
0x8a: {  	[tilespmem:$0x17D20] =	vst v0  }
0x8b: {  	v0 =	vld [tilespmem:s24+$0x13D30];
	_ =	sdelay $0x3  }
.Ltmp0:
0x8c: {  	(pc) =	sbr.rel @p0 .LBB2_2-.Ltmp0, $4  }
0x8d: {  	v1 =	vshrl.u32 v0, $0xE;
	v0 =	vand.u32 $0x3FFF, v0  }
0x8e: {  	[tilespmem:$0x17C30] =	vst v1  }
0x8f: {  	[tilespmem:$0x17D30] =	vst v0  }
0x90: {  	v0 =	vld [tilespmem:s24+$0x13D40]  }
0x91: {  	_ =	sdelay $0x3  }
0x92: {  	v1 =	vshrl.u32 v0, $0xE  }
0x93: {  	v63 =	vand.u32 $0x3FFF, v0;
	[tilespmem:$0x17C40] =	vst v1  }
0x94: {  	[tilespmem:$0x17D40] =	vst v63  }
0x95: {  	[tilespmem:s14], [sflag:$0x1] =	stream.indirect.gather [hbm4b:s1+s12], $0x80, s13, s12, $0xb8;
	[tilespmem:$0x1CE00] =	vst v63  }
0x96: {  	_ =	swait.ge [sflag:s19], $0x2800  }
0x97: {  	[sflag:s19] =	ssyncset.done $0x0  }
0x98: {  	[sflag:s19] =	ssyncadd.s32 $0xFFFFD800  }
0x99: {  	[spmem:s2] =	stream.indirect.scatter.add.f32 [tilespmem:s16], [sflag:$0x3], $0x80, s20, s12, $0xb8;
	[tilespmem:$0x1CE00] =	vst v63  }
0x9a: {  	_ =	swait.ge [sflag:s9], $0x2800  }
0x9b: {  	[sflag:s9] =	ssyncset.done $0x0  }
0x9c: {  	[sflag:s9] =	ssyncadd.s32 $0xFFFFD800  }
0x9d: {  	_ =	swait.ge [sflag:s17], $0x2800  }
0x9e: {  	[sflag:s17] =	ssyncset.done $0x0  }
0x9f: {  	[sflag:s17] =	ssyncadd.s32 $0xFFFFD800  }
0xa0: {  	[spmem:s2] =	stream.indirect.scatter.add.f32 [tilespmem:s14], [sflag:$0x3], $0x80, s18, s12, $0xb8;
	[tilespmem:$0x1CE00] =	vst v63  }
0xa1: {  	_ =	swait.ge [sflag:s9], $0x2800  }
0xa2: {  	s22 =	sadd.s32 $0x1, s22;
	[sflag:s9] =	ssyncset.done $0x0  }
0xa3: {  	p0 =	sne.s32 s22, s7;
	[sflag:s9] =	ssyncadd.s32 $0xFFFFD800  }
.Ltmp1:
0xa4: {  	[bflag:$0x0] =	sbarrier.arrive $0xFFFF;
	(pc) =	sbr.rel @p0 .LBB2_1-.Ltmp1, $4  }
0xa5: {  	[hbm:s21], [sflag:s10] =	dma.local [spmem:s11], $0x2780  }
0xa6: {  	_ =	swait.ge [sflag:s9], $0x2780  }
0xa7: {  	[sflag:s9] =	ssyncset.done $0x0  }
0xa8: {  	[sflag:s9] =	ssyncadd.s32 $0xFFFFD880  }
0xa9: {  	_ =	sfence.sel $0x180000  }
0xaa: {  	[bflag:$0x0] =	sbarrier.arrive $0xFFFF  }
0xab: {  	p0 =	sne.s32 s4, $0x0;
	_ =	strace $0x9000004D  }
0xac: {  	s0 =	sadd.s32 @!p0 $0x100000, s0;
	[bflag:$0x2] =	sbarrier.arrive $0xFFFF  }
0xad: {  	[sflag:s0] =	ssyncadd.tile.s32 @!p0 $0x1;
	_ =	shalt  }
.Lfunc_end2:
_tile_overlayer_lowered:
.L_overlay_start_2:
0xae: {  	(tag) =	ssettag $0x2  }
0xaf: {  	s0 =	rddreg [dreg:$0x0];
	s2 =	stileid.u32  }
0xb0: {  	s1 =	rddreg [dreg:$0x1];
	p0 =	sne.s32 s2, $0x0  }
0xb1: {  	s3 =	rddreg [dreg:$0x2];
	[bflag:$0x3] =	sbarrier.arrive $0xFFFF;
	s2 =	simm.s32 @!p0 $0x1C03  }
0xb2: {  	[timem:s3], [sflag:s2] =	dma.local @!p0 [hbm:s0], s1  }
0xb3: {  	s0 =	simm.s32 @!p0 $0x3  }
0xb4: {  	_ =	swait.ge @!p0 [sflag:s0], s1  }
0xb5: {  	s1 =	ssub.s32 @!p0 $0x0, s1;
	[sflag:s0] =	ssyncset.done @!p0 $0x0  }
0xb6: {  	[sflag:s0] =	ssyncadd.s32 @!p0 s1  }
0xb7: {  	[bflag:$0x3] =	sbarrier.arrive $0xFFFF  }
0xb8: {  	_ =	shalt  }

// kernel: kernel.19.cloned.1.call-start
scs
__scs_entry_jumppad:
0x0: {  	(pc) =	sbr.rel $0x88, $3  }
0x1: {  	(tag) =	ssettag $0x0;
	lr =	simm.s32 $0x1  }
0x2: {  	[smem:$0x3F91] =	sst lr;
	_ =	strace $0xD0000000  }
0x3: {  	_ = 	snop  }
0x4: {  	_ = 	snop  }
0x5: {  	_ = 	snop  }
0x6: {  	_ = 	snop  }
0x7: {  	_ = 	snop  }
__scs_overlays_trampoline_lowered:
0x8: {  	[smem:$0x3FA0] =	sst s0  }
0x9: {  	[smem:$0x3FA1] =	sst s1  }
0xa: {  	[smem:$0x3FA2] =	sst s2  }
0xb: {  	[smem:$0x3FA3] =	sst s3  }
0xc: {  	[smem:$0x3FA4] =	sst s4  }
0xd: {  	[smem:$0x3FA5] =	sst s5  }
0xe: {  	[smem:$0x3FA6] =	sst s6  }
0xf: {  	[smem:$0x3FA7] =	sst s7  }
0x10: {  	[smem:$0x3FA8] =	sst s8  }
0x11: {  	[smem:$0x3FA9] =	sst s9;
	s0 =	simm.s32 @!p0 $0x0  }
0x12: {  	s1 =	sld [smem:$0x3F8F];
	s0 =	simm.s32 @p0 $0x1  }
0x13: {  	[smem:$0x3FAA] =	sst s0;
	s0 =	simm.s32 @!p1 $0x0  }
0x14: {  	s2 =	sld [smem:$0x3F8E];
	s0 =	simm.s32 @p1 $0x1  }
0x15: {  	[smem:$0x3FAB] =	sst s0;
	s0 =	simm.s32 @!p2 $0x0  }
0x16: {  	s3 =	sld [smem:$0x3FDB];
	s0 =	simm.s32 @p2 $0x1  }
0x17: {  	s4 =	simm.s32 $0x1BF5;
	[smem:$0x3FAD] =	sst s0  }
0x18: {  	s0 =	sld [smem:$0x3F90];
	_ =	swait.ge [sflag:s4], $0x0  }
0x19: {  	s7 =	sld [smem:$0x3F91]  }
0x1a: {  	s8 =	sadd.s32 $0xFFFFE003, lr  }
0x1b: {  	s9 =	sadd.s32 $0xFFFFFEF7, lr;
	s5 =	simm.s32 $0xFFFFFFFF;
	p2 =	slt.u32 s8, $0xFFFFF086  }
0x1c: {  	p1 =	slt.u32 s9, $0xF7A;
	s5 =	simm.s32 @!p2 $0x0  }
0x1d: {  	s5 =	simm.s32 @p1 $0x1;
	p0 =	seq.s32 s7, s2  }
0x1e: {  	s7 =	smul.u32 @!p0 $0xF7A, s2;
	p2 =	seq.s32 @!p0 s5, $0x0  }
0x1f: {  	s9 =	smul.u32 $0xF7A, s1;
	s8 =	simm.s32 @!p0 $0x1BF5;
	p2 =	por !p2, p0  }
0x20: {  	[sflag:s8] =	ssyncset.s32 @!p0 $0xFFFFF086;
	s6 =	sadd.s32 @!p0 s3, s7;
	s7 =	simm.s32 @!p0 $0x108  }
0x21: {  	s3 =	sadd.s32 s3, s9;
	s6 =	sadd.s32 @!p0 $0x88, s6;
	s7 =	simm.s32 @p2 $0x1082  }
0x22: {  	[simem:s7], [sflag:s8] =	dma.local @!p0 [hbm:s6], $0xF7A  }
0x23: {  	s9 =	sor.u32 $0xD0000000, s2;
	s6 =	simm.s32 $0x108;
	_ =	swait.ge @!p0 [sflag:s8], $0x0  }
0x24: {  	s3 =	sadd.s32 $0x88, s3;
	s6 =	simm.s32 @!p1 $0x1082;
	[sflag:s4] =	ssyncset.s32 $0xFFFFF086  }
0x25: {  	[simem:s6], [sflag:s4] =	dma.local [hbm:s3], $0xF7A  }
0x26: {  	[smem:$0x3F91] =	sst s1;
	(tag) =	ssettag s2;
	_ =	strace s9  }
0x27: {  	s1 =	sld [smem:$0x3FA1]  }
0x28: {  	s2 =	sld [smem:$0x3FA2]  }
0x29: {  	s4 =	sld [smem:$0x3FA4]  }
0x2a: {  	p0 =	seq.s32 s5, $0x0;
	s5 =	sld [smem:$0x3FA5]  }
0x2b: {  	s6 =	sld [smem:$0x3FA6]  }
0x2c: {  	s7 =	sld [smem:$0x3FA7]  }
0x2d: {  	s3 =	simm.s32 $0x108;
	s8 =	sld [smem:$0x3FA8]  }
0x2e: {  	s3 =	simm.s32 @!p0 $0x1082;
	s9 =	sld [smem:$0x3FA9]  }
0x2f: {  	lr =	sadd.s32 s0, s3;
	s0 =	sld [smem:$0x3FA0]  }
0x30: {  	s3 =	sld [smem:$0x3FA3]  }
0x31: {  	[smem:$0x3FAC] =	sst s10  }
0x32: {  	s10 =	sld [smem:$0x3FAA];
	_ =	sdelay $0x3  }
0x33: {  	p0 =	seq.s32 s10, $0x1;
	s10 =	sld [smem:$0x3FAC];
	_ =	sdelay $0x3  }
0x34: {  	[smem:$0x3FAC] =	sst s10  }
0x35: {  	s10 =	sld [smem:$0x3FAB];
	_ =	sdelay $0x3  }
0x36: {  	p1 =	seq.s32 s10, $0x1;
	s10 =	sld [smem:$0x3FAC];
	_ =	sdelay $0x3  }
0x37: {  	[smem:$0x3FAC] =	sst s10  }
0x38: {  	s10 =	sld [smem:$0x3FAD]  }
0x39: {  	_ = 	snop;
	(pc) =	sbr.ind lr, $3  }
0x3a: {  	_ = 	snop  }
0x3b: {  	_ = 	snop  }
0x3c: {  	p2 =	seq.s32 s10, $0x1;
	s10 =	sld [smem:$0x3FAC]  }
0x3d: {  	_ =	shalt  }
0x3e: {  	_ =	shalt  }
0x3f: {  	_ =	shalt  }
0x40: {  	_ =	shalt  }
0x41: {  	_ =	shalt  }
0x42: {  	_ =	shalt  }
0x43: {  	_ =	shalt  }
0x44: {  	_ =	shalt  }
0x45: {  	_ =	shalt  }
0x46: {  	_ =	shalt  }
0x47: {  	_ =	shalt  }
0x48: {  	_ =	shalt  }
0x49: {  	_ =	shalt  }
0x4a: {  	_ =	shalt  }
0x4b: {  	_ =	shalt  }
0x4c: {  	_ =	shalt  }
0x4d: {  	_ =	shalt  }
0x4e: {  	_ =	shalt  }
0x4f: {  	_ =	shalt  }
0x50: {  	_ =	shalt  }
0x51: {  	_ =	shalt  }
0x52: {  	_ =	shalt  }
0x53: {  	_ =	shalt  }
0x54: {  	_ =	shalt  }
0x55: {  	_ =	shalt  }
0x56: {  	_ =	shalt  }
0x57: {  	_ =	shalt  }
0x58: {  	_ =	shalt  }
0x59: {  	_ =	shalt  }
0x5a: {  	_ =	shalt  }
0x5b: {  	_ =	shalt  }
0x5c: {  	_ =	shalt  }
0x5d: {  	_ =	shalt  }
0x5e: {  	_ =	shalt  }
0x5f: {  	_ =	shalt  }
0x60: {  	_ =	shalt  }
0x61: {  	_ =	shalt  }
0x62: {  	_ =	shalt  }
0x63: {  	_ =	shalt  }
0x64: {  	_ =	shalt  }
0x65: {  	_ =	shalt  }
0x66: {  	_ =	shalt  }
0x67: {  	_ =	shalt  }
0x68: {  	_ =	shalt  }
0x69: {  	_ =	shalt  }
0x6a: {  	_ =	shalt  }
0x6b: {  	_ =	shalt  }
0x6c: {  	_ =	shalt  }
0x6d: {  	_ =	shalt  }
0x6e: {  	_ =	shalt  }
0x6f: {  	_ =	shalt  }
0x70: {  	_ =	shalt  }
0x71: {  	_ =	shalt  }
0x72: {  	_ =	shalt  }
0x73: {  	_ =	shalt  }
0x74: {  	_ =	shalt  }
0x75: {  	_ =	shalt  }
0x76: {  	_ =	shalt  }
0x77: {  	_ =	shalt  }
0x78: {  	_ =	shalt  }
0x79: {  	_ =	shalt  }
0x7a: {  	_ =	shalt  }
0x7b: {  	_ =	shalt  }
0x7c: {  	_ =	shalt  }
0x7d: {  	_ =	shalt  }
0x7e: {  	_ =	shalt  }
0x7f: {  	_ =	shalt  }
0x80: {  	_ =	shalt  }
0x81: {  	_ =	shalt  }
0x82: {  	_ =	shalt  }
0x83: {  	_ =	shalt  }
0x84: {  	_ =	shalt  }
0x85: {  	_ =	shalt  }
0x86: {  	_ =	shalt  }
0x87: {  	_ =	shalt  }
.Lfunc_end0:
.L_simem_size_0:
called_computation.3_lowered:
.L_overlay_start_0:
0x88: {  	s2 =	sld [smem:$0x3FD9]  }
0x89: {  	s3 =	sld [smem:$0x3FFE];
	_ =	sdelay $0x1  }
0x8a: {  	s1 =	srdreg.scid  }
0x8b: {  	s0 =	sand.u32 $0x1, s1  }
0x8c: {  	s17 =	sshll.u32 s0, $0xA;
	s2 =	sadd.s32 s3, s2  }
0x8d: {  	s2 =	sadd.s32 s2, s17  }
0x8e: {  	[smem:$0x3FB8] =	sst s2  }
0x8f: {  	_ = 	snop  }
0x90: {  	s2 =	sld [smem:$0x3FD0];
	(tm) =	ssettm $0x1  }
0x91: {  	s18 =	sld [smem:$0x3FFB];
	_ =	sdelay $0x3  }
0x92: {  	_ =	strace s18  }
0x93: {  	s3 =	sld [smem:$0x3FFC];
	_ =	sdelay $0x3  }
0x94: {  	_ =	strace s3  }
0x95: {  	s3 =	sld [smem:$0x3FFD];
	_ =	sdelay $0x3  }
0x96: {  	_ =	strace s3  }
0x97: {  	_ =	strace $0x8FFFFFFF  }
0x98: {  	s19 =	sld [smem:$0x3FDB];
	_ =	sdelay $0x1  }
0x99: {  	s4 =	simm.s32 $_scs_section_size  }
0x9a: {  	s5 =	simm.s32 $_size__tile_overlayer_lowered;
	s6 =	simm.s32 $_tile_overlayer_lowered  }
0x9b: {  	s22 =	simm.s32 $0x1BFF;
	s21 =	sshll.u32 s6, $0x1;
	s3 =	sadd.s32 s4, s19  }
0x9c: {  	s7 =	simm.s32 $0x0;
	s20 =	sshll.u32 s5, $0x1;
	s5 =	sadd.s32 s21, s3  }
0x9d: {  	[timem:s7], [sflag:s22] =	dma.local [hbm:s5], s20  }
0x9e: {  	_ =	swait.ge [sflag:s22], s20  }
0x9f: {  	s4 =	ssub.s32 $0x0, s20;
	[sflag:s22] =	ssyncset.done $0x0  }
0xa0: {  	[sflag:s22] =	ssyncadd.s32 s4;
	_ =	sdelay $0x1  }
0xa1: {  	s23 =	simm.s32 $0x1B8B  }
0xa2: {  	_ =	swait.ge [sflag:s23], $0x1  }
0xa3: {  	[sflag:s23] =	ssyncset.done $0x0  }
0xa4: {  	s25 =	simm.s32 $0x1B8E;
	s24 =	sld [smem:$0x3FFE];
	[sflag:s23] =	ssyncadd.s32 $0xFFFFFFFF  }
0xa5: {  	s26 =	simm.s32 $execute0_lowered;
	[smem:$0x3FD2] =	sst s25  }
0xa6: {  	s5 =	sshll.u32 s26, $0x1;
	_ =	strace $0x8000004F;
	[dreg:$0x1] =	wrdreg $0xFFFFFFFF  }
0xa7: {  	s28 =	simm.s32 $_size_execute0_lowered;
	s3 =	sadd.s32 s3, s5;
	[dreg:$0x0] =	wrdreg $0x0  }
0xa8: {  	s5 =	sshll.u32 s28, $0x1;
	[dreg:$0x2] =	wrdreg s3  }
0xa9: {  	[dreg:$0x3] =	wrdreg s5  }
0xaa: {  	[dreg:$0x4] =	wrdreg $0xC0  }
0xab: {  	_ =	task [dreg:s7], $0x5FFFF  }
0xac: {  	[dreg:$0x1] =	wrdreg $0xFFFFFFFF  }
0xad: {  	[dreg:$0x0] =	wrdreg $0x60  }
0xae: {  	[dreg:$0x2] =	wrdreg s2  }
0xaf: {  	[dreg:$0x3] =	wrdreg s24  }
0xb0: {  	[dreg:$0x4] =	wrdreg $0x0  }
0xb1: {  	[dreg:$0x5] =	wrdreg $0x9  }
0xb2: {  	_ =	task.clear_ibuf [dreg:s7], $0x6FFFF;
	_ =	strace $0x9000004F  }
0xb3: {  	s29 =	simm.s32 $0x9;
	_ =	strace $0x80000051  }
0xb4: {  	_ =	swait.ge [sflag:s29], $0x1  }
0xb5: {  	[sflag:s29] =	ssyncadd.s32 $0xFFFFFFFF  }
0xb6: {  	_ =	strace $0x90000051  }
0xb7: {  	_ =	sfence  }
0xb8: {  	s30 =	sld [smem:$0x0];
	_ =	sdelay $0x2  }
0xb9: {  	s31 =	sshll.u32 s1, $0xD;
	s1 =	sshrl.u32 s1, $0x2  }
0xba: {  	s3 =	sand.u32 $0x4000, s31;
	s1 =	sadd.s32 s1, s30  }
0xbb: {  	s0 =	sor.u32 s3, s0;
	s1 =	sshll.u32 s1, $0x11  }
0xbc: {  	s0 =	sor.u32 s1, s0  }
0xbd: {  	s0 =	sadd.s32 $0x8F2B, s0  }
0xbe: {  	[sflag:s0] =	ssyncadd.remote.s32 $0x1  }
0xbf: {  	_ =	sfence.sel $0xFFFF  }
0xc0: {  	[dreg:$0x0] =	wrdreg $0xFFFFFFFF;
	(pc) =	sbr.abs _section_cstart, $3  }
0xc1: {  	[dreg:$0x1] =	wrdreg $0xFFFFFFFF  }
0xc2: {  	_ =	task.clear_ibuf [dreg:s7], $0x2FFFF;
	_ =	strace $0x9FFFFFFF  }
0xc3: {  	(tm) =	ssettm $0x7FFFFFFF  }
tec
execute0_lowered:
.L_overlay_start_1:
0x0: {  	(tag) =	ssettag $0x1  }
0x1: {  	s1 =	rddreg [dreg:$0x0]  }
0x2: {  	s6 =	rddreg [dreg:$0x1]  }
0x3: {  	s2 =	rddreg [dreg:$0x2]  }
0x4: {  	s0 =	rddreg [dreg:$0x3]  }
0x5: {  	s3 =	simm.s32 $0x0;
	s4 =	srdreg.scid;
	s12 =	simm.s32 $0x50  }
0x6: {  	s13 =	simm.s32 $0x17C00;
	s14 =	simm.s32 $0x17E00;
	s15 =	simm.s32 $0x17C80  }
0x7: {  	s16 =	simm.s32 $0x1A600;
	s17 =	simm.s32 $0x1;
	s18 =	simm.s32 $0x17D00  }
0x8: {  	s19 =	simm.s32 $0x2;
	s20 =	simm.s32 $0x17D80;
	[smem:$0x7FF] =	sst s3  }
0x9: {  	s7 =	sand.u32 $0x1, s4;
	s5 =	sadd.s32 $0x14E00, s6;
	_ =	strace $0x80000050  }
0xa: {  	s4 =	sshll.u32 s7, $0xB;
	s9 =	smul.u32 $0x27800, s7;
	s7 =	ssub.s32 $0x2, s7  }
0xb: {  	s8 =	sadd.s32 s4, s6;
	s4 =	stileid.u32;
	s26 =	sshrl.u32 s7, $0x1  }
0xc: {  	s10 =	smul.u32 $0x4F000, s4;
	s9 =	sadd.s32 s9, s6;
	s11 =	sshll.u32 s4, $0xC  }
0xd: {  	s7 =	ssub.s32 s7, s26;
	s22 =	smul.u32 $0x2780, s4;
	s31 =	sshll.u32 s4, $0x6  }
0xe: {  	s28 =	sadd.s32 s11, s8;
	s21 =	sadd.s32 $0x17600, s9;
	s7 =	smax.u32 s7, $0x1  }
0xf: {  	s8 =	simm.s32 $0x13C00;
	s9 =	simm.s32 $0x3;
	s29 =	sshrl.u32 s10, $0x2  }
0x10: {  	s6 =	sadd.s32 $0x4E00, s28;
	s10 =	sor.u32 $0x1C03, s31;
	s30 =	sadd.s32 s29, s2  }
0x11: {  	s21 =	sadd.s32 s22, s21;
	s22 =	simm.s32 $0x0;
	s11 =	sshrl.u32 s30, $0x3  }
.LBB2_1:
0x12: {  	[tilespmem:s8], [sflag:$0x3] =	stream.linear.gather [hbm4b:s6+s3], $0x3E80, $0x38;
	[tilespmem:$0x1CE00] =	vst v63  }
0x13: {  	_ =	swait.ge [sflag:s9], $0x3E80  }
0x14: {  	[sflag:s9] =	ssyncset.done $0x0  }
0x15: {  	[sflag:s9] =	ssyncadd.s32 $0xFFFFC180  }
0x16: {  	[spmem:s11], [sflag:s10] =	dma.local [hbm:s5], $0x2780  }
0x17: {  	_ =	swait.ge [sflag:s9], $0x2780  }
0x18: {  	[sflag:s9] =	ssyncset.done $0x0  }
0x19: {  	[sflag:s9] =	ssyncadd.s32 $0xFFFFD880  }
0x1a: {  	[bflag:$0x0] =	sbarrier.arrive $0xFFFF  }
0x1b: {  	v0 =	vld [tilespmem:$0x13C00];
	_ =	sdelay $0x1  }
0x1c: {  	v1 =	vld [tilespmem:$0x13C10];
	_ =	sdelay $0x1  }
0x1d: {  	v2 =	vld [tilespmem:$0x13C20]  }
0x1e: {  	v3 =	vshrl.u32 v0, $0xE  }
0x1f: {  	v0 =	vand.u32 $0x3FFF, v0;
	[tilespmem:$0x17C00] =	vst v3;
	v3 =	vld [tilespmem:$0x13C30]  }
0x20: {  	[tilespmem:$0x17D00] =	vst v0;
	v0 =	vshrl.u32 v1, $0xE  }
0x21: {  	[tilespmem:$0x17C10] =	vst v0;
	v0 =	vand.u32 $0x3FFF, v1;
	v1 =	vld [tilespmem:$0x13C40]  }
0x22: {  	[tilespmem:$0x17D10] =	vst v0;
	v0 =	vshrl.u32 v2, $0xE  }
0x23: {  	[tilespmem:$0x17C20] =	vst v0;
	v0 =	vand.u32 $0x3FFF, v2  }
0x24: {  	[tilespmem:$0x17D20] =	vst v0;
	v0 =	vshrl.u32 v3, $0xE  }
0x25: {  	[tilespmem:$0x17C30] =	vst v0;
	v0 =	vand.u32 $0x3FFF, v3  }
0x26: {  	[tilespmem:$0x17D30] =	vst v0;
	v0 =	vshrl.u32 v1, $0xE  }
0x27: {  	[tilespmem:$0x17C40] =	vst v0;
	v0 =	vand.u32 $0x3FFF, v1  }
0x28: {  	s24 =	simm.s32 $0x0;
	[tilespmem:$0x17D40] =	vst v0  }
0x29: {  	[tilespmem:s14], [sflag:$0x1] =	stream.indirect.gather [hbm4b:s1+s12], $0x80, s13, s12, $0xb8;
	[tilespmem:$0x1CE00] =	vst v63  }
0x2a: {  	v0 =	vld [tilespmem:s24+$0x13C80];
	_ =	sdelay $0x4  }
0x2b: {  	v1 =	vshrl.u32 v0, $0xE  }
0x2c: {  	v0 =	vand.u32 $0x3FFF, v0;
	[tilespmem:$0x17C80] =	vst v1  }
0x2d: {  	[tilespmem:$0x17D80] =	vst v0  }
0x2e: {  	v0 =	vld [tilespmem:s24+$0x13C90];
	_ =	sdelay $0x4  }
0x2f: {  	v1 =	vshrl.u32 v0, $0xE  }
0x30: {  	v0 =	vand.u32 $0x3FFF, v0;
	[tilespmem:$0x17C90] =	vst v1  }
0x31: {  	[tilespmem:$0x17D90] =	vst v0  }
0x32: {  	v0 =	vld [tilespmem:s24+$0x13CA0];
	_ =	sdelay $0x4  }
0x33: {  	v1 =	vshrl.u32 v0, $0xE  }
0x34: {  	v0 =	vand.u32 $0x3FFF, v0;
	[tilespmem:$0x17CA0] =	vst v1  }
0x35: {  	[tilespmem:$0x17DA0] =	vst v0  }
0x36: {  	v0 =	vld [tilespmem:s24+$0x13CB0];
	_ =	sdelay $0x4  }
0x37: {  	v1 =	vshrl.u32 v0, $0xE  }
0x38: {  	v0 =	vand.u32 $0x3FFF, v0;
	[tilespmem:$0x17CB0] =	vst v1  }
0x39: {  	[tilespmem:$0x17DB0] =	vst v0  }
0x3a: {  	v0 =	vld [tilespmem:s24+$0x13CC0];
	_ =	sdelay $0x4  }
0x3b: {  	v1 =	vshrl.u32 v0, $0xE  }
0x3c: {  	v0 =	vand.u32 $0x3FFF, v0;
	[tilespmem:$0x17CC0] =	vst v1  }
0x3d: {  	[tilespmem:$0x17DC0] =	vst v0  }
0x3e: {  	[tilespmem:s16], [sflag:$0x2] =	stream.indirect.gather [hbm4b:s1+s12], $0x80, s15, s12, $0xb8;
	[tilespmem:$0x1CE00] =	vst v63  }
0x3f: {  	_ =	swait.ge [sflag:s17], $0x2800  }
0x40: {  	[sflag:s17] =	ssyncset.done $0x0  }
0x41: {  	[sflag:s17] =	ssyncadd.s32 $0xFFFFD800  }
0x42: {  	[spmem:s2] =	stream.indirect.scatter.add.f32 [tilespmem:s14], [sflag:$0x3], $0x80, s18, s12, $0xb8;
	[tilespmem:$0x1CE00] =	vst v63  }
0x43: {  	_ =	swait.ge [sflag:s9], $0x2800  }
0x44: {  	[sflag:s9] =	ssyncset.done $0x0  }
0x45: {  	[sflag:s9] =	ssyncadd.s32 $0xFFFFD800  }
0x46: {  	v0 =	vld [tilespmem:s24+$0x13D00];
	_ =	sdelay $0x4  }
0x47: {  	v1 =	vshrl.u32 v0, $0xE  }
0x48: {  	v0 =	vand.u32 $0x3FFF, v0;
	[tilespmem:$0x17C00] =	vst v1  }
0x49: {  	[tilespmem:$0x17D00] =	vst v0  }
0x4a: {  	v0 =	vld [tilespmem:s24+$0x13D10];
	_ =	sdelay $0x4  }
0x4b: {  	v1 =	vshrl.u32 v0, $0xE  }
0x4c: {  	v0 =	vand.u32 $0x3FFF, v0;
	[tilespmem:$0x17C10] =	vst v1  }
0x4d: {  	[tilespmem:$0x17D10] =	vst v0  }
0x4e: {  	v0 =	vld [tilespmem:s24+$0x13D20];
	_ =	sdelay $0x4  }
0x4f: {  	v1 =	vshrl.u32 v0, $0xE  }
0x50: {  	v0 =	vand.u32 $0x3FFF, v0;
	[tilespmem:$0x17C20] =	vst v1  }
0x51: {  	[tilespmem:$0x17D20] =	vst v0  }
0x52: {  	v0 =	vld [tilespmem:s24+$0x13D30];
	_ =	sdelay $0x4  }
0x53: {  	v1 =	vshrl.u32 v0, $0xE  }
0x54: {  	v0 =	vand.u32 $0x3FFF, v0;
	[tilespmem:$0x17C30] =	vst v1  }
0x55: {  	[tilespmem:$0x17D30] =	vst v0  }
0x56: {  	s23 =	simm.s32 $0x400;
	v0 =	vld [tilespmem:s24+$0x13D40]  }
.LBB2_2:
0x57: {  	_ =	sdelay $0x3  }
0x58: {  	p0 =	sne.s32 s23, $0xF400;
	s24 =	smov.u32 s23;
	s23 =	sadd.s32 $0x400, s23;
	v1 =	vshrl.u32 v0, $0xE;
	v0 =	vand.u32 $0x3FFF, v0  }
0x59: {  	[tilespmem:$0x17C40] =	vst v1  }
0x5a: {  	[tilespmem:$0x17D40] =	vst v0  }
0x5b: {  	[tilespmem:s14], [sflag:$0x1] =	stream.indirect.gather [hbm4b:s1+s12], $0x80, s13, s12, $0xb8;
	[tilespmem:$0x1CE00] =	vst v63  }
0x5c: {  	_ =	swait.ge [sflag:s19], $0x2800  }
0x5d: {  	[sflag:s19] =	ssyncset.done $0x0  }
0x5e: {  	[sflag:s19] =	ssyncadd.s32 $0xFFFFD800  }
0x5f: {  	[spmem:s2] =	stream.indirect.scatter.add.f32 [tilespmem:s16], [sflag:$0x3], $0x80, s20, s12, $0xb8;
	[tilespmem:$0x1CE00] =	vst v63  }
0x60: {  	_ =	swait.ge [sflag:s9], $0x2800  }
0x61: {  	[sflag:s9] =	ssyncset.done $0x0  }
0x62: {  	s24 =	sshra.s32 s24, $0x2;
	[sflag:s9] =	ssyncadd.s32 $0xFFFFD800  }
0x63: {  	v0 =	vld [tilespmem:s24+$0x13C80];
	_ =	sdelay $0x4  }
0x64: {  	v1 =	vshrl.u32 v0, $0xE;
	v0 =	vand.u32 $0x3FFF, v0  }
0x65: {  	[tilespmem:$0x17C80] =	vst v1  }
0x66: {  	[tilespmem:$0x17D80] =	vst v0  }
0x67: {  	v0 =	vld [tilespmem:s24+$0x13C90];
	_ =	sdelay $0x4  }
0x68: {  	v1 =	vshrl.u32 v0, $0xE;
	v0 =	vand.u32 $0x3FFF, v0  }
0x69: {  	[tilespmem:$0x17C90] =	vst v1  }
0x6a: {  	[tilespmem:$0x17D90] =	vst v0  }
0x6b: {  	v0 =	vld [tilespmem:s24+$0x13CA0];
	_ =	sdelay $0x4  }
0x6c: {  	v1 =	vshrl.u32 v0, $0xE;
	v0 =	vand.u32 $0x3FFF, v0  }
0x6d: {  	[tilespmem:$0x17CA0] =	vst v1  }
0x6e: {  	[tilespmem:$0x17DA0] =	vst v0  }
0x6f: {  	v0 =	vld [tilespmem:s24+$0x13CB0];
	_ =	sdelay $0x4  }
0x70: {  	v1 =	vshrl.u32 v0, $0xE;
	v0 =	vand.u32 $0x3FFF, v0  }
0x71: {  	[tilespmem:$0x17CB0] =	vst v1  }
0x72: {  	[tilespmem:$0x17DB0] =	vst v0  }
0x73: {  	v0 =	vld [tilespmem:s24+$0x13CC0];
	_ =	sdelay $0x4  }
0x74: {  	v1 =	vshrl.u32 v0, $0xE;
	v0 =	vand.u32 $0x3FFF, v0  }
0x75: {  	[tilespmem:$0x17CC0] =	vst v1  }
0x76: {  	[tilespmem:$0x17DC0] =	vst v0  }
0x77: {  	[tilespmem:s16], [sflag:$0x2] =	stream.indirect.gather [hbm4b:s1+s12], $0x80, s15, s12, $0xb8;
	[tilespmem:$0x1CE00] =	vst v63  }
0x78: {  	_ =	swait.ge [sflag:s17], $0x2800  }
0x79: {  	[sflag:s17] =	ssyncset.done $0x0  }
0x7a: {  	[sflag:s17] =	ssyncadd.s32 $0xFFFFD800  }
0x7b: {  	[spmem:s2] =	stream.indirect.scatter.add.f32 [tilespmem:s14], [sflag:$0x3], $0x80, s18, s12, $0xb8;
	[tilespmem:$0x1CE00] =	vst v63  }
0x7c: {  	_ =	swait.ge [sflag:s9], $0x2800  }
0x7d: {  	[sflag:s9] =	ssyncset.done $0x0  }
0x7e: {  	[sflag:s9] =	ssyncadd.s32 $0xFFFFD800  }
0x7f: {  	v0 =	vld [tilespmem:s24+$0x13D00];
	_ =	sdelay $0x4  }
0x80: {  	v1 =	vshrl.u32 v0, $0xE;
	v0 =	vand.u32 $0x3FFF, v0  }
0x81: {  	[tilespmem:$0x17C00] =	vst v1  }
0x82: {  	[tilespmem:$0x17D00] =	vst v0  }
0x83: {  	v0 =	vld [tilespmem:s24+$0x13D10];
	_ =	sdelay $0x4  }
0x84: {  	v1 =	vshrl.u32 v0, $0xE;
	v0 =	vand.u32 $0x3FFF, v0  }
0x85: {  	[tilespmem:$0x17C10] =	vst v1  }
0x86: {  	[tilespmem:$0x17D10] =	vst v0  }
0x87: {  	v0 =	vld [tilespmem:s24+$0x13D20];
	_ =	sdelay $0x4  }
0x88: {  	v1 =	vshrl.u32 v0, $0xE;
	v0 =	vand.u32 $0x3FFF, v0  }
0x89: {  	[tilespmem:$0x17C20] =	vst v1  }
0x8a: {  	[tilespmem:$0x17D20] =	vst v0  }
0x8b: {  	v0 =	vld [tilespmem:s24+$0x13D30];
	_ =	sdelay $0x3  }
.Ltmp0:
0x8c: {  	(pc) =	sbr.rel @p0 .LBB2_2-.Ltmp0, $4  }
0x8d: {  	v1 =	vshrl.u32 v0, $0xE;
	v0 =	vand.u32 $0x3FFF, v0  }
0x8e: {  	[tilespmem:$0x17C30] =	vst v1  }
0x8f: {  	[tilespmem:$0x17D30] =	vst v0  }
0x90: {  	v0 =	vld [tilespmem:s24+$0x13D40]  }
0x91: {  	_ =	sdelay $0x3  }
0x92: {  	v1 =	vshrl.u32 v0, $0xE  }
0x93: {  	v63 =	vand.u32 $0x3FFF, v0;
	[tilespmem:$0x17C40] =	vst v1  }
0x94: {  	[tilespmem:$0x17D40] =	vst v63  }
0x95: {  	[tilespmem:s14], [sflag:$0x1] =	stream.indirect.gather [hbm4b:s1+s12], $0x80, s13, s12, $0xb8;
	[tilespmem:$0x1CE00] =	vst v63  }
0x96: {  	_ =	swait.ge [sflag:s19], $0x2800  }
0x97: {  	[sflag:s19] =	ssyncset.done $0x0  }
0x98: {  	[sflag:s19] =	ssyncadd.s32 $0xFFFFD800  }
0x99: {  	[spmem:s2] =	stream.indirect.scatter.add.f32 [tilespmem:s16], [sflag:$0x3], $0x80, s20, s12, $0xb8;
	[tilespmem:$0x1CE00] =	vst v63  }
0x9a: {  	_ =	swait.ge [sflag:s9], $0x2800  }
0x9b: {  	[sflag:s9] =	ssyncset.done $0x0  }
0x9c: {  	[sflag:s9] =	ssyncadd.s32 $0xFFFFD800  }
0x9d: {  	_ =	swait.ge [sflag:s17], $0x2800  }
0x9e: {  	[sflag:s17] =	ssyncset.done $0x0  }
0x9f: {  	[sflag:s17] =	ssyncadd.s32 $0xFFFFD800  }
0xa0: {  	[spmem:s2] =	stream.indirect.scatter.add.f32 [tilespmem:s14], [sflag:$0x3], $0x80, s18, s12, $0xb8;
	[tilespmem:$0x1CE00] =	vst v63  }
0xa1: {  	_ =	swait.ge [sflag:s9], $0x2800  }
0xa2: {  	s22 =	sadd.s32 $0x1, s22;
	[sflag:s9] =	ssyncset.done $0x0  }
0xa3: {  	p0 =	sne.s32 s22, s7;
	[sflag:s9] =	ssyncadd.s32 $0xFFFFD800  }
.Ltmp1:
0xa4: {  	[bflag:$0x0] =	sbarrier.arrive $0xFFFF;
	(pc) =	sbr.rel @p0 .LBB2_1-.Ltmp1, $4  }
0xa5: {  	[hbm:s21], [sflag:s10] =	dma.local [spmem:s11], $0x2780  }
0xa6: {  	_ =	swait.ge [sflag:s9], $0x2780  }
0xa7: {  	[sflag:s9] =	ssyncset.done $0x0  }
0xa8: {  	[sflag:s9] =	ssyncadd.s32 $0xFFFFD880  }
0xa9: {  	_ =	sfence.sel $0x180000  }
0xaa: {  	[bflag:$0x0] =	sbarrier.arrive $0xFFFF  }
0xab: {  	p0 =	sne.s32 s4, $0x0;
	_ =	strace $0x90000050  }
0xac: {  	s0 =	sadd.s32 @!p0 $0x100000, s0;
	[bflag:$0x2] =	sbarrier.arrive $0xFFFF  }
0xad: {  	[sflag:s0] =	ssyncadd.tile.s32 @!p0 $0x1;
	_ =	shalt  }
.Lfunc_end2:
_tile_overlayer_lowered:
.L_overlay_start_2:
0xae: {  	(tag) =	ssettag $0x2  }
0xaf: {  	s0 =	rddreg [dreg:$0x0];
	s2 =	stileid.u32  }
0xb0: {  	s1 =	rddreg [dreg:$0x1];
	p0 =	sne.s32 s2, $0x0  }
0xb1: {  	s3 =	rddreg [dreg:$0x2];
	[bflag:$0x3] =	sbarrier.arrive $0xFFFF;
	s2 =	simm.s32 @!p0 $0x1C03  }
0xb2: {  	[timem:s3], [sflag:s2] =	dma.local @!p0 [hbm:s0], s1  }
0xb3: {  	s0 =	simm.s32 @!p0 $0x3  }
0xb4: {  	_ =	swait.ge @!p0 [sflag:s0], s1  }
0xb5: {  	s1 =	ssub.s32 @!p0 $0x0, s1;
	[sflag:s0] =	ssyncset.done @!p0 $0x0  }
0xb6: {  	[sflag:s0] =	ssyncadd.s32 @!p0 s1  }
0xb7: {  	[bflag:$0x3] =	sbarrier.arrive $0xFFFF  }
0xb8: {  	_ =	shalt  }

</sc_bundles>
